<compile_context>
chip_gen: v7x
topology: tpu7x:2x2x1
jax: 0.10.2.dev20260603
libtpu: 0.0.44.dev20260713+nightly
codegen_flags: <defaults>
</compile_context>

<pallas_src>
import functools

import jax
import jax.numpy as jnp
from jax import lax
from jax.experimental import pallas as pl
from jax.experimental.pallas import tpu as pltpu
from jax.experimental.pallas import tpu_sc as plsc

BATCH = 4096
SEQ = 200
NNUC = 4
DIM = 128

NW = 32
ROWS = BATCH * SEQ
RPW = ROWS // NW
UNIT = 128
NUNITS = RPW // UNIT
NRING = 4
LANES = 16


def _comb_body(nuc_ref, pos_ref, out_ref):
    pos = pos_ref[...]
    for n in range(NNUC):
        out_ref[:, n, :] = pos + nuc_ref[n, :]


def _build_comb(nucleo_emb, pos_emb):
    comb = pl.pallas_call(
        _comb_body,
        out_shape=jax.ShapeDtypeStruct((SEQ, NNUC, DIM), jnp.float32),
    )(nucleo_emb, pos_emb)
    return comb.reshape(SEQ * NNUC, DIM)


def _sc_body(x_hbm, comb_hbm, out_hbm, comb_sh, x_v,
             r0, r1, r2, r3, sg0, sg1, sg2, sg3, ss0, ss1, ss2, ss3):
    rings = (r0, r1, r2, r3)
    gsems = (sg0, sg1, sg2, sg3)
    ssems = (ss0, ss1, ss2, ss3)

    wid = lax.axis_index("s") * 2 + lax.axis_index("c")
    base0 = wid * RPW
    lane = lax.iota(jnp.int32, LANES)

    pltpu.sync_copy(x_hbm.at[pl.ds(base0, RPW)], x_v)

    @pl.when(lax.axis_index("s") == 0)
    def _stage():
        pltpu.sync_copy(comb_hbm, comb_sh)

    plsc.subcore_barrier()

    def compute_idx(k):
        for g in range(UNIT // LANES):
            off = k * UNIT + g * LANES
            r = (base0 + off) + lane
            x_v[pl.ds(off, LANES)] = (r % SEQ) * 4 + x_v[pl.ds(off, LANES)]

    def start_gather(k, u):
        compute_idx(k)
        pltpu.async_copy(
            comb_sh.at[x_v.at[pl.ds(k * UNIT, UNIT)]], rings[u], gsems[u]
        )

    def start_scatter(k, u):
        pltpu.async_copy(
            rings[u], out_hbm.at[pl.ds(base0 + k * UNIT, UNIT)], ssems[u]
        )

    def wait_gather(u):
        pltpu.make_async_copy(comb_hbm.at[pl.ds(0, UNIT)], rings[u],
                              gsems[u]).wait()

    def wait_scatter(u):
        pltpu.make_async_copy(rings[u], out_hbm.at[pl.ds(0, UNIT)],
                              ssems[u]).wait()

    for u in range(NRING):
        start_gather(u, u)

    def body(j, carry):
        k = j * NRING
        for u in range(NRING):
            wait_gather(u)
            start_scatter(k + u, u)
        for u in range(NRING):
            wait_scatter(u)
            start_gather(k + NRING + u, u)
        return carry

    lax.fori_loop(0, NUNITS // NRING - 1, body, 0)

    for u in range(NRING):
        wait_gather(u)
        start_scatter(NUNITS - NRING + u, u)
    for u in range(NRING):
        wait_scatter(u)


def kernel(X, nucleo_emb, pos_emb):
    comb = _build_comb(nucleo_emb, pos_emb)
    x_flat = X.reshape(ROWS)

    mesh = plsc.VectorSubcoreMesh(core_axis_name="c", subcore_axis_name="s")
    sc_embed = functools.partial(
        pl.kernel,
        mesh=mesh,
        out_type=jax.ShapeDtypeStruct((ROWS, DIM), jnp.float32),
        scratch_types=[
            pltpu.VMEM_SHARED((SEQ * NNUC, DIM), jnp.float32),
            pltpu.VMEM((RPW,), jnp.int32),
            pltpu.VMEM((UNIT, DIM), jnp.float32),
            pltpu.VMEM((UNIT, DIM), jnp.float32),
            pltpu.VMEM((UNIT, DIM), jnp.float32),
            pltpu.VMEM((UNIT, DIM), jnp.float32),
            pltpu.SemaphoreType.DMA,
            pltpu.SemaphoreType.DMA,
            pltpu.SemaphoreType.DMA,
            pltpu.SemaphoreType.DMA,
            pltpu.SemaphoreType.DMA,
            pltpu.SemaphoreType.DMA,
            pltpu.SemaphoreType.DMA,
            pltpu.SemaphoreType.DMA,
        ],
    )(_sc_body)

    out = sc_embed(x_flat, comb)
    return out.reshape(BATCH, SEQ, DIM)

# --- scband reference (transcript-rebuilt; emitter-appended) ---
"""Pipeline reference for scband-nucleo-pos-embedder-75763223102078 (READ-ONLY COPY).

The authoritative reference and input builder live on the scoring server;
editing this copy changes nothing except your own understanding.
"""

import jax, jax.numpy as jnp
import numpy as np

BATCH = 4096
SEQ_LEN = 200
NUM_NUCLEOTIDES = 4
EMBED_DIM = 128


def setup_inputs(seed: int = 0) -> dict:
    key = jax.random.key(seed)
    k1, k2, k3 = jax.random.split(key, 3)
    X = jax.random.randint(k1, (BATCH, SEQ_LEN), 0, NUM_NUCLEOTIDES, dtype=jnp.int32)
    nucleo_emb = jax.random.normal(k2, (NUM_NUCLEOTIDES, EMBED_DIM), dtype=jnp.float32)
    pos_emb = jax.random.normal(k3, (SEQ_LEN, EMBED_DIM), dtype=jnp.float32)
    return {"X": X, "nucleo_emb": nucleo_emb, "pos_emb": pos_emb}


def reference(X, nucleo_emb, pos_emb):
    # nucleotide embedding lookup: (B, L) -> (B, L, D)
    X_emb = jnp.take(nucleo_emb, X, axis=0)
    bsize, seqlen, featdim = X_emb.shape
    positions = jnp.arange(seqlen)
    positions_emb = jnp.take(pos_emb, positions, axis=0)[None, :, :]
    # broadcast-add position embeddings (equivalent to expand + add)
    X_embpos = X_emb + positions_emb
    return X_embpos

if __name__ == "__main__":
    import jax
    _d = setup_inputs()
    print(jax.jit(kernel)(*tuple(_d.values())))

</pallas_src>

<mosaic_0001>
#map = affine_map<(d0, d1) -> (0)>
#map1 = affine_map<(d0, d1) -> (0, 0)>
module attributes {stable_mosaic.version = 14 : i64} {
  func.func @_sc_body(%arg0: i32, %arg1: i32, %arg2: memref<819200xi32, #tpu.memory_space<hbm>>, %arg3: memref<800x128xf32, #tpu.memory_space<hbm>>, %arg4: memref<819200x128xf32, #tpu.memory_space<hbm>>, %arg5: memref<800x128xf32, #tpu.memory_space<vmem_shared>>, %arg6: memref<25600xi32, #tpu.memory_space<vmem>>, %arg7: memref<128x128xf32, #tpu.memory_space<vmem>>, %arg8: memref<128x128xf32, #tpu.memory_space<vmem>>, %arg9: memref<128x128xf32, #tpu.memory_space<vmem>>, %arg10: memref<128x128xf32, #tpu.memory_space<vmem>>, %arg11: memref<!tpu.dma_semaphore, #tpu.memory_space<semaphore_mem>>, %arg12: memref<!tpu.dma_semaphore, #tpu.memory_space<semaphore_mem>>, %arg13: memref<!tpu.dma_semaphore, #tpu.memory_space<semaphore_mem>>, %arg14: memref<!tpu.dma_semaphore, #tpu.memory_space<semaphore_mem>>, %arg15: memref<!tpu.dma_semaphore, #tpu.memory_space<semaphore_mem>>, %arg16: memref<!tpu.dma_semaphore, #tpu.memory_space<semaphore_mem>>, %arg17: memref<!tpu.dma_semaphore, #tpu.memory_space<semaphore_mem>>, %arg18: memref<!tpu.dma_semaphore, #tpu.memory_space<semaphore_mem>>) attributes {dimension_semantics = [#tpu.dimension_semantics<core_parallel>, #tpu.dimension_semantics<subcore_parallel>], iteration_bounds = array<i64: 2, 16>, scalar_prefetch = 0 : i64, scratch_operands = 14 : i64, tpu.core_type = #tpu.core_type<sc_vector_subcore>, window_params = [{transform_indices = #map}, {transform_indices = #map1}, {transform_indices = #map1}]} {
    %mul3A = arith.constant 2 : i32
    %mul3A_0 = arith.muli %arg1, %mul3A : i32
    %add3A = arith.addi %mul3A_0, %arg0 : i32
    %mul3A_1 = arith.constant 25600 : i32
    %mul3A_2 = arith.muli %add3A, %mul3A_1 : i32
    %iota3A = tpu.iota {dimensions = array<i32: 0>} : vector<16xi32>
    "tpu.region"() ({
      %run_scoped3A = tpu.sem_alloc : memref<!tpu.dma_semaphore, #tpu.memory_space<semaphore_mem>>
      %dma_start3A_1276 = tpu.memref_slice %arg2[%mul3A_2] : memref<819200xi32, #tpu.memory_space<hbm>> -> memref<25600xi32, #tpu.memory_space<hbm>>
      %dma_start3A_1277 = tpu.memref_slice %arg2[%mul3A_2] : memref<819200xi32, #tpu.memory_space<hbm>> -> memref<25600xi32, #tpu.memory_space<hbm>>
      tpu.enqueue_dma source(%dma_start3A_1277 : memref<25600xi32, #tpu.memory_space<hbm>>) target(%arg6 : memref<25600xi32, #tpu.memory_space<vmem>>) target_semaphore(%run_scoped3A : memref<!tpu.dma_semaphore, #tpu.memory_space<semaphore_mem>>)
      %dma_wait3A_1278 = tpu.memref_slice %arg2[%mul3A_2] : memref<819200xi32, #tpu.memory_space<hbm>> -> memref<25600xi32, #tpu.memory_space<hbm>>
      %dma_wait3A_1279 = tpu.memref_slice %arg2[%mul3A_2] : memref<819200xi32, #tpu.memory_space<hbm>> -> memref<25600xi32, #tpu.memory_space<hbm>>
      tpu.wait_dma2 semaphore(%run_scoped3A : memref<!tpu.dma_semaphore, #tpu.memory_space<semaphore_mem>>) src(%dma_wait3A_1279 : memref<25600xi32, #tpu.memory_space<hbm>>) dst(%arg6 : memref<25600xi32, #tpu.memory_space<vmem>>)
      tpu.yield
    }) : () -> ()
    %eq3A = arith.constant 0 : i32
    %eq3A_3 = arith.cmpi eq, %arg1, %eq3A : i32
    %convert_element_type3A = arith.extui %eq3A_3 : i1 to i32
    %cond3A = arith.constant 0 : i32
    %cond3A_4 = arith.cmpi ne, %convert_element_type3A, %cond3A : i32
    scf.if %cond3A_4 {
      "tpu.region"() ({
        %run_scoped3A = tpu.sem_alloc : memref<!tpu.dma_semaphore, #tpu.memory_space<semaphore_mem>>
        tpu.enqueue_dma source(%arg3 : memref<800x128xf32, #tpu.memory_space<hbm>>) target(%arg5 : memref<800x128xf32, #tpu.memory_space<vmem_shared>>) target_semaphore(%run_scoped3A : memref<!tpu.dma_semaphore, #tpu.memory_space<semaphore_mem>>)
        tpu.wait_dma2 semaphore(%run_scoped3A : memref<!tpu.dma_semaphore, #tpu.memory_space<semaphore_mem>>) src(%arg3 : memref<800x128xf32, #tpu.memory_space<hbm>>) dst(%arg5 : memref<800x128xf32, #tpu.memory_space<vmem_shared>>)
        tpu.yield
      }) : () -> ()
    } else {
    }
    %barrier3A = arith.constant 0 : index
    tpu.barrier barrier_id(%barrier3A)
    %add3A_5 = arith.constant 0 : i32
    %add3A_6 = arith.addi %mul3A_2, %add3A_5 : i32
    %add3A_7 = vector.broadcast %add3A_6 : i32 to vector<16xi32>
    %add3A_8 = arith.addi %add3A_7, %iota3A : vector<16xi32>
    %jit3A = arith.constant 200 : i32
    %eq3A_9 = arith.constant 0 : i32
    %eq3A_10 = arith.cmpi eq, %jit3A, %eq3A_9 : i32
    %jit3A_11 = arith.constant 1 : i32
    %select_n3A = arith.select %eq3A_10, %jit3A_11, %jit3A : i32
    %rem3A = vector.broadcast %select_n3A : i32 to vector<16xi32>
    %rem3A_12 = arith.remsi %add3A_8, %rem3A : vector<16xi32>
    %ne3A = arith.constant 0 : i32
    %ne3A_13 = vector.broadcast %ne3A : i32 to vector<16xi32>
    %ne3A_14 = arith.cmpi ne, %rem3A_12, %ne3A_13 : vector<16xi32>
    %lt3A = arith.constant 0 : i32
    %lt3A_15 = vector.broadcast %lt3A : i32 to vector<16xi32>
    %lt3A_16 = arith.cmpi slt, %rem3A_12, %lt3A_15 : vector<16xi32>
    %lt3A_17 = arith.constant 0 : i32
    %lt3A_18 = arith.cmpi slt, %select_n3A, %lt3A_17 : i32
    %ne3A_19 = vector.broadcast %lt3A_18 : i1 to vector<16xi1>
    %ne3A_20 = vector.broadcast %ne3A_19 : vector<16xi1> to vector<16xi1>
    %ne3A_21 = arith.xori %lt3A_16, %ne3A_20 : vector<16xi1>
    %and3A = arith.andi %ne3A_21, %ne3A_14 : vector<16xi1>
    %add3A_22 = vector.broadcast %select_n3A : i32 to vector<16xi32>
    %add3A_23 = arith.addi %rem3A_12, %add3A_22 : vector<16xi32>
    %select_n3A_24 = arith.select %and3A, %add3A_23, %rem3A_12 : vector<16xi1>, vector<16xi32>
    %mul3A_25 = arith.constant 4 : i32
    %mul3A_26 = vector.broadcast %mul3A_25 : i32 to vector<16xi32>
    %mul3A_27 = arith.muli %select_n3A_24, %mul3A_26 : vector<16xi32>
    %get3A = arith.constant 0 : index
    %get3A_28 = tpu.vector_load %arg6[%get3A] {strides = array<i32>} : memref<25600xi32, #tpu.memory_space<vmem>>, vector<16xi32>,
    %get3A_29 = vector.shape_cast %get3A_28 : vector<16xi32> to vector<16xi32>
    %add3A_30 = arith.addi %mul3A_27, %get3A_29 : vector<16xi32>
    %swap3A = arith.constant 0 : index
    %swap3A_31 = tpu.vector_load %arg6[%swap3A] {strides = array<i32>} : memref<25600xi32, #tpu.memory_space<vmem>>, vector<16xi32>,
    %swap3A_32 = vector.shape_cast %swap3A_31 : vector<16xi32> to vector<16xi32>
    %swap3A_33 = vector.shape_cast %add3A_30 : vector<16xi32> to vector<16xi32>
    tpu.vector_store %arg6[%swap3A], %swap3A_33 {strides = array<i32>} : memref<25600xi32, #tpu.memory_space<vmem>>, vector<16xi32>,
    %add3A_34 = arith.constant 16 : i32
    %add3A_35 = arith.addi %mul3A_2, %add3A_34 : i32
    %add3A_36 = vector.broadcast %add3A_35 : i32 to vector<16xi32>
    %add3A_37 = arith.addi %add3A_36, %iota3A : vector<16xi32>
    %jit3A_38 = arith.constant 200 : i32
    %eq3A_39 = arith.constant 0 : i32
    %eq3A_40 = arith.cmpi eq, %jit3A_38, %eq3A_39 : i32
    %jit3A_41 = arith.constant 1 : i32
    %select_n3A_42 = arith.select %eq3A_40, %jit3A_41, %jit3A_38 : i32
    %rem3A_43 = vector.broadcast %select_n3A_42 : i32 to vector<16xi32>
    %rem3A_44 = arith.remsi %add3A_37, %rem3A_43 : vector<16xi32>
    %ne3A_45 = arith.constant 0 : i32
    %ne3A_46 = vector.broadcast %ne3A_45 : i32 to vector<16xi32>
    %ne3A_47 = arith.cmpi ne, %rem3A_44, %ne3A_46 : vector<16xi32>
    %lt3A_48 = arith.constant 0 : i32
    %lt3A_49 = vector.broadcast %lt3A_48 : i32 to vector<16xi32>
    %lt3A_50 = arith.cmpi slt, %rem3A_44, %lt3A_49 : vector<16xi32>
    %lt3A_51 = arith.constant 0 : i32
    %lt3A_52 = arith.cmpi slt, %select_n3A_42, %lt3A_51 : i32
    %ne3A_53 = vector.broadcast %lt3A_52 : i1 to vector<16xi1>
    %ne3A_54 = vector.broadcast %ne3A_53 : vector<16xi1> to vector<16xi1>
    %ne3A_55 = arith.xori %lt3A_50, %ne3A_54 : vector<16xi1>
    %and3A_56 = arith.andi %ne3A_55, %ne3A_47 : vector<16xi1>
    %add3A_57 = vector.broadcast %select_n3A_42 : i32 to vector<16xi32>
    %add3A_58 = arith.addi %rem3A_44, %add3A_57 : vector<16xi32>
    %select_n3A_59 = arith.select %and3A_56, %add3A_58, %rem3A_44 : vector<16xi1>, vector<16xi32>
    %mul3A_60 = arith.constant 4 : i32
    %mul3A_61 = vector.broadcast %mul3A_60 : i32 to vector<16xi32>
    %mul3A_62 = arith.muli %select_n3A_59, %mul3A_61 : vector<16xi32>
    %get3A_63 = arith.constant 16 : index
    %get3A_64 = tpu.vector_load %arg6[%get3A_63] {strides = array<i32>} : memref<25600xi32, #tpu.memory_space<vmem>>, vector<16xi32>,
    %get3A_65 = vector.shape_cast %get3A_64 : vector<16xi32> to vector<16xi32>
    %add3A_66 = arith.addi %mul3A_62, %get3A_65 : vector<16xi32>
    %swap3A_67 = arith.constant 16 : index
    %swap3A_68 = tpu.vector_load %arg6[%swap3A_67] {strides = array<i32>} : memref<25600xi32, #tpu.memory_space<vmem>>, vector<16xi32>,
    %swap3A_69 = vector.shape_cast %swap3A_68 : vector<16xi32> to vector<16xi32>
    %swap3A_70 = vector.shape_cast %add3A_66 : vector<16xi32> to vector<16xi32>
    tpu.vector_store %arg6[%swap3A_67], %swap3A_70 {strides = array<i32>} : memref<25600xi32, #tpu.memory_space<vmem>>, vector<16xi32>,
    %add3A_71 = arith.constant 32 : i32
    %add3A_72 = arith.addi %mul3A_2, %add3A_71 : i32
    %add3A_73 = vector.broadcast %add3A_72 : i32 to vector<16xi32>
    %add3A_74 = arith.addi %add3A_73, %iota3A : vector<16xi32>
    %jit3A_75 = arith.constant 200 : i32
    %eq3A_76 = arith.constant 0 : i32
    %eq3A_77 = arith.cmpi eq, %jit3A_75, %eq3A_76 : i32
    %jit3A_78 = arith.constant 1 : i32
    %select_n3A_79 = arith.select %eq3A_77, %jit3A_78, %jit3A_75 : i32
    %rem3A_80 = vector.broadcast %select_n3A_79 : i32 to vector<16xi32>
    %rem3A_81 = arith.remsi %add3A_74, %rem3A_80 : vector<16xi32>
    %ne3A_82 = arith.constant 0 : i32
    %ne3A_83 = vector.broadcast %ne3A_82 : i32 to vector<16xi32>
    %ne3A_84 = arith.cmpi ne, %rem3A_81, %ne3A_83 : vector<16xi32>
    %lt3A_85 = arith.constant 0 : i32
    %lt3A_86 = vector.broadcast %lt3A_85 : i32 to vector<16xi32>
    %lt3A_87 = arith.cmpi slt, %rem3A_81, %lt3A_86 : vector<16xi32>
    %lt3A_88 = arith.constant 0 : i32
    %lt3A_89 = arith.cmpi slt, %select_n3A_79, %lt3A_88 : i32
    %ne3A_90 = vector.broadcast %lt3A_89 : i1 to vector<16xi1>
    %ne3A_91 = vector.broadcast %ne3A_90 : vector<16xi1> to vector<16xi1>
    %ne3A_92 = arith.xori %lt3A_87, %ne3A_91 : vector<16xi1>
    %and3A_93 = arith.andi %ne3A_92, %ne3A_84 : vector<16xi1>
    %add3A_94 = vector.broadcast %select_n3A_79 : i32 to vector<16xi32>
    %add3A_95 = arith.addi %rem3A_81, %add3A_94 : vector<16xi32>
    %select_n3A_96 = arith.select %and3A_93, %add3A_95, %rem3A_81 : vector<16xi1>, vector<16xi32>
    %mul3A_97 = arith.constant 4 : i32
    %mul3A_98 = vector.broadcast %mul3A_97 : i32 to vector<16xi32>
    %mul3A_99 = arith.muli %select_n3A_96, %mul3A_98 : vector<16xi32>
    %get3A_100 = arith.constant 32 : index
    %get3A_101 = tpu.vector_load %arg6[%get3A_100] {strides = array<i32>} : memref<25600xi32, #tpu.memory_space<vmem>>, vector<16xi32>,
    %get3A_102 = vector.shape_cast %get3A_101 : vector<16xi32> to vector<16xi32>
    %add3A_103 = arith.addi %mul3A_99, %get3A_102 : vector<16xi32>
    %swap3A_104 = arith.constant 32 : index
    %swap3A_105 = tpu.vector_load %arg6[%swap3A_104] {strides = array<i32>} : memref<25600xi32, #tpu.memory_space<vmem>>, vector<16xi32>,
    %swap3A_106 = vector.shape_cast %swap3A_105 : vector<16xi32> to vector<16xi32>
    %swap3A_107 = vector.shape_cast %add3A_103 : vector<16xi32> to vector<16xi32>
    tpu.vector_store %arg6[%swap3A_104], %swap3A_107 {strides = array<i32>} : memref<25600xi32, #tpu.memory_space<vmem>>, vector<16xi32>,
    %add3A_108 = arith.constant 48 : i32
    %add3A_109 = arith.addi %mul3A_2, %add3A_108 : i32
    %add3A_110 = vector.broadcast %add3A_109 : i32 to vector<16xi32>
    %add3A_111 = arith.addi %add3A_110, %iota3A : vector<16xi32>
    %jit3A_112 = arith.constant 200 : i32
    %eq3A_113 = arith.constant 0 : i32
    %eq3A_114 = arith.cmpi eq, %jit3A_112, %eq3A_113 : i32
    %jit3A_115 = arith.constant 1 : i32
    %select_n3A_116 = arith.select %eq3A_114, %jit3A_115, %jit3A_112 : i32
    %rem3A_117 = vector.broadcast %select_n3A_116 : i32 to vector<16xi32>
    %rem3A_118 = arith.remsi %add3A_111, %rem3A_117 : vector<16xi32>
    %ne3A_119 = arith.constant 0 : i32
    %ne3A_120 = vector.broadcast %ne3A_119 : i32 to vector<16xi32>
    %ne3A_121 = arith.cmpi ne, %rem3A_118, %ne3A_120 : vector<16xi32>
    %lt3A_122 = arith.constant 0 : i32
    %lt3A_123 = vector.broadcast %lt3A_122 : i32 to vector<16xi32>
    %lt3A_124 = arith.cmpi slt, %rem3A_118, %lt3A_123 : vector<16xi32>
    %lt3A_125 = arith.constant 0 : i32
    %lt3A_126 = arith.cmpi slt, %select_n3A_116, %lt3A_125 : i32
    %ne3A_127 = vector.broadcast %lt3A_126 : i1 to vector<16xi1>
    %ne3A_128 = vector.broadcast %ne3A_127 : vector<16xi1> to vector<16xi1>
    %ne3A_129 = arith.xori %lt3A_124, %ne3A_128 : vector<16xi1>
    %and3A_130 = arith.andi %ne3A_129, %ne3A_121 : vector<16xi1>
    %add3A_131 = vector.broadcast %select_n3A_116 : i32 to vector<16xi32>
    %add3A_132 = arith.addi %rem3A_118, %add3A_131 : vector<16xi32>
    %select_n3A_133 = arith.select %and3A_130, %add3A_132, %rem3A_118 : vector<16xi1>, vector<16xi32>
    %mul3A_134 = arith.constant 4 : i32
    %mul3A_135 = vector.broadcast %mul3A_134 : i32 to vector<16xi32>
    %mul3A_136 = arith.muli %select_n3A_133, %mul3A_135 : vector<16xi32>
    %get3A_137 = arith.constant 48 : index
    %get3A_138 = tpu.vector_load %arg6[%get3A_137] {strides = array<i32>} : memref<25600xi32, #tpu.memory_space<vmem>>, vector<16xi32>,
    %get3A_139 = vector.shape_cast %get3A_138 : vector<16xi32> to vector<16xi32>
    %add3A_140 = arith.addi %mul3A_136, %get3A_139 : vector<16xi32>
    %swap3A_141 = arith.constant 48 : index
    %swap3A_142 = tpu.vector_load %arg6[%swap3A_141] {strides = array<i32>} : memref<25600xi32, #tpu.memory_space<vmem>>, vector<16xi32>,
    %swap3A_143 = vector.shape_cast %swap3A_142 : vector<16xi32> to vector<16xi32>
    %swap3A_144 = vector.shape_cast %add3A_140 : vector<16xi32> to vector<16xi32>
    tpu.vector_store %arg6[%swap3A_141], %swap3A_144 {strides = array<i32>} : memref<25600xi32, #tpu.memory_space<vmem>>, vector<16xi32>,
    %add3A_145 = arith.constant 64 : i32
    %add3A_146 = arith.addi %mul3A_2, %add3A_145 : i32
    %add3A_147 = vector.broadcast %add3A_146 : i32 to vector<16xi32>
    %add3A_148 = arith.addi %add3A_147, %iota3A : vector<16xi32>
    %jit3A_149 = arith.constant 200 : i32
    %eq3A_150 = arith.constant 0 : i32
    %eq3A_151 = arith.cmpi eq, %jit3A_149, %eq3A_150 : i32
    %jit3A_152 = arith.constant 1 : i32
    %select_n3A_153 = arith.select %eq3A_151, %jit3A_152, %jit3A_149 : i32
    %rem3A_154 = vector.broadcast %select_n3A_153 : i32 to vector<16xi32>
    %rem3A_155 = arith.remsi %add3A_148, %rem3A_154 : vector<16xi32>
    %ne3A_156 = arith.constant 0 : i32
    %ne3A_157 = vector.broadcast %ne3A_156 : i32 to vector<16xi32>
    %ne3A_158 = arith.cmpi ne, %rem3A_155, %ne3A_157 : vector<16xi32>
    %lt3A_159 = arith.constant 0 : i32
    %lt3A_160 = vector.broadcast %lt3A_159 : i32 to vector<16xi32>
    %lt3A_161 = arith.cmpi slt, %rem3A_155, %lt3A_160 : vector<16xi32>
    %lt3A_162 = arith.constant 0 : i32
    %lt3A_163 = arith.cmpi slt, %select_n3A_153, %lt3A_162 : i32
    %ne3A_164 = vector.broadcast %lt3A_163 : i1 to vector<16xi1>
    %ne3A_165 = vector.broadcast %ne3A_164 : vector<16xi1> to vector<16xi1>
    %ne3A_166 = arith.xori %lt3A_161, %ne3A_165 : vector<16xi1>
    %and3A_167 = arith.andi %ne3A_166, %ne3A_158 : vector<16xi1>
    %add3A_168 = vector.broadcast %select_n3A_153 : i32 to vector<16xi32>
    %add3A_169 = arith.addi %rem3A_155, %add3A_168 : vector<16xi32>
    %select_n3A_170 = arith.select %and3A_167, %add3A_169, %rem3A_155 : vector<16xi1>, vector<16xi32>
    %mul3A_171 = arith.constant 4 : i32
    %mul3A_172 = vector.broadcast %mul3A_171 : i32 to vector<16xi32>
    %mul3A_173 = arith.muli %select_n3A_170, %mul3A_172 : vector<16xi32>
    %get3A_174 = arith.constant 64 : index
    %get3A_175 = tpu.vector_load %arg6[%get3A_174] {strides = array<i32>} : memref<25600xi32, #tpu.memory_space<vmem>>, vector<16xi32>,
    %get3A_176 = vector.shape_cast %get3A_175 : vector<16xi32> to vector<16xi32>
    %add3A_177 = arith.addi %mul3A_173, %get3A_176 : vector<16xi32>
    %swap3A_178 = arith.constant 64 : index
    %swap3A_179 = tpu.vector_load %arg6[%swap3A_178] {strides = array<i32>} : memref<25600xi32, #tpu.memory_space<vmem>>, vector<16xi32>,
    %swap3A_180 = vector.shape_cast %swap3A_179 : vector<16xi32> to vector<16xi32>
    %swap3A_181 = vector.shape_cast %add3A_177 : vector<16xi32> to vector<16xi32>
    tpu.vector_store %arg6[%swap3A_178], %swap3A_181 {strides = array<i32>} : memref<25600xi32, #tpu.memory_space<vmem>>, vector<16xi32>,
    %add3A_182 = arith.constant 80 : i32
    %add3A_183 = arith.addi %mul3A_2, %add3A_182 : i32
    %add3A_184 = vector.broadcast %add3A_183 : i32 to vector<16xi32>
    %add3A_185 = arith.addi %add3A_184, %iota3A : vector<16xi32>
    %jit3A_186 = arith.constant 200 : i32
    %eq3A_187 = arith.constant 0 : i32
    %eq3A_188 = arith.cmpi eq, %jit3A_186, %eq3A_187 : i32
    %jit3A_189 = arith.constant 1 : i32
    %select_n3A_190 = arith.select %eq3A_188, %jit3A_189, %jit3A_186 : i32
    %rem3A_191 = vector.broadcast %select_n3A_190 : i32 to vector<16xi32>
    %rem3A_192 = arith.remsi %add3A_185, %rem3A_191 : vector<16xi32>
    %ne3A_193 = arith.constant 0 : i32
    %ne3A_194 = vector.broadcast %ne3A_193 : i32 to vector<16xi32>
    %ne3A_195 = arith.cmpi ne, %rem3A_192, %ne3A_194 : vector<16xi32>
    %lt3A_196 = arith.constant 0 : i32
    %lt3A_197 = vector.broadcast %lt3A_196 : i32 to vector<16xi32>
    %lt3A_198 = arith.cmpi slt, %rem3A_192, %lt3A_197 : vector<16xi32>
    %lt3A_199 = arith.constant 0 : i32
    %lt3A_200 = arith.cmpi slt, %select_n3A_190, %lt3A_199 : i32
    %ne3A_201 = vector.broadcast %lt3A_200 : i1 to vector<16xi1>
    %ne3A_202 = vector.broadcast %ne3A_201 : vector<16xi1> to vector<16xi1>
    %ne3A_203 = arith.xori %lt3A_198, %ne3A_202 : vector<16xi1>
    %and3A_204 = arith.andi %ne3A_203, %ne3A_195 : vector<16xi1>
    %add3A_205 = vector.broadcast %select_n3A_190 : i32 to vector<16xi32>
    %add3A_206 = arith.addi %rem3A_192, %add3A_205 : vector<16xi32>
    %select_n3A_207 = arith.select %and3A_204, %add3A_206, %rem3A_192 : vector<16xi1>, vector<16xi32>
    %mul3A_208 = arith.constant 4 : i32
    %mul3A_209 = vector.broadcast %mul3A_208 : i32 to vector<16xi32>
    %mul3A_210 = arith.muli %select_n3A_207, %mul3A_209 : vector<16xi32>
    %get3A_211 = arith.constant 80 : index
    %get3A_212 = tpu.vector_load %arg6[%get3A_211] {strides = array<i32>} : memref<25600xi32, #tpu.memory_space<vmem>>, vector<16xi32>,
    %get3A_213 = vector.shape_cast %get3A_212 : vector<16xi32> to vector<16xi32>
    %add3A_214 = arith.addi %mul3A_210, %get3A_213 : vector<16xi32>
    %swap3A_215 = arith.constant 80 : index
    %swap3A_216 = tpu.vector_load %arg6[%swap3A_215] {strides = array<i32>} : memref<25600xi32, #tpu.memory_space<vmem>>, vector<16xi32>,
    %swap3A_217 = vector.shape_cast %swap3A_216 : vector<16xi32> to vector<16xi32>
    %swap3A_218 = vector.shape_cast %add3A_214 : vector<16xi32> to vector<16xi32>
    tpu.vector_store %arg6[%swap3A_215], %swap3A_218 {strides = array<i32>} : memref<25600xi32, #tpu.memory_space<vmem>>, vector<16xi32>,
    %add3A_219 = arith.constant 96 : i32
    %add3A_220 = arith.addi %mul3A_2, %add3A_219 : i32
    %add3A_221 = vector.broadcast %add3A_220 : i32 to vector<16xi32>
    %add3A_222 = arith.addi %add3A_221, %iota3A : vector<16xi32>
    %jit3A_223 = arith.constant 200 : i32
    %eq3A_224 = arith.constant 0 : i32
    %eq3A_225 = arith.cmpi eq, %jit3A_223, %eq3A_224 : i32
    %jit3A_226 = arith.constant 1 : i32
    %select_n3A_227 = arith.select %eq3A_225, %jit3A_226, %jit3A_223 : i32
    %rem3A_228 = vector.broadcast %select_n3A_227 : i32 to vector<16xi32>
    %rem3A_229 = arith.remsi %add3A_222, %rem3A_228 : vector<16xi32>
    %ne3A_230 = arith.constant 0 : i32
    %ne3A_231 = vector.broadcast %ne3A_230 : i32 to vector<16xi32>
    %ne3A_232 = arith.cmpi ne, %rem3A_229, %ne3A_231 : vector<16xi32>
    %lt3A_233 = arith.constant 0 : i32
    %lt3A_234 = vector.broadcast %lt3A_233 : i32 to vector<16xi32>
    %lt3A_235 = arith.cmpi slt, %rem3A_229, %lt3A_234 : vector<16xi32>
    %lt3A_236 = arith.constant 0 : i32
    %lt3A_237 = arith.cmpi slt, %select_n3A_227, %lt3A_236 : i32
    %ne3A_238 = vector.broadcast %lt3A_237 : i1 to vector<16xi1>
    %ne3A_239 = vector.broadcast %ne3A_238 : vector<16xi1> to vector<16xi1>
    %ne3A_240 = arith.xori %lt3A_235, %ne3A_239 : vector<16xi1>
    %and3A_241 = arith.andi %ne3A_240, %ne3A_232 : vector<16xi1>
    %add3A_242 = vector.broadcast %select_n3A_227 : i32 to vector<16xi32>
    %add3A_243 = arith.addi %rem3A_229, %add3A_242 : vector<16xi32>
    %select_n3A_244 = arith.select %and3A_241, %add3A_243, %rem3A_229 : vector<16xi1>, vector<16xi32>
    %mul3A_245 = arith.constant 4 : i32
    %mul3A_246 = vector.broadcast %mul3A_245 : i32 to vector<16xi32>
    %mul3A_247 = arith.muli %select_n3A_244, %mul3A_246 : vector<16xi32>
    %get3A_248 = arith.constant 96 : index
    %get3A_249 = tpu.vector_load %arg6[%get3A_248] {strides = array<i32>} : memref<25600xi32, #tpu.memory_space<vmem>>, vector<16xi32>,
    %get3A_250 = vector.shape_cast %get3A_249 : vector<16xi32> to vector<16xi32>
    %add3A_251 = arith.addi %mul3A_247, %get3A_250 : vector<16xi32>
    %swap3A_252 = arith.constant 96 : index
    %swap3A_253 = tpu.vector_load %arg6[%swap3A_252] {strides = array<i32>} : memref<25600xi32, #tpu.memory_space<vmem>>, vector<16xi32>,
    %swap3A_254 = vector.shape_cast %swap3A_253 : vector<16xi32> to vector<16xi32>
    %swap3A_255 = vector.shape_cast %add3A_251 : vector<16xi32> to vector<16xi32>
    tpu.vector_store %arg6[%swap3A_252], %swap3A_255 {strides = array<i32>} : memref<25600xi32, #tpu.memory_space<vmem>>, vector<16xi32>,
    %add3A_256 = arith.constant 112 : i32
    %add3A_257 = arith.addi %mul3A_2, %add3A_256 : i32
    %add3A_258 = vector.broadcast %add3A_257 : i32 to vector<16xi32>
    %add3A_259 = arith.addi %add3A_258, %iota3A : vector<16xi32>
    %jit3A_260 = arith.constant 200 : i32
    %eq3A_261 = arith.constant 0 : i32
    %eq3A_262 = arith.cmpi eq, %jit3A_260, %eq3A_261 : i32
    %jit3A_263 = arith.constant 1 : i32
    %select_n3A_264 = arith.select %eq3A_262, %jit3A_263, %jit3A_260 : i32
    %rem3A_265 = vector.broadcast %select_n3A_264 : i32 to vector<16xi32>
    %rem3A_266 = arith.remsi %add3A_259, %rem3A_265 : vector<16xi32>
    %ne3A_267 = arith.constant 0 : i32
    %ne3A_268 = vector.broadcast %ne3A_267 : i32 to vector<16xi32>
    %ne3A_269 = arith.cmpi ne, %rem3A_266, %ne3A_268 : vector<16xi32>
    %lt3A_270 = arith.constant 0 : i32
    %lt3A_271 = vector.broadcast %lt3A_270 : i32 to vector<16xi32>
    %lt3A_272 = arith.cmpi slt, %rem3A_266, %lt3A_271 : vector<16xi32>
    %lt3A_273 = arith.constant 0 : i32
    %lt3A_274 = arith.cmpi slt, %select_n3A_264, %lt3A_273 : i32
    %ne3A_275 = vector.broadcast %lt3A_274 : i1 to vector<16xi1>
    %ne3A_276 = vector.broadcast %ne3A_275 : vector<16xi1> to vector<16xi1>
    %ne3A_277 = arith.xori %lt3A_272, %ne3A_276 : vector<16xi1>
    %and3A_278 = arith.andi %ne3A_277, %ne3A_269 : vector<16xi1>
    %add3A_279 = vector.broadcast %select_n3A_264 : i32 to vector<16xi32>
    %add3A_280 = arith.addi %rem3A_266, %add3A_279 : vector<16xi32>
    %select_n3A_281 = arith.select %and3A_278, %add3A_280, %rem3A_266 : vector<16xi1>, vector<16xi32>
    %mul3A_282 = arith.constant 4 : i32
    %mul3A_283 = vector.broadcast %mul3A_282 : i32 to vector<16xi32>
    %mul3A_284 = arith.muli %select_n3A_281, %mul3A_283 : vector<16xi32>
    %get3A_285 = arith.constant 112 : index
    %get3A_286 = tpu.vector_load %arg6[%get3A_285] {strides = array<i32>} : memref<25600xi32, #tpu.memory_space<vmem>>, vector<16xi32>,
    %get3A_287 = vector.shape_cast %get3A_286 : vector<16xi32> to vector<16xi32>
    %add3A_288 = arith.addi %mul3A_284, %get3A_287 : vector<16xi32>
    %swap3A_289 = arith.constant 112 : index
    %swap3A_290 = tpu.vector_load %arg6[%swap3A_289] {strides = array<i32>} : memref<25600xi32, #tpu.memory_space<vmem>>, vector<16xi32>,
    %swap3A_291 = vector.shape_cast %swap3A_290 : vector<16xi32> to vector<16xi32>
    %swap3A_292 = vector.shape_cast %add3A_288 : vector<16xi32> to vector<16xi32>
    tpu.vector_store %arg6[%swap3A_289], %swap3A_292 {strides = array<i32>} : memref<25600xi32, #tpu.memory_space<vmem>>, vector<16xi32>,
    %dma_start3A = arith.constant 0 : i32
    %dma_start3A_293 = tpu.memref_slice %arg6[%dma_start3A] : memref<25600xi32, #tpu.memory_space<vmem>> -> memref<128xi32, #tpu.memory_space<vmem>>
    %dma_start3A_294 = arith.constant 0 : i32
    %dma_start3A_295 = arith.constant 0 : i32
    %dma_start3A_296 = tpu.memref_slice %arg5[%dma_start3A_294, %dma_start3A_295] : memref<800x128xf32, #tpu.memory_space<vmem_shared>> -> memref<800x128xf32, #tpu.memory_space<vmem_shared>>
    tpu.enqueue_indirect_dma source(%dma_start3A_296 : memref<800x128xf32, #tpu.memory_space<vmem_shared>>) target(%arg7 : memref<128x128xf32, #tpu.memory_space<vmem>>) offsets(%dma_start3A_293 : memref<128xi32, #tpu.memory_space<vmem>>) semaphore(%arg11 : memref<!tpu.dma_semaphore, #tpu.memory_space<semaphore_mem>>)
    %add3A_297 = arith.constant 128 : i32
    %add3A_298 = arith.addi %mul3A_2, %add3A_297 : i32
    %add3A_299 = vector.broadcast %add3A_298 : i32 to vector<16xi32>
    %add3A_300 = arith.addi %add3A_299, %iota3A : vector<16xi32>
    %jit3A_301 = arith.constant 200 : i32
    %eq3A_302 = arith.constant 0 : i32
    %eq3A_303 = arith.cmpi eq, %jit3A_301, %eq3A_302 : i32
    %jit3A_304 = arith.constant 1 : i32
    %select_n3A_305 = arith.select %eq3A_303, %jit3A_304, %jit3A_301 : i32
    %rem3A_306 = vector.broadcast %select_n3A_305 : i32 to vector<16xi32>
    %rem3A_307 = arith.remsi %add3A_300, %rem3A_306 : vector<16xi32>
    %ne3A_308 = arith.constant 0 : i32
    %ne3A_309 = vector.broadcast %ne3A_308 : i32 to vector<16xi32>
    %ne3A_310 = arith.cmpi ne, %rem3A_307, %ne3A_309 : vector<16xi32>
    %lt3A_311 = arith.constant 0 : i32
    %lt3A_312 = vector.broadcast %lt3A_311 : i32 to vector<16xi32>
    %lt3A_313 = arith.cmpi slt, %rem3A_307, %lt3A_312 : vector<16xi32>
    %lt3A_314 = arith.constant 0 : i32
    %lt3A_315 = arith.cmpi slt, %select_n3A_305, %lt3A_314 : i32
    %ne3A_316 = vector.broadcast %lt3A_315 : i1 to vector<16xi1>
    %ne3A_317 = vector.broadcast %ne3A_316 : vector<16xi1> to vector<16xi1>
    %ne3A_318 = arith.xori %lt3A_313, %ne3A_317 : vector<16xi1>
    %and3A_319 = arith.andi %ne3A_318, %ne3A_310 : vector<16xi1>
    %add3A_320 = vector.broadcast %select_n3A_305 : i32 to vector<16xi32>
    %add3A_321 = arith.addi %rem3A_307, %add3A_320 : vector<16xi32>
    %select_n3A_322 = arith.select %and3A_319, %add3A_321, %rem3A_307 : vector<16xi1>, vector<16xi32>
    %mul3A_323 = arith.constant 4 : i32
    %mul3A_324 = vector.broadcast %mul3A_323 : i32 to vector<16xi32>
    %mul3A_325 = arith.muli %select_n3A_322, %mul3A_324 : vector<16xi32>
    %get3A_326 = arith.constant 128 : index
    %get3A_327 = tpu.vector_load %arg6[%get3A_326] {strides = array<i32>} : memref<25600xi32, #tpu.memory_space<vmem>>, vector<16xi32>,
    %get3A_328 = vector.shape_cast %get3A_327 : vector<16xi32> to vector<16xi32>
    %add3A_329 = arith.addi %mul3A_325, %get3A_328 : vector<16xi32>
    %swap3A_330 = arith.constant 128 : index
    %swap3A_331 = tpu.vector_load %arg6[%swap3A_330] {strides = array<i32>} : memref<25600xi32, #tpu.memory_space<vmem>>, vector<16xi32>,
    %swap3A_332 = vector.shape_cast %swap3A_331 : vector<16xi32> to vector<16xi32>
    %swap3A_333 = vector.shape_cast %add3A_329 : vector<16xi32> to vector<16xi32>
    tpu.vector_store %arg6[%swap3A_330], %swap3A_333 {strides = array<i32>} : memref<25600xi32, #tpu.memory_space<vmem>>, vector<16xi32>,
    %add3A_334 = arith.constant 144 : i32
    %add3A_335 = arith.addi %mul3A_2, %add3A_334 : i32
    %add3A_336 = vector.broadcast %add3A_335 : i32 to vector<16xi32>
    %add3A_337 = arith.addi %add3A_336, %iota3A : vector<16xi32>
    %jit3A_338 = arith.constant 200 : i32
    %eq3A_339 = arith.constant 0 : i32
    %eq3A_340 = arith.cmpi eq, %jit3A_338, %eq3A_339 : i32
    %jit3A_341 = arith.constant 1 : i32
    %select_n3A_342 = arith.select %eq3A_340, %jit3A_341, %jit3A_338 : i32
    %rem3A_343 = vector.broadcast %select_n3A_342 : i32 to vector<16xi32>
    %rem3A_344 = arith.remsi %add3A_337, %rem3A_343 : vector<16xi32>
    %ne3A_345 = arith.constant 0 : i32
    %ne3A_346 = vector.broadcast %ne3A_345 : i32 to vector<16xi32>
    %ne3A_347 = arith.cmpi ne, %rem3A_344, %ne3A_346 : vector<16xi32>
    %lt3A_348 = arith.constant 0 : i32
    %lt3A_349 = vector.broadcast %lt3A_348 : i32 to vector<16xi32>
    %lt3A_350 = arith.cmpi slt, %rem3A_344, %lt3A_349 : vector<16xi32>
    %lt3A_351 = arith.constant 0 : i32
    %lt3A_352 = arith.cmpi slt, %select_n3A_342, %lt3A_351 : i32
    %ne3A_353 = vector.broadcast %lt3A_352 : i1 to vector<16xi1>
    %ne3A_354 = vector.broadcast %ne3A_353 : vector<16xi1> to vector<16xi1>
    %ne3A_355 = arith.xori %lt3A_350, %ne3A_354 : vector<16xi1>
    %and3A_356 = arith.andi %ne3A_355, %ne3A_347 : vector<16xi1>
    %add3A_357 = vector.broadcast %select_n3A_342 : i32 to vector<16xi32>
    %add3A_358 = arith.addi %rem3A_344, %add3A_357 : vector<16xi32>
    %select_n3A_359 = arith.select %and3A_356, %add3A_358, %rem3A_344 : vector<16xi1>, vector<16xi32>
    %mul3A_360 = arith.constant 4 : i32
    %mul3A_361 = vector.broadcast %mul3A_360 : i32 to vector<16xi32>
    %mul3A_362 = arith.muli %select_n3A_359, %mul3A_361 : vector<16xi32>
    %get3A_363 = arith.constant 144 : index
    %get3A_364 = tpu.vector_load %arg6[%get3A_363] {strides = array<i32>} : memref<25600xi32, #tpu.memory_space<vmem>>, vector<16xi32>,
    %get3A_365 = vector.shape_cast %get3A_364 : vector<16xi32> to vector<16xi32>
    %add3A_366 = arith.addi %mul3A_362, %get3A_365 : vector<16xi32>
    %swap3A_367 = arith.constant 144 : index
    %swap3A_368 = tpu.vector_load %arg6[%swap3A_367] {strides = array<i32>} : memref<25600xi32, #tpu.memory_space<vmem>>, vector<16xi32>,
    %swap3A_369 = vector.shape_cast %swap3A_368 : vector<16xi32> to vector<16xi32>
    %swap3A_370 = vector.shape_cast %add3A_366 : vector<16xi32> to vector<16xi32>
    tpu.vector_store %arg6[%swap3A_367], %swap3A_370 {strides = array<i32>} : memref<25600xi32, #tpu.memory_space<vmem>>, vector<16xi32>,
    %add3A_371 = arith.constant 160 : i32
    %add3A_372 = arith.addi %mul3A_2, %add3A_371 : i32
    %add3A_373 = vector.broadcast %add3A_372 : i32 to vector<16xi32>
    %add3A_374 = arith.addi %add3A_373, %iota3A : vector<16xi32>
    %jit3A_375 = arith.constant 200 : i32
    %eq3A_376 = arith.constant 0 : i32
    %eq3A_377 = arith.cmpi eq, %jit3A_375, %eq3A_376 : i32
    %jit3A_378 = arith.constant 1 : i32
    %select_n3A_379 = arith.select %eq3A_377, %jit3A_378, %jit3A_375 : i32
    %rem3A_380 = vector.broadcast %select_n3A_379 : i32 to vector<16xi32>
    %rem3A_381 = arith.remsi %add3A_374, %rem3A_380 : vector<16xi32>
    %ne3A_382 = arith.constant 0 : i32
    %ne3A_383 = vector.broadcast %ne3A_382 : i32 to vector<16xi32>
    %ne3A_384 = arith.cmpi ne, %rem3A_381, %ne3A_383 : vector<16xi32>
    %lt3A_385 = arith.constant 0 : i32
    %lt3A_386 = vector.broadcast %lt3A_385 : i32 to vector<16xi32>
    %lt3A_387 = arith.cmpi slt, %rem3A_381, %lt3A_386 : vector<16xi32>
    %lt3A_388 = arith.constant 0 : i32
    %lt3A_389 = arith.cmpi slt, %select_n3A_379, %lt3A_388 : i32
    %ne3A_390 = vector.broadcast %lt3A_389 : i1 to vector<16xi1>
    %ne3A_391 = vector.broadcast %ne3A_390 : vector<16xi1> to vector<16xi1>
    %ne3A_392 = arith.xori %lt3A_387, %ne3A_391 : vector<16xi1>
    %and3A_393 = arith.andi %ne3A_392, %ne3A_384 : vector<16xi1>
    %add3A_394 = vector.broadcast %select_n3A_379 : i32 to vector<16xi32>
    %add3A_395 = arith.addi %rem3A_381, %add3A_394 : vector<16xi32>
    %select_n3A_396 = arith.select %and3A_393, %add3A_395, %rem3A_381 : vector<16xi1>, vector<16xi32>
    %mul3A_397 = arith.constant 4 : i32
    %mul3A_398 = vector.broadcast %mul3A_397 : i32 to vector<16xi32>
    %mul3A_399 = arith.muli %select_n3A_396, %mul3A_398 : vector<16xi32>
    %get3A_400 = arith.constant 160 : index
    %get3A_401 = tpu.vector_load %arg6[%get3A_400] {strides = array<i32>} : memref<25600xi32, #tpu.memory_space<vmem>>, vector<16xi32>,
    %get3A_402 = vector.shape_cast %get3A_401 : vector<16xi32> to vector<16xi32>
    %add3A_403 = arith.addi %mul3A_399, %get3A_402 : vector<16xi32>
    %swap3A_404 = arith.constant 160 : index
    %swap3A_405 = tpu.vector_load %arg6[%swap3A_404] {strides = array<i32>} : memref<25600xi32, #tpu.memory_space<vmem>>, vector<16xi32>,
    %swap3A_406 = vector.shape_cast %swap3A_405 : vector<16xi32> to vector<16xi32>
    %swap3A_407 = vector.shape_cast %add3A_403 : vector<16xi32> to vector<16xi32>
    tpu.vector_store %arg6[%swap3A_404], %swap3A_407 {strides = array<i32>} : memref<25600xi32, #tpu.memory_space<vmem>>, vector<16xi32>,
    %add3A_408 = arith.constant 176 : i32
    %add3A_409 = arith.addi %mul3A_2, %add3A_408 : i32
    %add3A_410 = vector.broadcast %add3A_409 : i32 to vector<16xi32>
    %add3A_411 = arith.addi %add3A_410, %iota3A : vector<16xi32>
    %jit3A_412 = arith.constant 200 : i32
    %eq3A_413 = arith.constant 0 : i32
    %eq3A_414 = arith.cmpi eq, %jit3A_412, %eq3A_413 : i32
    %jit3A_415 = arith.constant 1 : i32
    %select_n3A_416 = arith.select %eq3A_414, %jit3A_415, %jit3A_412 : i32
    %rem3A_417 = vector.broadcast %select_n3A_416 : i32 to vector<16xi32>
    %rem3A_418 = arith.remsi %add3A_411, %rem3A_417 : vector<16xi32>
    %ne3A_419 = arith.constant 0 : i32
    %ne3A_420 = vector.broadcast %ne3A_419 : i32 to vector<16xi32>
    %ne3A_421 = arith.cmpi ne, %rem3A_418, %ne3A_420 : vector<16xi32>
    %lt3A_422 = arith.constant 0 : i32
    %lt3A_423 = vector.broadcast %lt3A_422 : i32 to vector<16xi32>
    %lt3A_424 = arith.cmpi slt, %rem3A_418, %lt3A_423 : vector<16xi32>
    %lt3A_425 = arith.constant 0 : i32
    %lt3A_426 = arith.cmpi slt, %select_n3A_416, %lt3A_425 : i32
    %ne3A_427 = vector.broadcast %lt3A_426 : i1 to vector<16xi1>
    %ne3A_428 = vector.broadcast %ne3A_427 : vector<16xi1> to vector<16xi1>
    %ne3A_429 = arith.xori %lt3A_424, %ne3A_428 : vector<16xi1>
    %and3A_430 = arith.andi %ne3A_429, %ne3A_421 : vector<16xi1>
    %add3A_431 = vector.broadcast %select_n3A_416 : i32 to vector<16xi32>
    %add3A_432 = arith.addi %rem3A_418, %add3A_431 : vector<16xi32>
    %select_n3A_433 = arith.select %and3A_430, %add3A_432, %rem3A_418 : vector<16xi1>, vector<16xi32>
    %mul3A_434 = arith.constant 4 : i32
    %mul3A_435 = vector.broadcast %mul3A_434 : i32 to vector<16xi32>
    %mul3A_436 = arith.muli %select_n3A_433, %mul3A_435 : vector<16xi32>
    %get3A_437 = arith.constant 176 : index
    %get3A_438 = tpu.vector_load %arg6[%get3A_437] {strides = array<i32>} : memref<25600xi32, #tpu.memory_space<vmem>>, vector<16xi32>,
    %get3A_439 = vector.shape_cast %get3A_438 : vector<16xi32> to vector<16xi32>
    %add3A_440 = arith.addi %mul3A_436, %get3A_439 : vector<16xi32>
    %swap3A_441 = arith.constant 176 : index
    %swap3A_442 = tpu.vector_load %arg6[%swap3A_441] {strides = array<i32>} : memref<25600xi32, #tpu.memory_space<vmem>>, vector<16xi32>,
    %swap3A_443 = vector.shape_cast %swap3A_442 : vector<16xi32> to vector<16xi32>
    %swap3A_444 = vector.shape_cast %add3A_440 : vector<16xi32> to vector<16xi32>
    tpu.vector_store %arg6[%swap3A_441], %swap3A_444 {strides = array<i32>} : memref<25600xi32, #tpu.memory_space<vmem>>, vector<16xi32>,
    %add3A_445 = arith.constant 192 : i32
    %add3A_446 = arith.addi %mul3A_2, %add3A_445 : i32
    %add3A_447 = vector.broadcast %add3A_446 : i32 to vector<16xi32>
    %add3A_448 = arith.addi %add3A_447, %iota3A : vector<16xi32>
    %jit3A_449 = arith.constant 200 : i32
    %eq3A_450 = arith.constant 0 : i32
    %eq3A_451 = arith.cmpi eq, %jit3A_449, %eq3A_450 : i32
    %jit3A_452 = arith.constant 1 : i32
    %select_n3A_453 = arith.select %eq3A_451, %jit3A_452, %jit3A_449 : i32
    %rem3A_454 = vector.broadcast %select_n3A_453 : i32 to vector<16xi32>
    %rem3A_455 = arith.remsi %add3A_448, %rem3A_454 : vector<16xi32>
    %ne3A_456 = arith.constant 0 : i32
    %ne3A_457 = vector.broadcast %ne3A_456 : i32 to vector<16xi32>
    %ne3A_458 = arith.cmpi ne, %rem3A_455, %ne3A_457 : vector<16xi32>
    %lt3A_459 = arith.constant 0 : i32
    %lt3A_460 = vector.broadcast %lt3A_459 : i32 to vector<16xi32>
    %lt3A_461 = arith.cmpi slt, %rem3A_455, %lt3A_460 : vector<16xi32>
    %lt3A_462 = arith.constant 0 : i32
    %lt3A_463 = arith.cmpi slt, %select_n3A_453, %lt3A_462 : i32
    %ne3A_464 = vector.broadcast %lt3A_463 : i1 to vector<16xi1>
    %ne3A_465 = vector.broadcast %ne3A_464 : vector<16xi1> to vector<16xi1>
    %ne3A_466 = arith.xori %lt3A_461, %ne3A_465 : vector<16xi1>
    %and3A_467 = arith.andi %ne3A_466, %ne3A_458 : vector<16xi1>
    %add3A_468 = vector.broadcast %select_n3A_453 : i32 to vector<16xi32>
    %add3A_469 = arith.addi %rem3A_455, %add3A_468 : vector<16xi32>
    %select_n3A_470 = arith.select %and3A_467, %add3A_469, %rem3A_455 : vector<16xi1>, vector<16xi32>
    %mul3A_471 = arith.constant 4 : i32
    %mul3A_472 = vector.broadcast %mul3A_471 : i32 to vector<16xi32>
    %mul3A_473 = arith.muli %select_n3A_470, %mul3A_472 : vector<16xi32>
    %get3A_474 = arith.constant 192 : index
    %get3A_475 = tpu.vector_load %arg6[%get3A_474] {strides = array<i32>} : memref<25600xi32, #tpu.memory_space<vmem>>, vector<16xi32>,
    %get3A_476 = vector.shape_cast %get3A_475 : vector<16xi32> to vector<16xi32>
    %add3A_477 = arith.addi %mul3A_473, %get3A_476 : vector<16xi32>
    %swap3A_478 = arith.constant 192 : index
    %swap3A_479 = tpu.vector_load %arg6[%swap3A_478] {strides = array<i32>} : memref<25600xi32, #tpu.memory_space<vmem>>, vector<16xi32>,
    %swap3A_480 = vector.shape_cast %swap3A_479 : vector<16xi32> to vector<16xi32>
    %swap3A_481 = vector.shape_cast %add3A_477 : vector<16xi32> to vector<16xi32>
    tpu.vector_store %arg6[%swap3A_478], %swap3A_481 {strides = array<i32>} : memref<25600xi32, #tpu.memory_space<vmem>>, vector<16xi32>,
    %add3A_482 = arith.constant 208 : i32
    %add3A_483 = arith.addi %mul3A_2, %add3A_482 : i32
    %add3A_484 = vector.broadcast %add3A_483 : i32 to vector<16xi32>
    %add3A_485 = arith.addi %add3A_484, %iota3A : vector<16xi32>
    %jit3A_486 = arith.constant 200 : i32
    %eq3A_487 = arith.constant 0 : i32
    %eq3A_488 = arith.cmpi eq, %jit3A_486, %eq3A_487 : i32
    %jit3A_489 = arith.constant 1 : i32
    %select_n3A_490 = arith.select %eq3A_488, %jit3A_489, %jit3A_486 : i32
    %rem3A_491 = vector.broadcast %select_n3A_490 : i32 to vector<16xi32>
    %rem3A_492 = arith.remsi %add3A_485, %rem3A_491 : vector<16xi32>
    %ne3A_493 = arith.constant 0 : i32
    %ne3A_494 = vector.broadcast %ne3A_493 : i32 to vector<16xi32>
    %ne3A_495 = arith.cmpi ne, %rem3A_492, %ne3A_494 : vector<16xi32>
    %lt3A_496 = arith.constant 0 : i32
    %lt3A_497 = vector.broadcast %lt3A_496 : i32 to vector<16xi32>
    %lt3A_498 = arith.cmpi slt, %rem3A_492, %lt3A_497 : vector<16xi32>
    %lt3A_499 = arith.constant 0 : i32
    %lt3A_500 = arith.cmpi slt, %select_n3A_490, %lt3A_499 : i32
    %ne3A_501 = vector.broadcast %lt3A_500 : i1 to vector<16xi1>
    %ne3A_502 = vector.broadcast %ne3A_501 : vector<16xi1> to vector<16xi1>
    %ne3A_503 = arith.xori %lt3A_498, %ne3A_502 : vector<16xi1>
    %and3A_504 = arith.andi %ne3A_503, %ne3A_495 : vector<16xi1>
    %add3A_505 = vector.broadcast %select_n3A_490 : i32 to vector<16xi32>
    %add3A_506 = arith.addi %rem3A_492, %add3A_505 : vector<16xi32>
    %select_n3A_507 = arith.select %and3A_504, %add3A_506, %rem3A_492 : vector<16xi1>, vector<16xi32>
    %mul3A_508 = arith.constant 4 : i32
    %mul3A_509 = vector.broadcast %mul3A_508 : i32 to vector<16xi32>
    %mul3A_510 = arith.muli %select_n3A_507, %mul3A_509 : vector<16xi32>
    %get3A_511 = arith.constant 208 : index
    %get3A_512 = tpu.vector_load %arg6[%get3A_511] {strides = array<i32>} : memref<25600xi32, #tpu.memory_space<vmem>>, vector<16xi32>,
    %get3A_513 = vector.shape_cast %get3A_512 : vector<16xi32> to vector<16xi32>
    %add3A_514 = arith.addi %mul3A_510, %get3A_513 : vector<16xi32>
    %swap3A_515 = arith.constant 208 : index
    %swap3A_516 = tpu.vector_load %arg6[%swap3A_515] {strides = array<i32>} : memref<25600xi32, #tpu.memory_space<vmem>>, vector<16xi32>,
    %swap3A_517 = vector.shape_cast %swap3A_516 : vector<16xi32> to vector<16xi32>
    %swap3A_518 = vector.shape_cast %add3A_514 : vector<16xi32> to vector<16xi32>
    tpu.vector_store %arg6[%swap3A_515], %swap3A_518 {strides = array<i32>} : memref<25600xi32, #tpu.memory_space<vmem>>, vector<16xi32>,
    %add3A_519 = arith.constant 224 : i32
    %add3A_520 = arith.addi %mul3A_2, %add3A_519 : i32
    %add3A_521 = vector.broadcast %add3A_520 : i32 to vector<16xi32>
    %add3A_522 = arith.addi %add3A_521, %iota3A : vector<16xi32>
    %jit3A_523 = arith.constant 200 : i32
    %eq3A_524 = arith.constant 0 : i32
    %eq3A_525 = arith.cmpi eq, %jit3A_523, %eq3A_524 : i32
    %jit3A_526 = arith.constant 1 : i32
    %select_n3A_527 = arith.select %eq3A_525, %jit3A_526, %jit3A_523 : i32
    %rem3A_528 = vector.broadcast %select_n3A_527 : i32 to vector<16xi32>
    %rem3A_529 = arith.remsi %add3A_522, %rem3A_528 : vector<16xi32>
    %ne3A_530 = arith.constant 0 : i32
    %ne3A_531 = vector.broadcast %ne3A_530 : i32 to vector<16xi32>
    %ne3A_532 = arith.cmpi ne, %rem3A_529, %ne3A_531 : vector<16xi32>
    %lt3A_533 = arith.constant 0 : i32
    %lt3A_534 = vector.broadcast %lt3A_533 : i32 to vector<16xi32>
    %lt3A_535 = arith.cmpi slt, %rem3A_529, %lt3A_534 : vector<16xi32>
    %lt3A_536 = arith.constant 0 : i32
    %lt3A_537 = arith.cmpi slt, %select_n3A_527, %lt3A_536 : i32
    %ne3A_538 = vector.broadcast %lt3A_537 : i1 to vector<16xi1>
    %ne3A_539 = vector.broadcast %ne3A_538 : vector<16xi1> to vector<16xi1>
    %ne3A_540 = arith.xori %lt3A_535, %ne3A_539 : vector<16xi1>
    %and3A_541 = arith.andi %ne3A_540, %ne3A_532 : vector<16xi1>
    %add3A_542 = vector.broadcast %select_n3A_527 : i32 to vector<16xi32>
    %add3A_543 = arith.addi %rem3A_529, %add3A_542 : vector<16xi32>
    %select_n3A_544 = arith.select %and3A_541, %add3A_543, %rem3A_529 : vector<16xi1>, vector<16xi32>
    %mul3A_545 = arith.constant 4 : i32
    %mul3A_546 = vector.broadcast %mul3A_545 : i32 to vector<16xi32>
    %mul3A_547 = arith.muli %select_n3A_544, %mul3A_546 : vector<16xi32>
    %get3A_548 = arith.constant 224 : index
    %get3A_549 = tpu.vector_load %arg6[%get3A_548] {strides = array<i32>} : memref<25600xi32, #tpu.memory_space<vmem>>, vector<16xi32>,
    %get3A_550 = vector.shape_cast %get3A_549 : vector<16xi32> to vector<16xi32>
    %add3A_551 = arith.addi %mul3A_547, %get3A_550 : vector<16xi32>
    %swap3A_552 = arith.constant 224 : index
    %swap3A_553 = tpu.vector_load %arg6[%swap3A_552] {strides = array<i32>} : memref<25600xi32, #tpu.memory_space<vmem>>, vector<16xi32>,
    %swap3A_554 = vector.shape_cast %swap3A_553 : vector<16xi32> to vector<16xi32>
    %swap3A_555 = vector.shape_cast %add3A_551 : vector<16xi32> to vector<16xi32>
    tpu.vector_store %arg6[%swap3A_552], %swap3A_555 {strides = array<i32>} : memref<25600xi32, #tpu.memory_space<vmem>>, vector<16xi32>,
    %add3A_556 = arith.constant 240 : i32
    %add3A_557 = arith.addi %mul3A_2, %add3A_556 : i32
    %add3A_558 = vector.broadcast %add3A_557 : i32 to vector<16xi32>
    %add3A_559 = arith.addi %add3A_558, %iota3A : vector<16xi32>
    %jit3A_560 = arith.constant 200 : i32
    %eq3A_561 = arith.constant 0 : i32
    %eq3A_562 = arith.cmpi eq, %jit3A_560, %eq3A_561 : i32
    %jit3A_563 = arith.constant 1 : i32
    %select_n3A_564 = arith.select %eq3A_562, %jit3A_563, %jit3A_560 : i32
    %rem3A_565 = vector.broadcast %select_n3A_564 : i32 to vector<16xi32>
    %rem3A_566 = arith.remsi %add3A_559, %rem3A_565 : vector<16xi32>
    %ne3A_567 = arith.constant 0 : i32
    %ne3A_568 = vector.broadcast %ne3A_567 : i32 to vector<16xi32>
    %ne3A_569 = arith.cmpi ne, %rem3A_566, %ne3A_568 : vector<16xi32>
    %lt3A_570 = arith.constant 0 : i32
    %lt3A_571 = vector.broadcast %lt3A_570 : i32 to vector<16xi32>
    %lt3A_572 = arith.cmpi slt, %rem3A_566, %lt3A_571 : vector<16xi32>
    %lt3A_573 = arith.constant 0 : i32
    %lt3A_574 = arith.cmpi slt, %select_n3A_564, %lt3A_573 : i32
    %ne3A_575 = vector.broadcast %lt3A_574 : i1 to vector<16xi1>
    %ne3A_576 = vector.broadcast %ne3A_575 : vector<16xi1> to vector<16xi1>
    %ne3A_577 = arith.xori %lt3A_572, %ne3A_576 : vector<16xi1>
    %and3A_578 = arith.andi %ne3A_577, %ne3A_569 : vector<16xi1>
    %add3A_579 = vector.broadcast %select_n3A_564 : i32 to vector<16xi32>
    %add3A_580 = arith.addi %rem3A_566, %add3A_579 : vector<16xi32>
    %select_n3A_581 = arith.select %and3A_578, %add3A_580, %rem3A_566 : vector<16xi1>, vector<16xi32>
    %mul3A_582 = arith.constant 4 : i32
    %mul3A_583 = vector.broadcast %mul3A_582 : i32 to vector<16xi32>
    %mul3A_584 = arith.muli %select_n3A_581, %mul3A_583 : vector<16xi32>
    %get3A_585 = arith.constant 240 : index
    %get3A_586 = tpu.vector_load %arg6[%get3A_585] {strides = array<i32>} : memref<25600xi32, #tpu.memory_space<vmem>>, vector<16xi32>,
    %get3A_587 = vector.shape_cast %get3A_586 : vector<16xi32> to vector<16xi32>
    %add3A_588 = arith.addi %mul3A_584, %get3A_587 : vector<16xi32>
    %swap3A_589 = arith.constant 240 : index
    %swap3A_590 = tpu.vector_load %arg6[%swap3A_589] {strides = array<i32>} : memref<25600xi32, #tpu.memory_space<vmem>>, vector<16xi32>,
    %swap3A_591 = vector.shape_cast %swap3A_590 : vector<16xi32> to vector<16xi32>
    %swap3A_592 = vector.shape_cast %add3A_588 : vector<16xi32> to vector<16xi32>
    tpu.vector_store %arg6[%swap3A_589], %swap3A_592 {strides = array<i32>} : memref<25600xi32, #tpu.memory_space<vmem>>, vector<16xi32>,
    %dma_start3A_593 = arith.constant 128 : i32
    %dma_start3A_594 = tpu.memref_slice %arg6[%dma_start3A_593] : memref<25600xi32, #tpu.memory_space<vmem>> -> memref<128xi32, #tpu.memory_space<vmem>>
    %dma_start3A_595 = arith.constant 0 : i32
    %dma_start3A_596 = arith.constant 0 : i32
    %dma_start3A_597 = tpu.memref_slice %arg5[%dma_start3A_595, %dma_start3A_596] : memref<800x128xf32, #tpu.memory_space<vmem_shared>> -> memref<800x128xf32, #tpu.memory_space<vmem_shared>>
    tpu.enqueue_indirect_dma source(%dma_start3A_597 : memref<800x128xf32, #tpu.memory_space<vmem_shared>>) target(%arg8 : memref<128x128xf32, #tpu.memory_space<vmem>>) offsets(%dma_start3A_594 : memref<128xi32, #tpu.memory_space<vmem>>) semaphore(%arg12 : memref<!tpu.dma_semaphore, #tpu.memory_space<semaphore_mem>>)
    %add3A_598 = arith.constant 256 : i32
    %add3A_599 = arith.addi %mul3A_2, %add3A_598 : i32
    %add3A_600 = vector.broadcast %add3A_599 : i32 to vector<16xi32>
    %add3A_601 = arith.addi %add3A_600, %iota3A : vector<16xi32>
    %jit3A_602 = arith.constant 200 : i32
    %eq3A_603 = arith.constant 0 : i32
    %eq3A_604 = arith.cmpi eq, %jit3A_602, %eq3A_603 : i32
    %jit3A_605 = arith.constant 1 : i32
    %select_n3A_606 = arith.select %eq3A_604, %jit3A_605, %jit3A_602 : i32
    %rem3A_607 = vector.broadcast %select_n3A_606 : i32 to vector<16xi32>
    %rem3A_608 = arith.remsi %add3A_601, %rem3A_607 : vector<16xi32>
    %ne3A_609 = arith.constant 0 : i32
    %ne3A_610 = vector.broadcast %ne3A_609 : i32 to vector<16xi32>
    %ne3A_611 = arith.cmpi ne, %rem3A_608, %ne3A_610 : vector<16xi32>
    %lt3A_612 = arith.constant 0 : i32
    %lt3A_613 = vector.broadcast %lt3A_612 : i32 to vector<16xi32>
    %lt3A_614 = arith.cmpi slt, %rem3A_608, %lt3A_613 : vector<16xi32>
    %lt3A_615 = arith.constant 0 : i32
    %lt3A_616 = arith.cmpi slt, %select_n3A_606, %lt3A_615 : i32
    %ne3A_617 = vector.broadcast %lt3A_616 : i1 to vector<16xi1>
    %ne3A_618 = vector.broadcast %ne3A_617 : vector<16xi1> to vector<16xi1>
    %ne3A_619 = arith.xori %lt3A_614, %ne3A_618 : vector<16xi1>
    %and3A_620 = arith.andi %ne3A_619, %ne3A_611 : vector<16xi1>
    %add3A_621 = vector.broadcast %select_n3A_606 : i32 to vector<16xi32>
    %add3A_622 = arith.addi %rem3A_608, %add3A_621 : vector<16xi32>
    %select_n3A_623 = arith.select %and3A_620, %add3A_622, %rem3A_608 : vector<16xi1>, vector<16xi32>
    %mul3A_624 = arith.constant 4 : i32
    %mul3A_625 = vector.broadcast %mul3A_624 : i32 to vector<16xi32>
    %mul3A_626 = arith.muli %select_n3A_623, %mul3A_625 : vector<16xi32>
    %get3A_627 = arith.constant 256 : index
    %get3A_628 = tpu.vector_load %arg6[%get3A_627] {strides = array<i32>} : memref<25600xi32, #tpu.memory_space<vmem>>, vector<16xi32>,
    %get3A_629 = vector.shape_cast %get3A_628 : vector<16xi32> to vector<16xi32>
    %add3A_630 = arith.addi %mul3A_626, %get3A_629 : vector<16xi32>
    %swap3A_631 = arith.constant 256 : index
    %swap3A_632 = tpu.vector_load %arg6[%swap3A_631] {strides = array<i32>} : memref<25600xi32, #tpu.memory_space<vmem>>, vector<16xi32>,
    %swap3A_633 = vector.shape_cast %swap3A_632 : vector<16xi32> to vector<16xi32>
    %swap3A_634 = vector.shape_cast %add3A_630 : vector<16xi32> to vector<16xi32>
    tpu.vector_store %arg6[%swap3A_631], %swap3A_634 {strides = array<i32>} : memref<25600xi32, #tpu.memory_space<vmem>>, vector<16xi32>,
    %add3A_635 = arith.constant 272 : i32
    %add3A_636 = arith.addi %mul3A_2, %add3A_635 : i32
    %add3A_637 = vector.broadcast %add3A_636 : i32 to vector<16xi32>
    %add3A_638 = arith.addi %add3A_637, %iota3A : vector<16xi32>
    %jit3A_639 = arith.constant 200 : i32
    %eq3A_640 = arith.constant 0 : i32
    %eq3A_641 = arith.cmpi eq, %jit3A_639, %eq3A_640 : i32
    %jit3A_642 = arith.constant 1 : i32
    %select_n3A_643 = arith.select %eq3A_641, %jit3A_642, %jit3A_639 : i32
    %rem3A_644 = vector.broadcast %select_n3A_643 : i32 to vector<16xi32>
    %rem3A_645 = arith.remsi %add3A_638, %rem3A_644 : vector<16xi32>
    %ne3A_646 = arith.constant 0 : i32
    %ne3A_647 = vector.broadcast %ne3A_646 : i32 to vector<16xi32>
    %ne3A_648 = arith.cmpi ne, %rem3A_645, %ne3A_647 : vector<16xi32>
    %lt3A_649 = arith.constant 0 : i32
    %lt3A_650 = vector.broadcast %lt3A_649 : i32 to vector<16xi32>
    %lt3A_651 = arith.cmpi slt, %rem3A_645, %lt3A_650 : vector<16xi32>
    %lt3A_652 = arith.constant 0 : i32
    %lt3A_653 = arith.cmpi slt, %select_n3A_643, %lt3A_652 : i32
    %ne3A_654 = vector.broadcast %lt3A_653 : i1 to vector<16xi1>
    %ne3A_655 = vector.broadcast %ne3A_654 : vector<16xi1> to vector<16xi1>
    %ne3A_656 = arith.xori %lt3A_651, %ne3A_655 : vector<16xi1>
    %and3A_657 = arith.andi %ne3A_656, %ne3A_648 : vector<16xi1>
    %add3A_658 = vector.broadcast %select_n3A_643 : i32 to vector<16xi32>
    %add3A_659 = arith.addi %rem3A_645, %add3A_658 : vector<16xi32>
    %select_n3A_660 = arith.select %and3A_657, %add3A_659, %rem3A_645 : vector<16xi1>, vector<16xi32>
    %mul3A_661 = arith.constant 4 : i32
    %mul3A_662 = vector.broadcast %mul3A_661 : i32 to vector<16xi32>
    %mul3A_663 = arith.muli %select_n3A_660, %mul3A_662 : vector<16xi32>
    %get3A_664 = arith.constant 272 : index
    %get3A_665 = tpu.vector_load %arg6[%get3A_664] {strides = array<i32>} : memref<25600xi32, #tpu.memory_space<vmem>>, vector<16xi32>,
    %get3A_666 = vector.shape_cast %get3A_665 : vector<16xi32> to vector<16xi32>
    %add3A_667 = arith.addi %mul3A_663, %get3A_666 : vector<16xi32>
    %swap3A_668 = arith.constant 272 : index
    %swap3A_669 = tpu.vector_load %arg6[%swap3A_668] {strides = array<i32>} : memref<25600xi32, #tpu.memory_space<vmem>>, vector<16xi32>,
    %swap3A_670 = vector.shape_cast %swap3A_669 : vector<16xi32> to vector<16xi32>
    %swap3A_671 = vector.shape_cast %add3A_667 : vector<16xi32> to vector<16xi32>
    tpu.vector_store %arg6[%swap3A_668], %swap3A_671 {strides = array<i32>} : memref<25600xi32, #tpu.memory_space<vmem>>, vector<16xi32>,
    %add3A_672 = arith.constant 288 : i32
    %add3A_673 = arith.addi %mul3A_2, %add3A_672 : i32
    %add3A_674 = vector.broadcast %add3A_673 : i32 to vector<16xi32>
    %add3A_675 = arith.addi %add3A_674, %iota3A : vector<16xi32>
    %jit3A_676 = arith.constant 200 : i32
    %eq3A_677 = arith.constant 0 : i32
    %eq3A_678 = arith.cmpi eq, %jit3A_676, %eq3A_677 : i32
    %jit3A_679 = arith.constant 1 : i32
    %select_n3A_680 = arith.select %eq3A_678, %jit3A_679, %jit3A_676 : i32
    %rem3A_681 = vector.broadcast %select_n3A_680 : i32 to vector<16xi32>
    %rem3A_682 = arith.remsi %add3A_675, %rem3A_681 : vector<16xi32>
    %ne3A_683 = arith.constant 0 : i32
    %ne3A_684 = vector.broadcast %ne3A_683 : i32 to vector<16xi32>
    %ne3A_685 = arith.cmpi ne, %rem3A_682, %ne3A_684 : vector<16xi32>
    %lt3A_686 = arith.constant 0 : i32
    %lt3A_687 = vector.broadcast %lt3A_686 : i32 to vector<16xi32>
    %lt3A_688 = arith.cmpi slt, %rem3A_682, %lt3A_687 : vector<16xi32>
    %lt3A_689 = arith.constant 0 : i32
    %lt3A_690 = arith.cmpi slt, %select_n3A_680, %lt3A_689 : i32
    %ne3A_691 = vector.broadcast %lt3A_690 : i1 to vector<16xi1>
    %ne3A_692 = vector.broadcast %ne3A_691 : vector<16xi1> to vector<16xi1>
    %ne3A_693 = arith.xori %lt3A_688, %ne3A_692 : vector<16xi1>
    %and3A_694 = arith.andi %ne3A_693, %ne3A_685 : vector<16xi1>
    %add3A_695 = vector.broadcast %select_n3A_680 : i32 to vector<16xi32>
    %add3A_696 = arith.addi %rem3A_682, %add3A_695 : vector<16xi32>
    %select_n3A_697 = arith.select %and3A_694, %add3A_696, %rem3A_682 : vector<16xi1>, vector<16xi32>
    %mul3A_698 = arith.constant 4 : i32
    %mul3A_699 = vector.broadcast %mul3A_698 : i32 to vector<16xi32>
    %mul3A_700 = arith.muli %select_n3A_697, %mul3A_699 : vector<16xi32>
    %get3A_701 = arith.constant 288 : index
    %get3A_702 = tpu.vector_load %arg6[%get3A_701] {strides = array<i32>} : memref<25600xi32, #tpu.memory_space<vmem>>, vector<16xi32>,
    %get3A_703 = vector.shape_cast %get3A_702 : vector<16xi32> to vector<16xi32>
    %add3A_704 = arith.addi %mul3A_700, %get3A_703 : vector<16xi32>
    %swap3A_705 = arith.constant 288 : index
    %swap3A_706 = tpu.vector_load %arg6[%swap3A_705] {strides = array<i32>} : memref<25600xi32, #tpu.memory_space<vmem>>, vector<16xi32>,
    %swap3A_707 = vector.shape_cast %swap3A_706 : vector<16xi32> to vector<16xi32>
    %swap3A_708 = vector.shape_cast %add3A_704 : vector<16xi32> to vector<16xi32>
    tpu.vector_store %arg6[%swap3A_705], %swap3A_708 {strides = array<i32>} : memref<25600xi32, #tpu.memory_space<vmem>>, vector<16xi32>,
    %add3A_709 = arith.constant 304 : i32
    %add3A_710 = arith.addi %mul3A_2, %add3A_709 : i32
    %add3A_711 = vector.broadcast %add3A_710 : i32 to vector<16xi32>
    %add3A_712 = arith.addi %add3A_711, %iota3A : vector<16xi32>
    %jit3A_713 = arith.constant 200 : i32
    %eq3A_714 = arith.constant 0 : i32
    %eq3A_715 = arith.cmpi eq, %jit3A_713, %eq3A_714 : i32
    %jit3A_716 = arith.constant 1 : i32
    %select_n3A_717 = arith.select %eq3A_715, %jit3A_716, %jit3A_713 : i32
    %rem3A_718 = vector.broadcast %select_n3A_717 : i32 to vector<16xi32>
    %rem3A_719 = arith.remsi %add3A_712, %rem3A_718 : vector<16xi32>
    %ne3A_720 = arith.constant 0 : i32
    %ne3A_721 = vector.broadcast %ne3A_720 : i32 to vector<16xi32>
    %ne3A_722 = arith.cmpi ne, %rem3A_719, %ne3A_721 : vector<16xi32>
    %lt3A_723 = arith.constant 0 : i32
    %lt3A_724 = vector.broadcast %lt3A_723 : i32 to vector<16xi32>
    %lt3A_725 = arith.cmpi slt, %rem3A_719, %lt3A_724 : vector<16xi32>
    %lt3A_726 = arith.constant 0 : i32
    %lt3A_727 = arith.cmpi slt, %select_n3A_717, %lt3A_726 : i32
    %ne3A_728 = vector.broadcast %lt3A_727 : i1 to vector<16xi1>
    %ne3A_729 = vector.broadcast %ne3A_728 : vector<16xi1> to vector<16xi1>
    %ne3A_730 = arith.xori %lt3A_725, %ne3A_729 : vector<16xi1>
    %and3A_731 = arith.andi %ne3A_730, %ne3A_722 : vector<16xi1>
    %add3A_732 = vector.broadcast %select_n3A_717 : i32 to vector<16xi32>
    %add3A_733 = arith.addi %rem3A_719, %add3A_732 : vector<16xi32>
    %select_n3A_734 = arith.select %and3A_731, %add3A_733, %rem3A_719 : vector<16xi1>, vector<16xi32>
    %mul3A_735 = arith.constant 4 : i32
    %mul3A_736 = vector.broadcast %mul3A_735 : i32 to vector<16xi32>
    %mul3A_737 = arith.muli %select_n3A_734, %mul3A_736 : vector<16xi32>
    %get3A_738 = arith.constant 304 : index
    %get3A_739 = tpu.vector_load %arg6[%get3A_738] {strides = array<i32>} : memref<25600xi32, #tpu.memory_space<vmem>>, vector<16xi32>,
    %get3A_740 = vector.shape_cast %get3A_739 : vector<16xi32> to vector<16xi32>
    %add3A_741 = arith.addi %mul3A_737, %get3A_740 : vector<16xi32>
    %swap3A_742 = arith.constant 304 : index
    %swap3A_743 = tpu.vector_load %arg6[%swap3A_742] {strides = array<i32>} : memref<25600xi32, #tpu.memory_space<vmem>>, vector<16xi32>,
    %swap3A_744 = vector.shape_cast %swap3A_743 : vector<16xi32> to vector<16xi32>
    %swap3A_745 = vector.shape_cast %add3A_741 : vector<16xi32> to vector<16xi32>
    tpu.vector_store %arg6[%swap3A_742], %swap3A_745 {strides = array<i32>} : memref<25600xi32, #tpu.memory_space<vmem>>, vector<16xi32>,
    %add3A_746 = arith.constant 320 : i32
    %add3A_747 = arith.addi %mul3A_2, %add3A_746 : i32
    %add3A_748 = vector.broadcast %add3A_747 : i32 to vector<16xi32>
    %add3A_749 = arith.addi %add3A_748, %iota3A : vector<16xi32>
    %jit3A_750 = arith.constant 200 : i32
    %eq3A_751 = arith.constant 0 : i32
    %eq3A_752 = arith.cmpi eq, %jit3A_750, %eq3A_751 : i32
    %jit3A_753 = arith.constant 1 : i32
    %select_n3A_754 = arith.select %eq3A_752, %jit3A_753, %jit3A_750 : i32
    %rem3A_755 = vector.broadcast %select_n3A_754 : i32 to vector<16xi32>
    %rem3A_756 = arith.remsi %add3A_749, %rem3A_755 : vector<16xi32>
    %ne3A_757 = arith.constant 0 : i32
    %ne3A_758 = vector.broadcast %ne3A_757 : i32 to vector<16xi32>
    %ne3A_759 = arith.cmpi ne, %rem3A_756, %ne3A_758 : vector<16xi32>
    %lt3A_760 = arith.constant 0 : i32
    %lt3A_761 = vector.broadcast %lt3A_760 : i32 to vector<16xi32>
    %lt3A_762 = arith.cmpi slt, %rem3A_756, %lt3A_761 : vector<16xi32>
    %lt3A_763 = arith.constant 0 : i32
    %lt3A_764 = arith.cmpi slt, %select_n3A_754, %lt3A_763 : i32
    %ne3A_765 = vector.broadcast %lt3A_764 : i1 to vector<16xi1>
    %ne3A_766 = vector.broadcast %ne3A_765 : vector<16xi1> to vector<16xi1>
    %ne3A_767 = arith.xori %lt3A_762, %ne3A_766 : vector<16xi1>
    %and3A_768 = arith.andi %ne3A_767, %ne3A_759 : vector<16xi1>
    %add3A_769 = vector.broadcast %select_n3A_754 : i32 to vector<16xi32>
    %add3A_770 = arith.addi %rem3A_756, %add3A_769 : vector<16xi32>
    %select_n3A_771 = arith.select %and3A_768, %add3A_770, %rem3A_756 : vector<16xi1>, vector<16xi32>
    %mul3A_772 = arith.constant 4 : i32
    %mul3A_773 = vector.broadcast %mul3A_772 : i32 to vector<16xi32>
    %mul3A_774 = arith.muli %select_n3A_771, %mul3A_773 : vector<16xi32>
    %get3A_775 = arith.constant 320 : index
    %get3A_776 = tpu.vector_load %arg6[%get3A_775] {strides = array<i32>} : memref<25600xi32, #tpu.memory_space<vmem>>, vector<16xi32>,
    %get3A_777 = vector.shape_cast %get3A_776 : vector<16xi32> to vector<16xi32>
    %add3A_778 = arith.addi %mul3A_774, %get3A_777 : vector<16xi32>
    %swap3A_779 = arith.constant 320 : index
    %swap3A_780 = tpu.vector_load %arg6[%swap3A_779] {strides = array<i32>} : memref<25600xi32, #tpu.memory_space<vmem>>, vector<16xi32>,
    %swap3A_781 = vector.shape_cast %swap3A_780 : vector<16xi32> to vector<16xi32>
    %swap3A_782 = vector.shape_cast %add3A_778 : vector<16xi32> to vector<16xi32>
    tpu.vector_store %arg6[%swap3A_779], %swap3A_782 {strides = array<i32>} : memref<25600xi32, #tpu.memory_space<vmem>>, vector<16xi32>,
    %add3A_783 = arith.constant 336 : i32
    %add3A_784 = arith.addi %mul3A_2, %add3A_783 : i32
    %add3A_785 = vector.broadcast %add3A_784 : i32 to vector<16xi32>
    %add3A_786 = arith.addi %add3A_785, %iota3A : vector<16xi32>
    %jit3A_787 = arith.constant 200 : i32
    %eq3A_788 = arith.constant 0 : i32
    %eq3A_789 = arith.cmpi eq, %jit3A_787, %eq3A_788 : i32
    %jit3A_790 = arith.constant 1 : i32
    %select_n3A_791 = arith.select %eq3A_789, %jit3A_790, %jit3A_787 : i32
    %rem3A_792 = vector.broadcast %select_n3A_791 : i32 to vector<16xi32>
    %rem3A_793 = arith.remsi %add3A_786, %rem3A_792 : vector<16xi32>
    %ne3A_794 = arith.constant 0 : i32
    %ne3A_795 = vector.broadcast %ne3A_794 : i32 to vector<16xi32>
    %ne3A_796 = arith.cmpi ne, %rem3A_793, %ne3A_795 : vector<16xi32>
    %lt3A_797 = arith.constant 0 : i32
    %lt3A_798 = vector.broadcast %lt3A_797 : i32 to vector<16xi32>
    %lt3A_799 = arith.cmpi slt, %rem3A_793, %lt3A_798 : vector<16xi32>
    %lt3A_800 = arith.constant 0 : i32
    %lt3A_801 = arith.cmpi slt, %select_n3A_791, %lt3A_800 : i32
    %ne3A_802 = vector.broadcast %lt3A_801 : i1 to vector<16xi1>
    %ne3A_803 = vector.broadcast %ne3A_802 : vector<16xi1> to vector<16xi1>
    %ne3A_804 = arith.xori %lt3A_799, %ne3A_803 : vector<16xi1>
    %and3A_805 = arith.andi %ne3A_804, %ne3A_796 : vector<16xi1>
    %add3A_806 = vector.broadcast %select_n3A_791 : i32 to vector<16xi32>
    %add3A_807 = arith.addi %rem3A_793, %add3A_806 : vector<16xi32>
    %select_n3A_808 = arith.select %and3A_805, %add3A_807, %rem3A_793 : vector<16xi1>, vector<16xi32>
    %mul3A_809 = arith.constant 4 : i32
    %mul3A_810 = vector.broadcast %mul3A_809 : i32 to vector<16xi32>
    %mul3A_811 = arith.muli %select_n3A_808, %mul3A_810 : vector<16xi32>
    %get3A_812 = arith.constant 336 : index
    %get3A_813 = tpu.vector_load %arg6[%get3A_812] {strides = array<i32>} : memref<25600xi32, #tpu.memory_space<vmem>>, vector<16xi32>,
    %get3A_814 = vector.shape_cast %get3A_813 : vector<16xi32> to vector<16xi32>
    %add3A_815 = arith.addi %mul3A_811, %get3A_814 : vector<16xi32>
    %swap3A_816 = arith.constant 336 : index
    %swap3A_817 = tpu.vector_load %arg6[%swap3A_816] {strides = array<i32>} : memref<25600xi32, #tpu.memory_space<vmem>>, vector<16xi32>,
    %swap3A_818 = vector.shape_cast %swap3A_817 : vector<16xi32> to vector<16xi32>
    %swap3A_819 = vector.shape_cast %add3A_815 : vector<16xi32> to vector<16xi32>
    tpu.vector_store %arg6[%swap3A_816], %swap3A_819 {strides = array<i32>} : memref<25600xi32, #tpu.memory_space<vmem>>, vector<16xi32>,
    %add3A_820 = arith.constant 352 : i32
    %add3A_821 = arith.addi %mul3A_2, %add3A_820 : i32
    %add3A_822 = vector.broadcast %add3A_821 : i32 to vector<16xi32>
    %add3A_823 = arith.addi %add3A_822, %iota3A : vector<16xi32>
    %jit3A_824 = arith.constant 200 : i32
    %eq3A_825 = arith.constant 0 : i32
    %eq3A_826 = arith.cmpi eq, %jit3A_824, %eq3A_825 : i32
    %jit3A_827 = arith.constant 1 : i32
    %select_n3A_828 = arith.select %eq3A_826, %jit3A_827, %jit3A_824 : i32
    %rem3A_829 = vector.broadcast %select_n3A_828 : i32 to vector<16xi32>
    %rem3A_830 = arith.remsi %add3A_823, %rem3A_829 : vector<16xi32>
    %ne3A_831 = arith.constant 0 : i32
    %ne3A_832 = vector.broadcast %ne3A_831 : i32 to vector<16xi32>
    %ne3A_833 = arith.cmpi ne, %rem3A_830, %ne3A_832 : vector<16xi32>
    %lt3A_834 = arith.constant 0 : i32
    %lt3A_835 = vector.broadcast %lt3A_834 : i32 to vector<16xi32>
    %lt3A_836 = arith.cmpi slt, %rem3A_830, %lt3A_835 : vector<16xi32>
    %lt3A_837 = arith.constant 0 : i32
    %lt3A_838 = arith.cmpi slt, %select_n3A_828, %lt3A_837 : i32
    %ne3A_839 = vector.broadcast %lt3A_838 : i1 to vector<16xi1>
    %ne3A_840 = vector.broadcast %ne3A_839 : vector<16xi1> to vector<16xi1>
    %ne3A_841 = arith.xori %lt3A_836, %ne3A_840 : vector<16xi1>
    %and3A_842 = arith.andi %ne3A_841, %ne3A_833 : vector<16xi1>
    %add3A_843 = vector.broadcast %select_n3A_828 : i32 to vector<16xi32>
    %add3A_844 = arith.addi %rem3A_830, %add3A_843 : vector<16xi32>
    %select_n3A_845 = arith.select %and3A_842, %add3A_844, %rem3A_830 : vector<16xi1>, vector<16xi32>
    %mul3A_846 = arith.constant 4 : i32
    %mul3A_847 = vector.broadcast %mul3A_846 : i32 to vector<16xi32>
    %mul3A_848 = arith.muli %select_n3A_845, %mul3A_847 : vector<16xi32>
    %get3A_849 = arith.constant 352 : index
    %get3A_850 = tpu.vector_load %arg6[%get3A_849] {strides = array<i32>} : memref<25600xi32, #tpu.memory_space<vmem>>, vector<16xi32>,
    %get3A_851 = vector.shape_cast %get3A_850 : vector<16xi32> to vector<16xi32>
    %add3A_852 = arith.addi %mul3A_848, %get3A_851 : vector<16xi32>
    %swap3A_853 = arith.constant 352 : index
    %swap3A_854 = tpu.vector_load %arg6[%swap3A_853] {strides = array<i32>} : memref<25600xi32, #tpu.memory_space<vmem>>, vector<16xi32>,
    %swap3A_855 = vector.shape_cast %swap3A_854 : vector<16xi32> to vector<16xi32>
    %swap3A_856 = vector.shape_cast %add3A_852 : vector<16xi32> to vector<16xi32>
    tpu.vector_store %arg6[%swap3A_853], %swap3A_856 {strides = array<i32>} : memref<25600xi32, #tpu.memory_space<vmem>>, vector<16xi32>,
    %add3A_857 = arith.constant 368 : i32
    %add3A_858 = arith.addi %mul3A_2, %add3A_857 : i32
    %add3A_859 = vector.broadcast %add3A_858 : i32 to vector<16xi32>
    %add3A_860 = arith.addi %add3A_859, %iota3A : vector<16xi32>
    %jit3A_861 = arith.constant 200 : i32
    %eq3A_862 = arith.constant 0 : i32
    %eq3A_863 = arith.cmpi eq, %jit3A_861, %eq3A_862 : i32
    %jit3A_864 = arith.constant 1 : i32
    %select_n3A_865 = arith.select %eq3A_863, %jit3A_864, %jit3A_861 : i32
    %rem3A_866 = vector.broadcast %select_n3A_865 : i32 to vector<16xi32>
    %rem3A_867 = arith.remsi %add3A_860, %rem3A_866 : vector<16xi32>
    %ne3A_868 = arith.constant 0 : i32
    %ne3A_869 = vector.broadcast %ne3A_868 : i32 to vector<16xi32>
    %ne3A_870 = arith.cmpi ne, %rem3A_867, %ne3A_869 : vector<16xi32>
    %lt3A_871 = arith.constant 0 : i32
    %lt3A_872 = vector.broadcast %lt3A_871 : i32 to vector<16xi32>
    %lt3A_873 = arith.cmpi slt, %rem3A_867, %lt3A_872 : vector<16xi32>
    %lt3A_874 = arith.constant 0 : i32
    %lt3A_875 = arith.cmpi slt, %select_n3A_865, %lt3A_874 : i32
    %ne3A_876 = vector.broadcast %lt3A_875 : i1 to vector<16xi1>
    %ne3A_877 = vector.broadcast %ne3A_876 : vector<16xi1> to vector<16xi1>
    %ne3A_878 = arith.xori %lt3A_873, %ne3A_877 : vector<16xi1>
    %and3A_879 = arith.andi %ne3A_878, %ne3A_870 : vector<16xi1>
    %add3A_880 = vector.broadcast %select_n3A_865 : i32 to vector<16xi32>
    %add3A_881 = arith.addi %rem3A_867, %add3A_880 : vector<16xi32>
    %select_n3A_882 = arith.select %and3A_879, %add3A_881, %rem3A_867 : vector<16xi1>, vector<16xi32>
    %mul3A_883 = arith.constant 4 : i32
    %mul3A_884 = vector.broadcast %mul3A_883 : i32 to vector<16xi32>
    %mul3A_885 = arith.muli %select_n3A_882, %mul3A_884 : vector<16xi32>
    %get3A_886 = arith.constant 368 : index
    %get3A_887 = tpu.vector_load %arg6[%get3A_886] {strides = array<i32>} : memref<25600xi32, #tpu.memory_space<vmem>>, vector<16xi32>,
    %get3A_888 = vector.shape_cast %get3A_887 : vector<16xi32> to vector<16xi32>
    %add3A_889 = arith.addi %mul3A_885, %get3A_888 : vector<16xi32>
    %swap3A_890 = arith.constant 368 : index
    %swap3A_891 = tpu.vector_load %arg6[%swap3A_890] {strides = array<i32>} : memref<25600xi32, #tpu.memory_space<vmem>>, vector<16xi32>,
    %swap3A_892 = vector.shape_cast %swap3A_891 : vector<16xi32> to vector<16xi32>
    %swap3A_893 = vector.shape_cast %add3A_889 : vector<16xi32> to vector<16xi32>
    tpu.vector_store %arg6[%swap3A_890], %swap3A_893 {strides = array<i32>} : memref<25600xi32, #tpu.memory_space<vmem>>, vector<16xi32>,
    %dma_start3A_894 = arith.constant 256 : i32
    %dma_start3A_895 = tpu.memref_slice %arg6[%dma_start3A_894] : memref<25600xi32, #tpu.memory_space<vmem>> -> memref<128xi32, #tpu.memory_space<vmem>>
    %dma_start3A_896 = arith.constant 0 : i32
    %dma_start3A_897 = arith.constant 0 : i32
    %dma_start3A_898 = tpu.memref_slice %arg5[%dma_start3A_896, %dma_start3A_897] : memref<800x128xf32, #tpu.memory_space<vmem_shared>> -> memref<800x128xf32, #tpu.memory_space<vmem_shared>>
    tpu.enqueue_indirect_dma source(%dma_start3A_898 : memref<800x128xf32, #tpu.memory_space<vmem_shared>>) target(%arg9 : memref<128x128xf32, #tpu.memory_space<vmem>>) offsets(%dma_start3A_895 : memref<128xi32, #tpu.memory_space<vmem>>) semaphore(%arg13 : memref<!tpu.dma_semaphore, #tpu.memory_space<semaphore_mem>>)
    %add3A_899 = arith.constant 384 : i32
    %add3A_900 = arith.addi %mul3A_2, %add3A_899 : i32
    %add3A_901 = vector.broadcast %add3A_900 : i32 to vector<16xi32>
    %add3A_902 = arith.addi %add3A_901, %iota3A : vector<16xi32>
    %jit3A_903 = arith.constant 200 : i32
    %eq3A_904 = arith.constant 0 : i32
    %eq3A_905 = arith.cmpi eq, %jit3A_903, %eq3A_904 : i32
    %jit3A_906 = arith.constant 1 : i32
    %select_n3A_907 = arith.select %eq3A_905, %jit3A_906, %jit3A_903 : i32
    %rem3A_908 = vector.broadcast %select_n3A_907 : i32 to vector<16xi32>
    %rem3A_909 = arith.remsi %add3A_902, %rem3A_908 : vector<16xi32>
    %ne3A_910 = arith.constant 0 : i32
    %ne3A_911 = vector.broadcast %ne3A_910 : i32 to vector<16xi32>
    %ne3A_912 = arith.cmpi ne, %rem3A_909, %ne3A_911 : vector<16xi32>
    %lt3A_913 = arith.constant 0 : i32
    %lt3A_914 = vector.broadcast %lt3A_913 : i32 to vector<16xi32>
    %lt3A_915 = arith.cmpi slt, %rem3A_909, %lt3A_914 : vector<16xi32>
    %lt3A_916 = arith.constant 0 : i32
    %lt3A_917 = arith.cmpi slt, %select_n3A_907, %lt3A_916 : i32
    %ne3A_918 = vector.broadcast %lt3A_917 : i1 to vector<16xi1>
    %ne3A_919 = vector.broadcast %ne3A_918 : vector<16xi1> to vector<16xi1>
    %ne3A_920 = arith.xori %lt3A_915, %ne3A_919 : vector<16xi1>
    %and3A_921 = arith.andi %ne3A_920, %ne3A_912 : vector<16xi1>
    %add3A_922 = vector.broadcast %select_n3A_907 : i32 to vector<16xi32>
    %add3A_923 = arith.addi %rem3A_909, %add3A_922 : vector<16xi32>
    %select_n3A_924 = arith.select %and3A_921, %add3A_923, %rem3A_909 : vector<16xi1>, vector<16xi32>
    %mul3A_925 = arith.constant 4 : i32
    %mul3A_926 = vector.broadcast %mul3A_925 : i32 to vector<16xi32>
    %mul3A_927 = arith.muli %select_n3A_924, %mul3A_926 : vector<16xi32>
    %get3A_928 = arith.constant 384 : index
    %get3A_929 = tpu.vector_load %arg6[%get3A_928] {strides = array<i32>} : memref<25600xi32, #tpu.memory_space<vmem>>, vector<16xi32>,
    %get3A_930 = vector.shape_cast %get3A_929 : vector<16xi32> to vector<16xi32>
    %add3A_931 = arith.addi %mul3A_927, %get3A_930 : vector<16xi32>
    %swap3A_932 = arith.constant 384 : index
    %swap3A_933 = tpu.vector_load %arg6[%swap3A_932] {strides = array<i32>} : memref<25600xi32, #tpu.memory_space<vmem>>, vector<16xi32>,
    %swap3A_934 = vector.shape_cast %swap3A_933 : vector<16xi32> to vector<16xi32>
    %swap3A_935 = vector.shape_cast %add3A_931 : vector<16xi32> to vector<16xi32>
    tpu.vector_store %arg6[%swap3A_932], %swap3A_935 {strides = array<i32>} : memref<25600xi32, #tpu.memory_space<vmem>>, vector<16xi32>,
    %add3A_936 = arith.constant 400 : i32
    %add3A_937 = arith.addi %mul3A_2, %add3A_936 : i32
    %add3A_938 = vector.broadcast %add3A_937 : i32 to vector<16xi32>
    %add3A_939 = arith.addi %add3A_938, %iota3A : vector<16xi32>
    %jit3A_940 = arith.constant 200 : i32
    %eq3A_941 = arith.constant 0 : i32
    %eq3A_942 = arith.cmpi eq, %jit3A_940, %eq3A_941 : i32
    %jit3A_943 = arith.constant 1 : i32
    %select_n3A_944 = arith.select %eq3A_942, %jit3A_943, %jit3A_940 : i32
    %rem3A_945 = vector.broadcast %select_n3A_944 : i32 to vector<16xi32>
    %rem3A_946 = arith.remsi %add3A_939, %rem3A_945 : vector<16xi32>
    %ne3A_947 = arith.constant 0 : i32
    %ne3A_948 = vector.broadcast %ne3A_947 : i32 to vector<16xi32>
    %ne3A_949 = arith.cmpi ne, %rem3A_946, %ne3A_948 : vector<16xi32>
    %lt3A_950 = arith.constant 0 : i32
    %lt3A_951 = vector.broadcast %lt3A_950 : i32 to vector<16xi32>
    %lt3A_952 = arith.cmpi slt, %rem3A_946, %lt3A_951 : vector<16xi32>
    %lt3A_953 = arith.constant 0 : i32
    %lt3A_954 = arith.cmpi slt, %select_n3A_944, %lt3A_953 : i32
    %ne3A_955 = vector.broadcast %lt3A_954 : i1 to vector<16xi1>
    %ne3A_956 = vector.broadcast %ne3A_955 : vector<16xi1> to vector<16xi1>
    %ne3A_957 = arith.xori %lt3A_952, %ne3A_956 : vector<16xi1>
    %and3A_958 = arith.andi %ne3A_957, %ne3A_949 : vector<16xi1>
    %add3A_959 = vector.broadcast %select_n3A_944 : i32 to vector<16xi32>
    %add3A_960 = arith.addi %rem3A_946, %add3A_959 : vector<16xi32>
    %select_n3A_961 = arith.select %and3A_958, %add3A_960, %rem3A_946 : vector<16xi1>, vector<16xi32>
    %mul3A_962 = arith.constant 4 : i32
    %mul3A_963 = vector.broadcast %mul3A_962 : i32 to vector<16xi32>
    %mul3A_964 = arith.muli %select_n3A_961, %mul3A_963 : vector<16xi32>
    %get3A_965 = arith.constant 400 : index
    %get3A_966 = tpu.vector_load %arg6[%get3A_965] {strides = array<i32>} : memref<25600xi32, #tpu.memory_space<vmem>>, vector<16xi32>,
    %get3A_967 = vector.shape_cast %get3A_966 : vector<16xi32> to vector<16xi32>
    %add3A_968 = arith.addi %mul3A_964, %get3A_967 : vector<16xi32>
    %swap3A_969 = arith.constant 400 : index
    %swap3A_970 = tpu.vector_load %arg6[%swap3A_969] {strides = array<i32>} : memref<25600xi32, #tpu.memory_space<vmem>>, vector<16xi32>,
    %swap3A_971 = vector.shape_cast %swap3A_970 : vector<16xi32> to vector<16xi32>
    %swap3A_972 = vector.shape_cast %add3A_968 : vector<16xi32> to vector<16xi32>
    tpu.vector_store %arg6[%swap3A_969], %swap3A_972 {strides = array<i32>} : memref<25600xi32, #tpu.memory_space<vmem>>, vector<16xi32>,
    %add3A_973 = arith.constant 416 : i32
    %add3A_974 = arith.addi %mul3A_2, %add3A_973 : i32
    %add3A_975 = vector.broadcast %add3A_974 : i32 to vector<16xi32>
    %add3A_976 = arith.addi %add3A_975, %iota3A : vector<16xi32>
    %jit3A_977 = arith.constant 200 : i32
    %eq3A_978 = arith.constant 0 : i32
    %eq3A_979 = arith.cmpi eq, %jit3A_977, %eq3A_978 : i32
    %jit3A_980 = arith.constant 1 : i32
    %select_n3A_981 = arith.select %eq3A_979, %jit3A_980, %jit3A_977 : i32
    %rem3A_982 = vector.broadcast %select_n3A_981 : i32 to vector<16xi32>
    %rem3A_983 = arith.remsi %add3A_976, %rem3A_982 : vector<16xi32>
    %ne3A_984 = arith.constant 0 : i32
    %ne3A_985 = vector.broadcast %ne3A_984 : i32 to vector<16xi32>
    %ne3A_986 = arith.cmpi ne, %rem3A_983, %ne3A_985 : vector<16xi32>
    %lt3A_987 = arith.constant 0 : i32
    %lt3A_988 = vector.broadcast %lt3A_987 : i32 to vector<16xi32>
    %lt3A_989 = arith.cmpi slt, %rem3A_983, %lt3A_988 : vector<16xi32>
    %lt3A_990 = arith.constant 0 : i32
    %lt3A_991 = arith.cmpi slt, %select_n3A_981, %lt3A_990 : i32
    %ne3A_992 = vector.broadcast %lt3A_991 : i1 to vector<16xi1>
    %ne3A_993 = vector.broadcast %ne3A_992 : vector<16xi1> to vector<16xi1>
    %ne3A_994 = arith.xori %lt3A_989, %ne3A_993 : vector<16xi1>
    %and3A_995 = arith.andi %ne3A_994, %ne3A_986 : vector<16xi1>
    %add3A_996 = vector.broadcast %select_n3A_981 : i32 to vector<16xi32>
    %add3A_997 = arith.addi %rem3A_983, %add3A_996 : vector<16xi32>
    %select_n3A_998 = arith.select %and3A_995, %add3A_997, %rem3A_983 : vector<16xi1>, vector<16xi32>
    %mul3A_999 = arith.constant 4 : i32
    %mul3A_1000 = vector.broadcast %mul3A_999 : i32 to vector<16xi32>
    %mul3A_1001 = arith.muli %select_n3A_998, %mul3A_1000 : vector<16xi32>
    %get3A_1002 = arith.constant 416 : index
    %get3A_1003 = tpu.vector_load %arg6[%get3A_1002] {strides = array<i32>} : memref<25600xi32, #tpu.memory_space<vmem>>, vector<16xi32>,
    %get3A_1004 = vector.shape_cast %get3A_1003 : vector<16xi32> to vector<16xi32>
    %add3A_1005 = arith.addi %mul3A_1001, %get3A_1004 : vector<16xi32>
    %swap3A_1006 = arith.constant 416 : index
    %swap3A_1007 = tpu.vector_load %arg6[%swap3A_1006] {strides = array<i32>} : memref<25600xi32, #tpu.memory_space<vmem>>, vector<16xi32>,
    %swap3A_1008 = vector.shape_cast %swap3A_1007 : vector<16xi32> to vector<16xi32>
    %swap3A_1009 = vector.shape_cast %add3A_1005 : vector<16xi32> to vector<16xi32>
    tpu.vector_store %arg6[%swap3A_1006], %swap3A_1009 {strides = array<i32>} : memref<25600xi32, #tpu.memory_space<vmem>>, vector<16xi32>,
    %add3A_1010 = arith.constant 432 : i32
    %add3A_1011 = arith.addi %mul3A_2, %add3A_1010 : i32
    %add3A_1012 = vector.broadcast %add3A_1011 : i32 to vector<16xi32>
    %add3A_1013 = arith.addi %add3A_1012, %iota3A : vector<16xi32>
    %jit3A_1014 = arith.constant 200 : i32
    %eq3A_1015 = arith.constant 0 : i32
    %eq3A_1016 = arith.cmpi eq, %jit3A_1014, %eq3A_1015 : i32
    %jit3A_1017 = arith.constant 1 : i32
    %select_n3A_1018 = arith.select %eq3A_1016, %jit3A_1017, %jit3A_1014 : i32
    %rem3A_1019 = vector.broadcast %select_n3A_1018 : i32 to vector<16xi32>
    %rem3A_1020 = arith.remsi %add3A_1013, %rem3A_1019 : vector<16xi32>
    %ne3A_1021 = arith.constant 0 : i32
    %ne3A_1022 = vector.broadcast %ne3A_1021 : i32 to vector<16xi32>
    %ne3A_1023 = arith.cmpi ne, %rem3A_1020, %ne3A_1022 : vector<16xi32>
    %lt3A_1024 = arith.constant 0 : i32
    %lt3A_1025 = vector.broadcast %lt3A_1024 : i32 to vector<16xi32>
    %lt3A_1026 = arith.cmpi slt, %rem3A_1020, %lt3A_1025 : vector<16xi32>
    %lt3A_1027 = arith.constant 0 : i32
    %lt3A_1028 = arith.cmpi slt, %select_n3A_1018, %lt3A_1027 : i32
    %ne3A_1029 = vector.broadcast %lt3A_1028 : i1 to vector<16xi1>
    %ne3A_1030 = vector.broadcast %ne3A_1029 : vector<16xi1> to vector<16xi1>
    %ne3A_1031 = arith.xori %lt3A_1026, %ne3A_1030 : vector<16xi1>
    %and3A_1032 = arith.andi %ne3A_1031, %ne3A_1023 : vector<16xi1>
    %add3A_1033 = vector.broadcast %select_n3A_1018 : i32 to vector<16xi32>
    %add3A_1034 = arith.addi %rem3A_1020, %add3A_1033 : vector<16xi32>
    %select_n3A_1035 = arith.select %and3A_1032, %add3A_1034, %rem3A_1020 : vector<16xi1>, vector<16xi32>
    %mul3A_1036 = arith.constant 4 : i32
    %mul3A_1037 = vector.broadcast %mul3A_1036 : i32 to vector<16xi32>
    %mul3A_1038 = arith.muli %select_n3A_1035, %mul3A_1037 : vector<16xi32>
    %get3A_1039 = arith.constant 432 : index
    %get3A_1040 = tpu.vector_load %arg6[%get3A_1039] {strides = array<i32>} : memref<25600xi32, #tpu.memory_space<vmem>>, vector<16xi32>,
    %get3A_1041 = vector.shape_cast %get3A_1040 : vector<16xi32> to vector<16xi32>
    %add3A_1042 = arith.addi %mul3A_1038, %get3A_1041 : vector<16xi32>
    %swap3A_1043 = arith.constant 432 : index
    %swap3A_1044 = tpu.vector_load %arg6[%swap3A_1043] {strides = array<i32>} : memref<25600xi32, #tpu.memory_space<vmem>>, vector<16xi32>,
    %swap3A_1045 = vector.shape_cast %swap3A_1044 : vector<16xi32> to vector<16xi32>
    %swap3A_1046 = vector.shape_cast %add3A_1042 : vector<16xi32> to vector<16xi32>
    tpu.vector_store %arg6[%swap3A_1043], %swap3A_1046 {strides = array<i32>} : memref<25600xi32, #tpu.memory_space<vmem>>, vector<16xi32>,
    %add3A_1047 = arith.constant 448 : i32
    %add3A_1048 = arith.addi %mul3A_2, %add3A_1047 : i32
    %add3A_1049 = vector.broadcast %add3A_1048 : i32 to vector<16xi32>
    %add3A_1050 = arith.addi %add3A_1049, %iota3A : vector<16xi32>
    %jit3A_1051 = arith.constant 200 : i32
    %eq3A_1052 = arith.constant 0 : i32
    %eq3A_1053 = arith.cmpi eq, %jit3A_1051, %eq3A_1052 : i32
    %jit3A_1054 = arith.constant 1 : i32
    %select_n3A_1055 = arith.select %eq3A_1053, %jit3A_1054, %jit3A_1051 : i32
    %rem3A_1056 = vector.broadcast %select_n3A_1055 : i32 to vector<16xi32>
    %rem3A_1057 = arith.remsi %add3A_1050, %rem3A_1056 : vector<16xi32>
    %ne3A_1058 = arith.constant 0 : i32
    %ne3A_1059 = vector.broadcast %ne3A_1058 : i32 to vector<16xi32>
    %ne3A_1060 = arith.cmpi ne, %rem3A_1057, %ne3A_1059 : vector<16xi32>
    %lt3A_1061 = arith.constant 0 : i32
    %lt3A_1062 = vector.broadcast %lt3A_1061 : i32 to vector<16xi32>
    %lt3A_1063 = arith.cmpi slt, %rem3A_1057, %lt3A_1062 : vector<16xi32>
    %lt3A_1064 = arith.constant 0 : i32
    %lt3A_1065 = arith.cmpi slt, %select_n3A_1055, %lt3A_1064 : i32
    %ne3A_1066 = vector.broadcast %lt3A_1065 : i1 to vector<16xi1>
    %ne3A_1067 = vector.broadcast %ne3A_1066 : vector<16xi1> to vector<16xi1>
    %ne3A_1068 = arith.xori %lt3A_1063, %ne3A_1067 : vector<16xi1>
    %and3A_1069 = arith.andi %ne3A_1068, %ne3A_1060 : vector<16xi1>
    %add3A_1070 = vector.broadcast %select_n3A_1055 : i32 to vector<16xi32>
    %add3A_1071 = arith.addi %rem3A_1057, %add3A_1070 : vector<16xi32>
    %select_n3A_1072 = arith.select %and3A_1069, %add3A_1071, %rem3A_1057 : vector<16xi1>, vector<16xi32>
    %mul3A_1073 = arith.constant 4 : i32
    %mul3A_1074 = vector.broadcast %mul3A_1073 : i32 to vector<16xi32>
    %mul3A_1075 = arith.muli %select_n3A_1072, %mul3A_1074 : vector<16xi32>
    %get3A_1076 = arith.constant 448 : index
    %get3A_1077 = tpu.vector_load %arg6[%get3A_1076] {strides = array<i32>} : memref<25600xi32, #tpu.memory_space<vmem>>, vector<16xi32>,
    %get3A_1078 = vector.shape_cast %get3A_1077 : vector<16xi32> to vector<16xi32>
    %add3A_1079 = arith.addi %mul3A_1075, %get3A_1078 : vector<16xi32>
    %swap3A_1080 = arith.constant 448 : index
    %swap3A_1081 = tpu.vector_load %arg6[%swap3A_1080] {strides = array<i32>} : memref<25600xi32, #tpu.memory_space<vmem>>, vector<16xi32>,
    %swap3A_1082 = vector.shape_cast %swap3A_1081 : vector<16xi32> to vector<16xi32>
    %swap3A_1083 = vector.shape_cast %add3A_1079 : vector<16xi32> to vector<16xi32>
    tpu.vector_store %arg6[%swap3A_1080], %swap3A_1083 {strides = array<i32>} : memref<25600xi32, #tpu.memory_space<vmem>>, vector<16xi32>,
    %add3A_1084 = arith.constant 464 : i32
    %add3A_1085 = arith.addi %mul3A_2, %add3A_1084 : i32
    %add3A_1086 = vector.broadcast %add3A_1085 : i32 to vector<16xi32>
    %add3A_1087 = arith.addi %add3A_1086, %iota3A : vector<16xi32>
    %jit3A_1088 = arith.constant 200 : i32
    %eq3A_1089 = arith.constant 0 : i32
    %eq3A_1090 = arith.cmpi eq, %jit3A_1088, %eq3A_1089 : i32
    %jit3A_1091 = arith.constant 1 : i32
    %select_n3A_1092 = arith.select %eq3A_1090, %jit3A_1091, %jit3A_1088 : i32
    %rem3A_1093 = vector.broadcast %select_n3A_1092 : i32 to vector<16xi32>
    %rem3A_1094 = arith.remsi %add3A_1087, %rem3A_1093 : vector<16xi32>
    %ne3A_1095 = arith.constant 0 : i32
    %ne3A_1096 = vector.broadcast %ne3A_1095 : i32 to vector<16xi32>
    %ne3A_1097 = arith.cmpi ne, %rem3A_1094, %ne3A_1096 : vector<16xi32>
    %lt3A_1098 = arith.constant 0 : i32
    %lt3A_1099 = vector.broadcast %lt3A_1098 : i32 to vector<16xi32>
    %lt3A_1100 = arith.cmpi slt, %rem3A_1094, %lt3A_1099 : vector<16xi32>
    %lt3A_1101 = arith.constant 0 : i32
    %lt3A_1102 = arith.cmpi slt, %select_n3A_1092, %lt3A_1101 : i32
    %ne3A_1103 = vector.broadcast %lt3A_1102 : i1 to vector<16xi1>
    %ne3A_1104 = vector.broadcast %ne3A_1103 : vector<16xi1> to vector<16xi1>
    %ne3A_1105 = arith.xori %lt3A_1100, %ne3A_1104 : vector<16xi1>
    %and3A_1106 = arith.andi %ne3A_1105, %ne3A_1097 : vector<16xi1>
    %add3A_1107 = vector.broadcast %select_n3A_1092 : i32 to vector<16xi32>
    %add3A_1108 = arith.addi %rem3A_1094, %add3A_1107 : vector<16xi32>
    %select_n3A_1109 = arith.select %and3A_1106, %add3A_1108, %rem3A_1094 : vector<16xi1>, vector<16xi32>
    %mul3A_1110 = arith.constant 4 : i32
    %mul3A_1111 = vector.broadcast %mul3A_1110 : i32 to vector<16xi32>
    %mul3A_1112 = arith.muli %select_n3A_1109, %mul3A_1111 : vector<16xi32>
    %get3A_1113 = arith.constant 464 : index
    %get3A_1114 = tpu.vector_load %arg6[%get3A_1113] {strides = array<i32>} : memref<25600xi32, #tpu.memory_space<vmem>>, vector<16xi32>,
    %get3A_1115 = vector.shape_cast %get3A_1114 : vector<16xi32> to vector<16xi32>
    %add3A_1116 = arith.addi %mul3A_1112, %get3A_1115 : vector<16xi32>
    %swap3A_1117 = arith.constant 464 : index
    %swap3A_1118 = tpu.vector_load %arg6[%swap3A_1117] {strides = array<i32>} : memref<25600xi32, #tpu.memory_space<vmem>>, vector<16xi32>,
    %swap3A_1119 = vector.shape_cast %swap3A_1118 : vector<16xi32> to vector<16xi32>
    %swap3A_1120 = vector.shape_cast %add3A_1116 : vector<16xi32> to vector<16xi32>
    tpu.vector_store %arg6[%swap3A_1117], %swap3A_1120 {strides = array<i32>} : memref<25600xi32, #tpu.memory_space<vmem>>, vector<16xi32>,
    %add3A_1121 = arith.constant 480 : i32
    %add3A_1122 = arith.addi %mul3A_2, %add3A_1121 : i32
    %add3A_1123 = vector.broadcast %add3A_1122 : i32 to vector<16xi32>
    %add3A_1124 = arith.addi %add3A_1123, %iota3A : vector<16xi32>
    %jit3A_1125 = arith.constant 200 : i32
    %eq3A_1126 = arith.constant 0 : i32
    %eq3A_1127 = arith.cmpi eq, %jit3A_1125, %eq3A_1126 : i32
    %jit3A_1128 = arith.constant 1 : i32
    %select_n3A_1129 = arith.select %eq3A_1127, %jit3A_1128, %jit3A_1125 : i32
    %rem3A_1130 = vector.broadcast %select_n3A_1129 : i32 to vector<16xi32>
    %rem3A_1131 = arith.remsi %add3A_1124, %rem3A_1130 : vector<16xi32>
    %ne3A_1132 = arith.constant 0 : i32
    %ne3A_1133 = vector.broadcast %ne3A_1132 : i32 to vector<16xi32>
    %ne3A_1134 = arith.cmpi ne, %rem3A_1131, %ne3A_1133 : vector<16xi32>
    %lt3A_1135 = arith.constant 0 : i32
    %lt3A_1136 = vector.broadcast %lt3A_1135 : i32 to vector<16xi32>
    %lt3A_1137 = arith.cmpi slt, %rem3A_1131, %lt3A_1136 : vector<16xi32>
    %lt3A_1138 = arith.constant 0 : i32
    %lt3A_1139 = arith.cmpi slt, %select_n3A_1129, %lt3A_1138 : i32
    %ne3A_1140 = vector.broadcast %lt3A_1139 : i1 to vector<16xi1>
    %ne3A_1141 = vector.broadcast %ne3A_1140 : vector<16xi1> to vector<16xi1>
    %ne3A_1142 = arith.xori %lt3A_1137, %ne3A_1141 : vector<16xi1>
    %and3A_1143 = arith.andi %ne3A_1142, %ne3A_1134 : vector<16xi1>
    %add3A_1144 = vector.broadcast %select_n3A_1129 : i32 to vector<16xi32>
    %add3A_1145 = arith.addi %rem3A_1131, %add3A_1144 : vector<16xi32>
    %select_n3A_1146 = arith.select %and3A_1143, %add3A_1145, %rem3A_1131 : vector<16xi1>, vector<16xi32>
    %mul3A_1147 = arith.constant 4 : i32
    %mul3A_1148 = vector.broadcast %mul3A_1147 : i32 to vector<16xi32>
    %mul3A_1149 = arith.muli %select_n3A_1146, %mul3A_1148 : vector<16xi32>
    %get3A_1150 = arith.constant 480 : index
    %get3A_1151 = tpu.vector_load %arg6[%get3A_1150] {strides = array<i32>} : memref<25600xi32, #tpu.memory_space<vmem>>, vector<16xi32>,
    %get3A_1152 = vector.shape_cast %get3A_1151 : vector<16xi32> to vector<16xi32>
    %add3A_1153 = arith.addi %mul3A_1149, %get3A_1152 : vector<16xi32>
    %swap3A_1154 = arith.constant 480 : index
    %swap3A_1155 = tpu.vector_load %arg6[%swap3A_1154] {strides = array<i32>} : memref<25600xi32, #tpu.memory_space<vmem>>, vector<16xi32>,
    %swap3A_1156 = vector.shape_cast %swap3A_1155 : vector<16xi32> to vector<16xi32>
    %swap3A_1157 = vector.shape_cast %add3A_1153 : vector<16xi32> to vector<16xi32>
    tpu.vector_store %arg6[%swap3A_1154], %swap3A_1157 {strides = array<i32>} : memref<25600xi32, #tpu.memory_space<vmem>>, vector<16xi32>,
    %add3A_1158 = arith.constant 496 : i32
    %add3A_1159 = arith.addi %mul3A_2, %add3A_1158 : i32
    %add3A_1160 = vector.broadcast %add3A_1159 : i32 to vector<16xi32>
    %add3A_1161 = arith.addi %add3A_1160, %iota3A : vector<16xi32>
    %jit3A_1162 = arith.constant 200 : i32
    %eq3A_1163 = arith.constant 0 : i32
    %eq3A_1164 = arith.cmpi eq, %jit3A_1162, %eq3A_1163 : i32
    %jit3A_1165 = arith.constant 1 : i32
    %select_n3A_1166 = arith.select %eq3A_1164, %jit3A_1165, %jit3A_1162 : i32
    %rem3A_1167 = vector.broadcast %select_n3A_1166 : i32 to vector<16xi32>
    %rem3A_1168 = arith.remsi %add3A_1161, %rem3A_1167 : vector<16xi32>
    %ne3A_1169 = arith.constant 0 : i32
    %ne3A_1170 = vector.broadcast %ne3A_1169 : i32 to vector<16xi32>
    %ne3A_1171 = arith.cmpi ne, %rem3A_1168, %ne3A_1170 : vector<16xi32>
    %lt3A_1172 = arith.constant 0 : i32
    %lt3A_1173 = vector.broadcast %lt3A_1172 : i32 to vector<16xi32>
    %lt3A_1174 = arith.cmpi slt, %rem3A_1168, %lt3A_1173 : vector<16xi32>
    %lt3A_1175 = arith.constant 0 : i32
    %lt3A_1176 = arith.cmpi slt, %select_n3A_1166, %lt3A_1175 : i32
    %ne3A_1177 = vector.broadcast %lt3A_1176 : i1 to vector<16xi1>
    %ne3A_1178 = vector.broadcast %ne3A_1177 : vector<16xi1> to vector<16xi1>
    %ne3A_1179 = arith.xori %lt3A_1174, %ne3A_1178 : vector<16xi1>
    %and3A_1180 = arith.andi %ne3A_1179, %ne3A_1171 : vector<16xi1>
    %add3A_1181 = vector.broadcast %select_n3A_1166 : i32 to vector<16xi32>
    %add3A_1182 = arith.addi %rem3A_1168, %add3A_1181 : vector<16xi32>
    %select_n3A_1183 = arith.select %and3A_1180, %add3A_1182, %rem3A_1168 : vector<16xi1>, vector<16xi32>
    %mul3A_1184 = arith.constant 4 : i32
    %mul3A_1185 = vector.broadcast %mul3A_1184 : i32 to vector<16xi32>
    %mul3A_1186 = arith.muli %select_n3A_1183, %mul3A_1185 : vector<16xi32>
    %get3A_1187 = arith.constant 496 : index
    %get3A_1188 = tpu.vector_load %arg6[%get3A_1187] {strides = array<i32>} : memref<25600xi32, #tpu.memory_space<vmem>>, vector<16xi32>,
    %get3A_1189 = vector.shape_cast %get3A_1188 : vector<16xi32> to vector<16xi32>
    %add3A_1190 = arith.addi %mul3A_1186, %get3A_1189 : vector<16xi32>
    %swap3A_1191 = arith.constant 496 : index
    %swap3A_1192 = tpu.vector_load %arg6[%swap3A_1191] {strides = array<i32>} : memref<25600xi32, #tpu.memory_space<vmem>>, vector<16xi32>,
    %swap3A_1193 = vector.shape_cast %swap3A_1192 : vector<16xi32> to vector<16xi32>
    %swap3A_1194 = vector.shape_cast %add3A_1190 : vector<16xi32> to vector<16xi32>
    tpu.vector_store %arg6[%swap3A_1191], %swap3A_1194 {strides = array<i32>} : memref<25600xi32, #tpu.memory_space<vmem>>, vector<16xi32>,
    %dma_start3A_1195 = arith.constant 384 : i32
    %dma_start3A_1196 = tpu.memref_slice %arg6[%dma_start3A_1195] : memref<25600xi32, #tpu.memory_space<vmem>> -> memref<128xi32, #tpu.memory_space<vmem>>
    %dma_start3A_1197 = arith.constant 0 : i32
    %dma_start3A_1198 = arith.constant 0 : i32
    %dma_start3A_1199 = tpu.memref_slice %arg5[%dma_start3A_1197, %dma_start3A_1198] : memref<800x128xf32, #tpu.memory_space<vmem_shared>> -> memref<800x128xf32, #tpu.memory_space<vmem_shared>>
    tpu.enqueue_indirect_dma source(%dma_start3A_1199 : memref<800x128xf32, #tpu.memory_space<vmem_shared>>) target(%arg10 : memref<128x128xf32, #tpu.memory_space<vmem>>) offsets(%dma_start3A_1196 : memref<128xi32, #tpu.memory_space<vmem>>) semaphore(%arg14 : memref<!tpu.dma_semaphore, #tpu.memory_space<semaphore_mem>>)
    %scan3A = arith.constant 0 : i32
    %scan3A_1200 = arith.constant 0 : i32
    %scan3A_1201 = arith.constant 49 : i32
    %scan3A_1202 = arith.addi %scan3A_1200, %scan3A_1201 : i32
    %scan3A_1203 = arith.constant 1 : i32
    scf.for %scan3A_1276 = %scan3A_1200 to %scan3A_1202 step %scan3A_1203  : i32 {
      %mul3A_1277 = arith.constant 4 : i32
      %mul3A_1278 = arith.muli %scan3A_1276, %mul3A_1277 : i32
      %dma_wait3A_1279 = arith.constant 0 : i32
      %dma_wait3A_1280 = arith.constant 0 : i32
      %dma_wait3A_1281 = tpu.memref_slice %arg3[%dma_wait3A_1279, %dma_wait3A_1280] : memref<800x128xf32, #tpu.memory_space<hbm>> -> memref<128x128xf32, #tpu.memory_space<hbm>>
      %dma_wait3A_1282 = arith.constant 0 : i32
      %dma_wait3A_1283 = arith.constant 0 : i32
      %dma_wait3A_1284 = tpu.memref_slice %arg3[%dma_wait3A_1282, %dma_wait3A_1283] : memref<800x128xf32, #tpu.memory_space<hbm>> -> memref<128x128xf32, #tpu.memory_space<hbm>>
      tpu.wait_dma2 semaphore(%arg11 : memref<!tpu.dma_semaphore, #tpu.memory_space<semaphore_mem>>) src(%dma_wait3A_1284 : memref<128x128xf32, #tpu.memory_space<hbm>>) dst(%arg7 : memref<128x128xf32, #tpu.memory_space<vmem>>)
      %add3A_1285 = arith.constant 0 : i32
      %add3A_1286 = arith.addi %mul3A_1278, %add3A_1285 : i32
      %mul3A_1287 = arith.constant 128 : i32
      %mul3A_1288 = arith.muli %add3A_1286, %mul3A_1287 : i32
      %add3A_1289 = arith.addi %mul3A_2, %mul3A_1288 : i32
      %dma_start3A_1290 = arith.constant 0 : i32
      %dma_start3A_1291 = tpu.memref_slice %arg4[%add3A_1289, %dma_start3A_1290] : memref<819200x128xf32, #tpu.memory_space<hbm>> -> memref<128x128xf32, #tpu.memory_space<hbm>>
      %dma_start3A_1292 = arith.constant 0 : i32
      %dma_start3A_1293 = tpu.memref_slice %arg4[%add3A_1289, %dma_start3A_1292] : memref<819200x128xf32, #tpu.memory_space<hbm>> -> memref<128x128xf32, #tpu.memory_space<hbm>>
      tpu.enqueue_dma source(%arg7 : memref<128x128xf32, #tpu.memory_space<vmem>>) target(%dma_start3A_1293 : memref<128x128xf32, #tpu.memory_space<hbm>>) target_semaphore(%arg15 : memref<!tpu.dma_semaphore, #tpu.memory_space<semaphore_mem>>)
      %dma_wait3A_1294 = arith.constant 0 : i32
      %dma_wait3A_1295 = arith.constant 0 : i32
      %dma_wait3A_1296 = tpu.memref_slice %arg3[%dma_wait3A_1294, %dma_wait3A_1295] : memref<800x128xf32, #tpu.memory_space<hbm>> -> memref<128x128xf32, #tpu.memory_space<hbm>>
      %dma_wait3A_1297 = arith.constant 0 : i32
      %dma_wait3A_1298 = arith.constant 0 : i32
      %dma_wait3A_1299 = tpu.memref_slice %arg3[%dma_wait3A_1297, %dma_wait3A_1298] : memref<800x128xf32, #tpu.memory_space<hbm>> -> memref<128x128xf32, #tpu.memory_space<hbm>>
      tpu.wait_dma2 semaphore(%arg12 : memref<!tpu.dma_semaphore, #tpu.memory_space<semaphore_mem>>) src(%dma_wait3A_1299 : memref<128x128xf32, #tpu.memory_space<hbm>>) dst(%arg8 : memref<128x128xf32, #tpu.memory_space<vmem>>)
      %add3A_1300 = arith.constant 1 : i32
      %add3A_1301 = arith.addi %mul3A_1278, %add3A_1300 : i32
      %mul3A_1302 = arith.constant 128 : i32
      %mul3A_1303 = arith.muli %add3A_1301, %mul3A_1302 : i32
      %add3A_1304 = arith.addi %mul3A_2, %mul3A_1303 : i32
      %dma_start3A_1305 = arith.constant 0 : i32
      %dma_start3A_1306 = tpu.memref_slice %arg4[%add3A_1304, %dma_start3A_1305] : memref<819200x128xf32, #tpu.memory_space<hbm>> -> memref<128x128xf32, #tpu.memory_space<hbm>>
      %dma_start3A_1307 = arith.constant 0 : i32
      %dma_start3A_1308 = tpu.memref_slice %arg4[%add3A_1304, %dma_start3A_1307] : memref<819200x128xf32, #tpu.memory_space<hbm>> -> memref<128x128xf32, #tpu.memory_space<hbm>>
      tpu.enqueue_dma source(%arg8 : memref<128x128xf32, #tpu.memory_space<vmem>>) target(%dma_start3A_1308 : memref<128x128xf32, #tpu.memory_space<hbm>>) target_semaphore(%arg16 : memref<!tpu.dma_semaphore, #tpu.memory_space<semaphore_mem>>)
      %dma_wait3A_1309 = arith.constant 0 : i32
      %dma_wait3A_1310 = arith.constant 0 : i32
      %dma_wait3A_1311 = tpu.memref_slice %arg3[%dma_wait3A_1309, %dma_wait3A_1310] : memref<800x128xf32, #tpu.memory_space<hbm>> -> memref<128x128xf32, #tpu.memory_space<hbm>>
      %dma_wait3A_1312 = arith.constant 0 : i32
      %dma_wait3A_1313 = arith.constant 0 : i32
      %dma_wait3A_1314 = tpu.memref_slice %arg3[%dma_wait3A_1312, %dma_wait3A_1313] : memref<800x128xf32, #tpu.memory_space<hbm>> -> memref<128x128xf32, #tpu.memory_space<hbm>>
      tpu.wait_dma2 semaphore(%arg13 : memref<!tpu.dma_semaphore, #tpu.memory_space<semaphore_mem>>) src(%dma_wait3A_1314 : memref<128x128xf32, #tpu.memory_space<hbm>>) dst(%arg9 : memref<128x128xf32, #tpu.memory_space<vmem>>)
      %add3A_1315 = arith.constant 2 : i32
      %add3A_1316 = arith.addi %mul3A_1278, %add3A_1315 : i32
      %mul3A_1317 = arith.constant 128 : i32
      %mul3A_1318 = arith.muli %add3A_1316, %mul3A_1317 : i32
      %add3A_1319 = arith.addi %mul3A_2, %mul3A_1318 : i32
      %dma_start3A_1320 = arith.constant 0 : i32
      %dma_start3A_1321 = tpu.memref_slice %arg4[%add3A_1319, %dma_start3A_1320] : memref<819200x128xf32, #tpu.memory_space<hbm>> -> memref<128x128xf32, #tpu.memory_space<hbm>>
      %dma_start3A_1322 = arith.constant 0 : i32
      %dma_start3A_1323 = tpu.memref_slice %arg4[%add3A_1319, %dma_start3A_1322] : memref<819200x128xf32, #tpu.memory_space<hbm>> -> memref<128x128xf32, #tpu.memory_space<hbm>>
      tpu.enqueue_dma source(%arg9 : memref<128x128xf32, #tpu.memory_space<vmem>>) target(%dma_start3A_1323 : memref<128x128xf32, #tpu.memory_space<hbm>>) target_semaphore(%arg17 : memref<!tpu.dma_semaphore, #tpu.memory_space<semaphore_mem>>)
      %dma_wait3A_1324 = arith.constant 0 : i32
      %dma_wait3A_1325 = arith.constant 0 : i32
      %dma_wait3A_1326 = tpu.memref_slice %arg3[%dma_wait3A_1324, %dma_wait3A_1325] : memref<800x128xf32, #tpu.memory_space<hbm>> -> memref<128x128xf32, #tpu.memory_space<hbm>>
      %dma_wait3A_1327 = arith.constant 0 : i32
      %dma_wait3A_1328 = arith.constant 0 : i32
      %dma_wait3A_1329 = tpu.memref_slice %arg3[%dma_wait3A_1327, %dma_wait3A_1328] : memref<800x128xf32, #tpu.memory_space<hbm>> -> memref<128x128xf32, #tpu.memory_space<hbm>>
      tpu.wait_dma2 semaphore(%arg14 : memref<!tpu.dma_semaphore, #tpu.memory_space<semaphore_mem>>) src(%dma_wait3A_1329 : memref<128x128xf32, #tpu.memory_space<hbm>>) dst(%arg10 : memref<128x128xf32, #tpu.memory_space<vmem>>)
      %add3A_1330 = arith.constant 3 : i32
      %add3A_1331 = arith.addi %mul3A_1278, %add3A_1330 : i32
      %mul3A_1332 = arith.constant 128 : i32
      %mul3A_1333 = arith.muli %add3A_1331, %mul3A_1332 : i32
      %add3A_1334 = arith.addi %mul3A_2, %mul3A_1333 : i32
      %dma_start3A_1335 = arith.constant 0 : i32
      %dma_start3A_1336 = tpu.memref_slice %arg4[%add3A_1334, %dma_start3A_1335] : memref<819200x128xf32, #tpu.memory_space<hbm>> -> memref<128x128xf32, #tpu.memory_space<hbm>>
      %dma_start3A_1337 = arith.constant 0 : i32
      %dma_start3A_1338 = tpu.memref_slice %arg4[%add3A_1334, %dma_start3A_1337] : memref<819200x128xf32, #tpu.memory_space<hbm>> -> memref<128x128xf32, #tpu.memory_space<hbm>>
      tpu.enqueue_dma source(%arg10 : memref<128x128xf32, #tpu.memory_space<vmem>>) target(%dma_start3A_1338 : memref<128x128xf32, #tpu.memory_space<hbm>>) target_semaphore(%arg18 : memref<!tpu.dma_semaphore, #tpu.memory_space<semaphore_mem>>)
      %dma_wait3A_1339 = arith.constant 0 : i32
      %dma_wait3A_1340 = arith.constant 0 : i32
      %dma_wait3A_1341 = tpu.memref_slice %arg4[%dma_wait3A_1339, %dma_wait3A_1340] : memref<819200x128xf32, #tpu.memory_space<hbm>> -> memref<128x128xf32, #tpu.memory_space<hbm>>
      %dma_wait3A_1342 = arith.constant 0 : i32
      %dma_wait3A_1343 = arith.constant 0 : i32
      %dma_wait3A_1344 = tpu.memref_slice %arg4[%dma_wait3A_1342, %dma_wait3A_1343] : memref<819200x128xf32, #tpu.memory_space<hbm>> -> memref<128x128xf32, #tpu.memory_space<hbm>>
      tpu.wait_dma2 semaphore(%arg15 : memref<!tpu.dma_semaphore, #tpu.memory_space<semaphore_mem>>) src(%arg7 : memref<128x128xf32, #tpu.memory_space<vmem>>) dst(%dma_wait3A_1344 : memref<128x128xf32, #tpu.memory_space<hbm>>)
      %add3A_1345 = arith.constant 4 : i32
      %add3A_1346 = arith.addi %mul3A_1278, %add3A_1345 : i32
      %add3A_1347 = arith.constant 0 : i32
      %add3A_1348 = arith.addi %add3A_1346, %add3A_1347 : i32
      %mul3A_1349 = arith.constant 128 : i32
      %mul3A_1350 = arith.muli %add3A_1348, %mul3A_1349 : i32
      %add3A_1351 = arith.constant 0 : i32
      %add3A_1352 = arith.addi %mul3A_1350, %add3A_1351 : i32
      %add3A_1353 = arith.addi %mul3A_2, %add3A_1352 : i32
      %add3A_1354 = vector.broadcast %add3A_1353 : i32 to vector<16xi32>
      %add3A_1355 = arith.addi %add3A_1354, %iota3A : vector<16xi32>
      %jit3A_1356 = arith.constant 200 : i32
      %eq3A_1357 = arith.constant 0 : i32
      %eq3A_1358 = arith.cmpi eq, %jit3A_1356, %eq3A_1357 : i32
      %jit3A_1359 = arith.constant 1 : i32
      %select_n3A_1360 = arith.select %eq3A_1358, %jit3A_1359, %jit3A_1356 : i32
      %rem3A_1361 = vector.broadcast %select_n3A_1360 : i32 to vector<16xi32>
      %rem3A_1362 = arith.remsi %add3A_1355, %rem3A_1361 : vector<16xi32>
      %ne3A_1363 = arith.constant 0 : i32
      %ne3A_1364 = vector.broadcast %ne3A_1363 : i32 to vector<16xi32>
      %ne3A_1365 = arith.cmpi ne, %rem3A_1362, %ne3A_1364 : vector<16xi32>
      %lt3A_1366 = arith.constant 0 : i32
      %lt3A_1367 = vector.broadcast %lt3A_1366 : i32 to vector<16xi32>
      %lt3A_1368 = arith.cmpi slt, %rem3A_1362, %lt3A_1367 : vector<16xi32>
      %lt3A_1369 = arith.constant 0 : i32
      %lt3A_1370 = arith.cmpi slt, %select_n3A_1360, %lt3A_1369 : i32
      %ne3A_1371 = vector.broadcast %lt3A_1370 : i1 to vector<16xi1>
      %ne3A_1372 = vector.broadcast %ne3A_1371 : vector<16xi1> to vector<16xi1>
      %ne3A_1373 = arith.xori %lt3A_1368, %ne3A_1372 : vector<16xi1>
      %and3A_1374 = arith.andi %ne3A_1373, %ne3A_1365 : vector<16xi1>
      %add3A_1375 = vector.broadcast %select_n3A_1360 : i32 to vector<16xi32>
      %add3A_1376 = arith.addi %rem3A_1362, %add3A_1375 : vector<16xi32>
      %select_n3A_1377 = arith.select %and3A_1374, %add3A_1376, %rem3A_1362 : vector<16xi1>, vector<16xi32>
      %mul3A_1378 = arith.constant 4 : i32
      %mul3A_1379 = vector.broadcast %mul3A_1378 : i32 to vector<16xi32>
      %mul3A_1380 = arith.muli %select_n3A_1377, %mul3A_1379 : vector<16xi32>
      %get3A_1381 = arith.index_cast %add3A_1352 : i32 to index
      %get3A_1382 = tpu.vector_load %arg6[%get3A_1381] {strides = array<i32>} : memref<25600xi32, #tpu.memory_space<vmem>>, vector<16xi32>,
      %get3A_1383 = vector.shape_cast %get3A_1382 : vector<16xi32> to vector<16xi32>
      %add3A_1384 = arith.addi %mul3A_1380, %get3A_1383 : vector<16xi32>
      %swap3A_1385 = arith.index_cast %add3A_1352 : i32 to index
      %swap3A_1386 = tpu.vector_load %arg6[%swap3A_1385] {strides = array<i32>} : memref<25600xi32, #tpu.memory_space<vmem>>, vector<16xi32>,
      %swap3A_1387 = vector.shape_cast %swap3A_1386 : vector<16xi32> to vector<16xi32>
      %swap3A_1388 = vector.shape_cast %add3A_1384 : vector<16xi32> to vector<16xi32>
      tpu.vector_store %arg6[%swap3A_1385], %swap3A_1388 {strides = array<i32>} : memref<25600xi32, #tpu.memory_space<vmem>>, vector<16xi32>,
      %mul3A_1389 = arith.constant 128 : i32
      %mul3A_1390 = arith.muli %add3A_1348, %mul3A_1389 : i32
      %add3A_1391 = arith.constant 16 : i32
      %add3A_1392 = arith.addi %mul3A_1390, %add3A_1391 : i32
      %add3A_1393 = arith.addi %mul3A_2, %add3A_1392 : i32
      %add3A_1394 = vector.broadcast %add3A_1393 : i32 to vector<16xi32>
      %add3A_1395 = arith.addi %add3A_1394, %iota3A : vector<16xi32>
      %jit3A_1396 = arith.constant 200 : i32
      %eq3A_1397 = arith.constant 0 : i32
      %eq3A_1398 = arith.cmpi eq, %jit3A_1396, %eq3A_1397 : i32
      %jit3A_1399 = arith.constant 1 : i32
      %select_n3A_1400 = arith.select %eq3A_1398, %jit3A_1399, %jit3A_1396 : i32
      %rem3A_1401 = vector.broadcast %select_n3A_1400 : i32 to vector<16xi32>
      %rem3A_1402 = arith.remsi %add3A_1395, %rem3A_1401 : vector<16xi32>
      %ne3A_1403 = arith.constant 0 : i32
      %ne3A_1404 = vector.broadcast %ne3A_1403 : i32 to vector<16xi32>
      %ne3A_1405 = arith.cmpi ne, %rem3A_1402, %ne3A_1404 : vector<16xi32>
      %lt3A_1406 = arith.constant 0 : i32
      %lt3A_1407 = vector.broadcast %lt3A_1406 : i32 to vector<16xi32>
      %lt3A_1408 = arith.cmpi slt, %rem3A_1402, %lt3A_1407 : vector<16xi32>
      %lt3A_1409 = arith.constant 0 : i32
      %lt3A_1410 = arith.cmpi slt, %select_n3A_1400, %lt3A_1409 : i32
      %ne3A_1411 = vector.broadcast %lt3A_1410 : i1 to vector<16xi1>
      %ne3A_1412 = vector.broadcast %ne3A_1411 : vector<16xi1> to vector<16xi1>
      %ne3A_1413 = arith.xori %lt3A_1408, %ne3A_1412 : vector<16xi1>
      %and3A_1414 = arith.andi %ne3A_1413, %ne3A_1405 : vector<16xi1>
      %add3A_1415 = vector.broadcast %select_n3A_1400 : i32 to vector<16xi32>
      %add3A_1416 = arith.addi %rem3A_1402, %add3A_1415 : vector<16xi32>
      %select_n3A_1417 = arith.select %and3A_1414, %add3A_1416, %rem3A_1402 : vector<16xi1>, vector<16xi32>
      %mul3A_1418 = arith.constant 4 : i32
      %mul3A_1419 = vector.broadcast %mul3A_1418 : i32 to vector<16xi32>
      %mul3A_1420 = arith.muli %select_n3A_1417, %mul3A_1419 : vector<16xi32>
      %get3A_1421 = arith.index_cast %add3A_1392 : i32 to index
      %get3A_1422 = tpu.vector_load %arg6[%get3A_1421] {strides = array<i32>} : memref<25600xi32, #tpu.memory_space<vmem>>, vector<16xi32>,
      %get3A_1423 = vector.shape_cast %get3A_1422 : vector<16xi32> to vector<16xi32>
      %add3A_1424 = arith.addi %mul3A_1420, %get3A_1423 : vector<16xi32>
      %swap3A_1425 = arith.index_cast %add3A_1392 : i32 to index
      %swap3A_1426 = tpu.vector_load %arg6[%swap3A_1425] {strides = array<i32>} : memref<25600xi32, #tpu.memory_space<vmem>>, vector<16xi32>,
      %swap3A_1427 = vector.shape_cast %swap3A_1426 : vector<16xi32> to vector<16xi32>
      %swap3A_1428 = vector.shape_cast %add3A_1424 : vector<16xi32> to vector<16xi32>
      tpu.vector_store %arg6[%swap3A_1425], %swap3A_1428 {strides = array<i32>} : memref<25600xi32, #tpu.memory_space<vmem>>, vector<16xi32>,
      %mul3A_1429 = arith.constant 128 : i32
      %mul3A_1430 = arith.muli %add3A_1348, %mul3A_1429 : i32
      %add3A_1431 = arith.constant 32 : i32
      %add3A_1432 = arith.addi %mul3A_1430, %add3A_1431 : i32
      %add3A_1433 = arith.addi %mul3A_2, %add3A_1432 : i32
      %add3A_1434 = vector.broadcast %add3A_1433 : i32 to vector<16xi32>
      %add3A_1435 = arith.addi %add3A_1434, %iota3A : vector<16xi32>
      %jit3A_1436 = arith.constant 200 : i32
      %eq3A_1437 = arith.constant 0 : i32
      %eq3A_1438 = arith.cmpi eq, %jit3A_1436, %eq3A_1437 : i32
      %jit3A_1439 = arith.constant 1 : i32
      %select_n3A_1440 = arith.select %eq3A_1438, %jit3A_1439, %jit3A_1436 : i32
      %rem3A_1441 = vector.broadcast %select_n3A_1440 : i32 to vector<16xi32>
      %rem3A_1442 = arith.remsi %add3A_1435, %rem3A_1441 : vector<16xi32>
      %ne3A_1443 = arith.constant 0 : i32
      %ne3A_1444 = vector.broadcast %ne3A_1443 : i32 to vector<16xi32>
      %ne3A_1445 = arith.cmpi ne, %rem3A_1442, %ne3A_1444 : vector<16xi32>
      %lt3A_1446 = arith.constant 0 : i32
      %lt3A_1447 = vector.broadcast %lt3A_1446 : i32 to vector<16xi32>
      %lt3A_1448 = arith.cmpi slt, %rem3A_1442, %lt3A_1447 : vector<16xi32>
      %lt3A_1449 = arith.constant 0 : i32
      %lt3A_1450 = arith.cmpi slt, %select_n3A_1440, %lt3A_1449 : i32
      %ne3A_1451 = vector.broadcast %lt3A_1450 : i1 to vector<16xi1>
      %ne3A_1452 = vector.broadcast %ne3A_1451 : vector<16xi1> to vector<16xi1>
      %ne3A_1453 = arith.xori %lt3A_1448, %ne3A_1452 : vector<16xi1>
      %and3A_1454 = arith.andi %ne3A_1453, %ne3A_1445 : vector<16xi1>
      %add3A_1455 = vector.broadcast %select_n3A_1440 : i32 to vector<16xi32>
      %add3A_1456 = arith.addi %rem3A_1442, %add3A_1455 : vector<16xi32>
      %select_n3A_1457 = arith.select %and3A_1454, %add3A_1456, %rem3A_1442 : vector<16xi1>, vector<16xi32>
      %mul3A_1458 = arith.constant 4 : i32
      %mul3A_1459 = vector.broadcast %mul3A_1458 : i32 to vector<16xi32>
      %mul3A_1460 = arith.muli %select_n3A_1457, %mul3A_1459 : vector<16xi32>
      %get3A_1461 = arith.index_cast %add3A_1432 : i32 to index
      %get3A_1462 = tpu.vector_load %arg6[%get3A_1461] {strides = array<i32>} : memref<25600xi32, #tpu.memory_space<vmem>>, vector<16xi32>,
      %get3A_1463 = vector.shape_cast %get3A_1462 : vector<16xi32> to vector<16xi32>
      %add3A_1464 = arith.addi %mul3A_1460, %get3A_1463 : vector<16xi32>
      %swap3A_1465 = arith.index_cast %add3A_1432 : i32 to index
      %swap3A_1466 = tpu.vector_load %arg6[%swap3A_1465] {strides = array<i32>} : memref<25600xi32, #tpu.memory_space<vmem>>, vector<16xi32>,
      %swap3A_1467 = vector.shape_cast %swap3A_1466 : vector<16xi32> to vector<16xi32>
      %swap3A_1468 = vector.shape_cast %add3A_1464 : vector<16xi32> to vector<16xi32>
      tpu.vector_store %arg6[%swap3A_1465], %swap3A_1468 {strides = array<i32>} : memref<25600xi32, #tpu.memory_space<vmem>>, vector<16xi32>,
      %mul3A_1469 = arith.constant 128 : i32
      %mul3A_1470 = arith.muli %add3A_1348, %mul3A_1469 : i32
      %add3A_1471 = arith.constant 48 : i32
      %add3A_1472 = arith.addi %mul3A_1470, %add3A_1471 : i32
      %add3A_1473 = arith.addi %mul3A_2, %add3A_1472 : i32
      %add3A_1474 = vector.broadcast %add3A_1473 : i32 to vector<16xi32>
      %add3A_1475 = arith.addi %add3A_1474, %iota3A : vector<16xi32>
      %jit3A_1476 = arith.constant 200 : i32
      %eq3A_1477 = arith.constant 0 : i32
      %eq3A_1478 = arith.cmpi eq, %jit3A_1476, %eq3A_1477 : i32
      %jit3A_1479 = arith.constant 1 : i32
      %select_n3A_1480 = arith.select %eq3A_1478, %jit3A_1479, %jit3A_1476 : i32
      %rem3A_1481 = vector.broadcast %select_n3A_1480 : i32 to vector<16xi32>
      %rem3A_1482 = arith.remsi %add3A_1475, %rem3A_1481 : vector<16xi32>
      %ne3A_1483 = arith.constant 0 : i32
      %ne3A_1484 = vector.broadcast %ne3A_1483 : i32 to vector<16xi32>
      %ne3A_1485 = arith.cmpi ne, %rem3A_1482, %ne3A_1484 : vector<16xi32>
      %lt3A_1486 = arith.constant 0 : i32
      %lt3A_1487 = vector.broadcast %lt3A_1486 : i32 to vector<16xi32>
      %lt3A_1488 = arith.cmpi slt, %rem3A_1482, %lt3A_1487 : vector<16xi32>
      %lt3A_1489 = arith.constant 0 : i32
      %lt3A_1490 = arith.cmpi slt, %select_n3A_1480, %lt3A_1489 : i32
      %ne3A_1491 = vector.broadcast %lt3A_1490 : i1 to vector<16xi1>
      %ne3A_1492 = vector.broadcast %ne3A_1491 : vector<16xi1> to vector<16xi1>
      %ne3A_1493 = arith.xori %lt3A_1488, %ne3A_1492 : vector<16xi1>
      %and3A_1494 = arith.andi %ne3A_1493, %ne3A_1485 : vector<16xi1>
      %add3A_1495 = vector.broadcast %select_n3A_1480 : i32 to vector<16xi32>
      %add3A_1496 = arith.addi %rem3A_1482, %add3A_1495 : vector<16xi32>
      %select_n3A_1497 = arith.select %and3A_1494, %add3A_1496, %rem3A_1482 : vector<16xi1>, vector<16xi32>
      %mul3A_1498 = arith.constant 4 : i32
      %mul3A_1499 = vector.broadcast %mul3A_1498 : i32 to vector<16xi32>
      %mul3A_1500 = arith.muli %select_n3A_1497, %mul3A_1499 : vector<16xi32>
      %get3A_1501 = arith.index_cast %add3A_1472 : i32 to index
      %get3A_1502 = tpu.vector_load %arg6[%get3A_1501] {strides = array<i32>} : memref<25600xi32, #tpu.memory_space<vmem>>, vector<16xi32>,
      %get3A_1503 = vector.shape_cast %get3A_1502 : vector<16xi32> to vector<16xi32>
      %add3A_1504 = arith.addi %mul3A_1500, %get3A_1503 : vector<16xi32>
      %swap3A_1505 = arith.index_cast %add3A_1472 : i32 to index
      %swap3A_1506 = tpu.vector_load %arg6[%swap3A_1505] {strides = array<i32>} : memref<25600xi32, #tpu.memory_space<vmem>>, vector<16xi32>,
      %swap3A_1507 = vector.shape_cast %swap3A_1506 : vector<16xi32> to vector<16xi32>
      %swap3A_1508 = vector.shape_cast %add3A_1504 : vector<16xi32> to vector<16xi32>
      tpu.vector_store %arg6[%swap3A_1505], %swap3A_1508 {strides = array<i32>} : memref<25600xi32, #tpu.memory_space<vmem>>, vector<16xi32>,
      %mul3A_1509 = arith.constant 128 : i32
      %mul3A_1510 = arith.muli %add3A_1348, %mul3A_1509 : i32
      %add3A_1511 = arith.constant 64 : i32
      %add3A_1512 = arith.addi %mul3A_1510, %add3A_1511 : i32
      %add3A_1513 = arith.addi %mul3A_2, %add3A_1512 : i32
      %add3A_1514 = vector.broadcast %add3A_1513 : i32 to vector<16xi32>
      %add3A_1515 = arith.addi %add3A_1514, %iota3A : vector<16xi32>
      %jit3A_1516 = arith.constant 200 : i32
      %eq3A_1517 = arith.constant 0 : i32
      %eq3A_1518 = arith.cmpi eq, %jit3A_1516, %eq3A_1517 : i32
      %jit3A_1519 = arith.constant 1 : i32
      %select_n3A_1520 = arith.select %eq3A_1518, %jit3A_1519, %jit3A_1516 : i32
      %rem3A_1521 = vector.broadcast %select_n3A_1520 : i32 to vector<16xi32>
      %rem3A_1522 = arith.remsi %add3A_1515, %rem3A_1521 : vector<16xi32>
      %ne3A_1523 = arith.constant 0 : i32
      %ne3A_1524 = vector.broadcast %ne3A_1523 : i32 to vector<16xi32>
      %ne3A_1525 = arith.cmpi ne, %rem3A_1522, %ne3A_1524 : vector<16xi32>
      %lt3A_1526 = arith.constant 0 : i32
      %lt3A_1527 = vector.broadcast %lt3A_1526 : i32 to vector<16xi32>
      %lt3A_1528 = arith.cmpi slt, %rem3A_1522, %lt3A_1527 : vector<16xi32>
      %lt3A_1529 = arith.constant 0 : i32
      %lt3A_1530 = arith.cmpi slt, %select_n3A_1520, %lt3A_1529 : i32
      %ne3A_1531 = vector.broadcast %lt3A_1530 : i1 to vector<16xi1>
      %ne3A_1532 = vector.broadcast %ne3A_1531 : vector<16xi1> to vector<16xi1>
      %ne3A_1533 = arith.xori %lt3A_1528, %ne3A_1532 : vector<16xi1>
      %and3A_1534 = arith.andi %ne3A_1533, %ne3A_1525 : vector<16xi1>
      %add3A_1535 = vector.broadcast %select_n3A_1520 : i32 to vector<16xi32>
      %add3A_1536 = arith.addi %rem3A_1522, %add3A_1535 : vector<16xi32>
      %select_n3A_1537 = arith.select %and3A_1534, %add3A_1536, %rem3A_1522 : vector<16xi1>, vector<16xi32>
      %mul3A_1538 = arith.constant 4 : i32
      %mul3A_1539 = vector.broadcast %mul3A_1538 : i32 to vector<16xi32>
      %mul3A_1540 = arith.muli %select_n3A_1537, %mul3A_1539 : vector<16xi32>
      %get3A_1541 = arith.index_cast %add3A_1512 : i32 to index
      %get3A_1542 = tpu.vector_load %arg6[%get3A_1541] {strides = array<i32>} : memref<25600xi32, #tpu.memory_space<vmem>>, vector<16xi32>,
      %get3A_1543 = vector.shape_cast %get3A_1542 : vector<16xi32> to vector<16xi32>
      %add3A_1544 = arith.addi %mul3A_1540, %get3A_1543 : vector<16xi32>
      %swap3A_1545 = arith.index_cast %add3A_1512 : i32 to index
      %swap3A_1546 = tpu.vector_load %arg6[%swap3A_1545] {strides = array<i32>} : memref<25600xi32, #tpu.memory_space<vmem>>, vector<16xi32>,
      %swap3A_1547 = vector.shape_cast %swap3A_1546 : vector<16xi32> to vector<16xi32>
      %swap3A_1548 = vector.shape_cast %add3A_1544 : vector<16xi32> to vector<16xi32>
      tpu.vector_store %arg6[%swap3A_1545], %swap3A_1548 {strides = array<i32>} : memref<25600xi32, #tpu.memory_space<vmem>>, vector<16xi32>,
      %mul3A_1549 = arith.constant 128 : i32
      %mul3A_1550 = arith.muli %add3A_1348, %mul3A_1549 : i32
      %add3A_1551 = arith.constant 80 : i32
      %add3A_1552 = arith.addi %mul3A_1550, %add3A_1551 : i32
      %add3A_1553 = arith.addi %mul3A_2, %add3A_1552 : i32
      %add3A_1554 = vector.broadcast %add3A_1553 : i32 to vector<16xi32>
      %add3A_1555 = arith.addi %add3A_1554, %iota3A : vector<16xi32>
      %jit3A_1556 = arith.constant 200 : i32
      %eq3A_1557 = arith.constant 0 : i32
      %eq3A_1558 = arith.cmpi eq, %jit3A_1556, %eq3A_1557 : i32
      %jit3A_1559 = arith.constant 1 : i32
      %select_n3A_1560 = arith.select %eq3A_1558, %jit3A_1559, %jit3A_1556 : i32
      %rem3A_1561 = vector.broadcast %select_n3A_1560 : i32 to vector<16xi32>
      %rem3A_1562 = arith.remsi %add3A_1555, %rem3A_1561 : vector<16xi32>
      %ne3A_1563 = arith.constant 0 : i32
      %ne3A_1564 = vector.broadcast %ne3A_1563 : i32 to vector<16xi32>
      %ne3A_1565 = arith.cmpi ne, %rem3A_1562, %ne3A_1564 : vector<16xi32>
      %lt3A_1566 = arith.constant 0 : i32
      %lt3A_1567 = vector.broadcast %lt3A_1566 : i32 to vector<16xi32>
      %lt3A_1568 = arith.cmpi slt, %rem3A_1562, %lt3A_1567 : vector<16xi32>
      %lt3A_1569 = arith.constant 0 : i32
      %lt3A_1570 = arith.cmpi slt, %select_n3A_1560, %lt3A_1569 : i32
      %ne3A_1571 = vector.broadcast %lt3A_1570 : i1 to vector<16xi1>
      %ne3A_1572 = vector.broadcast %ne3A_1571 : vector<16xi1> to vector<16xi1>
      %ne3A_1573 = arith.xori %lt3A_1568, %ne3A_1572 : vector<16xi1>
      %and3A_1574 = arith.andi %ne3A_1573, %ne3A_1565 : vector<16xi1>
      %add3A_1575 = vector.broadcast %select_n3A_1560 : i32 to vector<16xi32>
      %add3A_1576 = arith.addi %rem3A_1562, %add3A_1575 : vector<16xi32>
      %select_n3A_1577 = arith.select %and3A_1574, %add3A_1576, %rem3A_1562 : vector<16xi1>, vector<16xi32>
      %mul3A_1578 = arith.constant 4 : i32
      %mul3A_1579 = vector.broadcast %mul3A_1578 : i32 to vector<16xi32>
      %mul3A_1580 = arith.muli %select_n3A_1577, %mul3A_1579 : vector<16xi32>
      %get3A_1581 = arith.index_cast %add3A_1552 : i32 to index
      %get3A_1582 = tpu.vector_load %arg6[%get3A_1581] {strides = array<i32>} : memref<25600xi32, #tpu.memory_space<vmem>>, vector<16xi32>,
      %get3A_1583 = vector.shape_cast %get3A_1582 : vector<16xi32> to vector<16xi32>
      %add3A_1584 = arith.addi %mul3A_1580, %get3A_1583 : vector<16xi32>
      %swap3A_1585 = arith.index_cast %add3A_1552 : i32 to index
      %swap3A_1586 = tpu.vector_load %arg6[%swap3A_1585] {strides = array<i32>} : memref<25600xi32, #tpu.memory_space<vmem>>, vector<16xi32>,
      %swap3A_1587 = vector.shape_cast %swap3A_1586 : vector<16xi32> to vector<16xi32>
      %swap3A_1588 = vector.shape_cast %add3A_1584 : vector<16xi32> to vector<16xi32>
      tpu.vector_store %arg6[%swap3A_1585], %swap3A_1588 {strides = array<i32>} : memref<25600xi32, #tpu.memory_space<vmem>>, vector<16xi32>,
      %mul3A_1589 = arith.constant 128 : i32
      %mul3A_1590 = arith.muli %add3A_1348, %mul3A_1589 : i32
      %add3A_1591 = arith.constant 96 : i32
      %add3A_1592 = arith.addi %mul3A_1590, %add3A_1591 : i32
      %add3A_1593 = arith.addi %mul3A_2, %add3A_1592 : i32
      %add3A_1594 = vector.broadcast %add3A_1593 : i32 to vector<16xi32>
      %add3A_1595 = arith.addi %add3A_1594, %iota3A : vector<16xi32>
      %jit3A_1596 = arith.constant 200 : i32
      %eq3A_1597 = arith.constant 0 : i32
      %eq3A_1598 = arith.cmpi eq, %jit3A_1596, %eq3A_1597 : i32
      %jit3A_1599 = arith.constant 1 : i32
      %select_n3A_1600 = arith.select %eq3A_1598, %jit3A_1599, %jit3A_1596 : i32
      %rem3A_1601 = vector.broadcast %select_n3A_1600 : i32 to vector<16xi32>
      %rem3A_1602 = arith.remsi %add3A_1595, %rem3A_1601 : vector<16xi32>
      %ne3A_1603 = arith.constant 0 : i32
      %ne3A_1604 = vector.broadcast %ne3A_1603 : i32 to vector<16xi32>
      %ne3A_1605 = arith.cmpi ne, %rem3A_1602, %ne3A_1604 : vector<16xi32>
      %lt3A_1606 = arith.constant 0 : i32
      %lt3A_1607 = vector.broadcast %lt3A_1606 : i32 to vector<16xi32>
      %lt3A_1608 = arith.cmpi slt, %rem3A_1602, %lt3A_1607 : vector<16xi32>
      %lt3A_1609 = arith.constant 0 : i32
      %lt3A_1610 = arith.cmpi slt, %select_n3A_1600, %lt3A_1609 : i32
      %ne3A_1611 = vector.broadcast %lt3A_1610 : i1 to vector<16xi1>
      %ne3A_1612 = vector.broadcast %ne3A_1611 : vector<16xi1> to vector<16xi1>
      %ne3A_1613 = arith.xori %lt3A_1608, %ne3A_1612 : vector<16xi1>
      %and3A_1614 = arith.andi %ne3A_1613, %ne3A_1605 : vector<16xi1>
      %add3A_1615 = vector.broadcast %select_n3A_1600 : i32 to vector<16xi32>
      %add3A_1616 = arith.addi %rem3A_1602, %add3A_1615 : vector<16xi32>
      %select_n3A_1617 = arith.select %and3A_1614, %add3A_1616, %rem3A_1602 : vector<16xi1>, vector<16xi32>
      %mul3A_1618 = arith.constant 4 : i32
      %mul3A_1619 = vector.broadcast %mul3A_1618 : i32 to vector<16xi32>
      %mul3A_1620 = arith.muli %select_n3A_1617, %mul3A_1619 : vector<16xi32>
      %get3A_1621 = arith.index_cast %add3A_1592 : i32 to index
      %get3A_1622 = tpu.vector_load %arg6[%get3A_1621] {strides = array<i32>} : memref<25600xi32, #tpu.memory_space<vmem>>, vector<16xi32>,
      %get3A_1623 = vector.shape_cast %get3A_1622 : vector<16xi32> to vector<16xi32>
      %add3A_1624 = arith.addi %mul3A_1620, %get3A_1623 : vector<16xi32>
      %swap3A_1625 = arith.index_cast %add3A_1592 : i32 to index
      %swap3A_1626 = tpu.vector_load %arg6[%swap3A_1625] {strides = array<i32>} : memref<25600xi32, #tpu.memory_space<vmem>>, vector<16xi32>,
      %swap3A_1627 = vector.shape_cast %swap3A_1626 : vector<16xi32> to vector<16xi32>
      %swap3A_1628 = vector.shape_cast %add3A_1624 : vector<16xi32> to vector<16xi32>
      tpu.vector_store %arg6[%swap3A_1625], %swap3A_1628 {strides = array<i32>} : memref<25600xi32, #tpu.memory_space<vmem>>, vector<16xi32>,
      %mul3A_1629 = arith.constant 128 : i32
      %mul3A_1630 = arith.muli %add3A_1348, %mul3A_1629 : i32
      %add3A_1631 = arith.constant 112 : i32
      %add3A_1632 = arith.addi %mul3A_1630, %add3A_1631 : i32
      %add3A_1633 = arith.addi %mul3A_2, %add3A_1632 : i32
      %add3A_1634 = vector.broadcast %add3A_1633 : i32 to vector<16xi32>
      %add3A_1635 = arith.addi %add3A_1634, %iota3A : vector<16xi32>
      %jit3A_1636 = arith.constant 200 : i32
      %eq3A_1637 = arith.constant 0 : i32
      %eq3A_1638 = arith.cmpi eq, %jit3A_1636, %eq3A_1637 : i32
      %jit3A_1639 = arith.constant 1 : i32
      %select_n3A_1640 = arith.select %eq3A_1638, %jit3A_1639, %jit3A_1636 : i32
      %rem3A_1641 = vector.broadcast %select_n3A_1640 : i32 to vector<16xi32>
      %rem3A_1642 = arith.remsi %add3A_1635, %rem3A_1641 : vector<16xi32>
      %ne3A_1643 = arith.constant 0 : i32
      %ne3A_1644 = vector.broadcast %ne3A_1643 : i32 to vector<16xi32>
      %ne3A_1645 = arith.cmpi ne, %rem3A_1642, %ne3A_1644 : vector<16xi32>
      %lt3A_1646 = arith.constant 0 : i32
      %lt3A_1647 = vector.broadcast %lt3A_1646 : i32 to vector<16xi32>
      %lt3A_1648 = arith.cmpi slt, %rem3A_1642, %lt3A_1647 : vector<16xi32>
      %lt3A_1649 = arith.constant 0 : i32
      %lt3A_1650 = arith.cmpi slt, %select_n3A_1640, %lt3A_1649 : i32
      %ne3A_1651 = vector.broadcast %lt3A_1650 : i1 to vector<16xi1>
      %ne3A_1652 = vector.broadcast %ne3A_1651 : vector<16xi1> to vector<16xi1>
      %ne3A_1653 = arith.xori %lt3A_1648, %ne3A_1652 : vector<16xi1>
      %and3A_1654 = arith.andi %ne3A_1653, %ne3A_1645 : vector<16xi1>
      %add3A_1655 = vector.broadcast %select_n3A_1640 : i32 to vector<16xi32>
      %add3A_1656 = arith.addi %rem3A_1642, %add3A_1655 : vector<16xi32>
      %select_n3A_1657 = arith.select %and3A_1654, %add3A_1656, %rem3A_1642 : vector<16xi1>, vector<16xi32>
      %mul3A_1658 = arith.constant 4 : i32
      %mul3A_1659 = vector.broadcast %mul3A_1658 : i32 to vector<16xi32>
      %mul3A_1660 = arith.muli %select_n3A_1657, %mul3A_1659 : vector<16xi32>
      %get3A_1661 = arith.index_cast %add3A_1632 : i32 to index
      %get3A_1662 = tpu.vector_load %arg6[%get3A_1661] {strides = array<i32>} : memref<25600xi32, #tpu.memory_space<vmem>>, vector<16xi32>,
      %get3A_1663 = vector.shape_cast %get3A_1662 : vector<16xi32> to vector<16xi32>
      %add3A_1664 = arith.addi %mul3A_1660, %get3A_1663 : vector<16xi32>
      %swap3A_1665 = arith.index_cast %add3A_1632 : i32 to index
      %swap3A_1666 = tpu.vector_load %arg6[%swap3A_1665] {strides = array<i32>} : memref<25600xi32, #tpu.memory_space<vmem>>, vector<16xi32>,
      %swap3A_1667 = vector.shape_cast %swap3A_1666 : vector<16xi32> to vector<16xi32>
      %swap3A_1668 = vector.shape_cast %add3A_1664 : vector<16xi32> to vector<16xi32>
      tpu.vector_store %arg6[%swap3A_1665], %swap3A_1668 {strides = array<i32>} : memref<25600xi32, #tpu.memory_space<vmem>>, vector<16xi32>,
      %mul3A_1669 = arith.constant 128 : i32
      %mul3A_1670 = arith.muli %add3A_1348, %mul3A_1669 : i32
      %dma_start3A_1671 = tpu.memref_slice %arg6[%mul3A_1670] : memref<25600xi32, #tpu.memory_space<vmem>> -> memref<128xi32, #tpu.memory_space<vmem>>
      %dma_start3A_1672 = arith.constant 0 : i32
      %dma_start3A_1673 = arith.constant 0 : i32
      %dma_start3A_1674 = tpu.memref_slice %arg5[%dma_start3A_1672, %dma_start3A_1673] : memref<800x128xf32, #tpu.memory_space<vmem_shared>> -> memref<800x128xf32, #tpu.memory_space<vmem_shared>>
      tpu.enqueue_indirect_dma source(%dma_start3A_1674 : memref<800x128xf32, #tpu.memory_space<vmem_shared>>) target(%arg7 : memref<128x128xf32, #tpu.memory_space<vmem>>) offsets(%dma_start3A_1671 : memref<128xi32, #tpu.memory_space<vmem>>) semaphore(%arg11 : memref<!tpu.dma_semaphore, #tpu.memory_space<semaphore_mem>>)
      %dma_wait3A_1675 = arith.constant 0 : i32
      %dma_wait3A_1676 = arith.constant 0 : i32
      %dma_wait3A_1677 = tpu.memref_slice %arg4[%dma_wait3A_1675, %dma_wait3A_1676] : memref<819200x128xf32, #tpu.memory_space<hbm>> -> memref<128x128xf32, #tpu.memory_space<hbm>>
      %dma_wait3A_1678 = arith.constant 0 : i32
      %dma_wait3A_1679 = arith.constant 0 : i32
      %dma_wait3A_1680 = tpu.memref_slice %arg4[%dma_wait3A_1678, %dma_wait3A_1679] : memref<819200x128xf32, #tpu.memory_space<hbm>> -> memref<128x128xf32, #tpu.memory_space<hbm>>
      tpu.wait_dma2 semaphore(%arg16 : memref<!tpu.dma_semaphore, #tpu.memory_space<semaphore_mem>>) src(%arg8 : memref<128x128xf32, #tpu.memory_space<vmem>>) dst(%dma_wait3A_1680 : memref<128x128xf32, #tpu.memory_space<hbm>>)
      %add3A_1681 = arith.constant 4 : i32
      %add3A_1682 = arith.addi %mul3A_1278, %add3A_1681 : i32
      %add3A_1683 = arith.constant 1 : i32
      %add3A_1684 = arith.addi %add3A_1682, %add3A_1683 : i32
      %mul3A_1685 = arith.constant 128 : i32
      %mul3A_1686 = arith.muli %add3A_1684, %mul3A_1685 : i32
      %add3A_1687 = arith.constant 0 : i32
      %add3A_1688 = arith.addi %mul3A_1686, %add3A_1687 : i32
      %add3A_1689 = arith.addi %mul3A_2, %add3A_1688 : i32
      %add3A_1690 = vector.broadcast %add3A_1689 : i32 to vector<16xi32>
      %add3A_1691 = arith.addi %add3A_1690, %iota3A : vector<16xi32>
      %jit3A_1692 = arith.constant 200 : i32
      %eq3A_1693 = arith.constant 0 : i32
      %eq3A_1694 = arith.cmpi eq, %jit3A_1692, %eq3A_1693 : i32
      %jit3A_1695 = arith.constant 1 : i32
      %select_n3A_1696 = arith.select %eq3A_1694, %jit3A_1695, %jit3A_1692 : i32
      %rem3A_1697 = vector.broadcast %select_n3A_1696 : i32 to vector<16xi32>
      %rem3A_1698 = arith.remsi %add3A_1691, %rem3A_1697 : vector<16xi32>
      %ne3A_1699 = arith.constant 0 : i32
      %ne3A_1700 = vector.broadcast %ne3A_1699 : i32 to vector<16xi32>
      %ne3A_1701 = arith.cmpi ne, %rem3A_1698, %ne3A_1700 : vector<16xi32>
      %lt3A_1702 = arith.constant 0 : i32
      %lt3A_1703 = vector.broadcast %lt3A_1702 : i32 to vector<16xi32>
      %lt3A_1704 = arith.cmpi slt, %rem3A_1698, %lt3A_1703 : vector<16xi32>
      %lt3A_1705 = arith.constant 0 : i32
      %lt3A_1706 = arith.cmpi slt, %select_n3A_1696, %lt3A_1705 : i32
      %ne3A_1707 = vector.broadcast %lt3A_1706 : i1 to vector<16xi1>
      %ne3A_1708 = vector.broadcast %ne3A_1707 : vector<16xi1> to vector<16xi1>
      %ne3A_1709 = arith.xori %lt3A_1704, %ne3A_1708 : vector<16xi1>
      %and3A_1710 = arith.andi %ne3A_1709, %ne3A_1701 : vector<16xi1>
      %add3A_1711 = vector.broadcast %select_n3A_1696 : i32 to vector<16xi32>
      %add3A_1712 = arith.addi %rem3A_1698, %add3A_1711 : vector<16xi32>
      %select_n3A_1713 = arith.select %and3A_1710, %add3A_1712, %rem3A_1698 : vector<16xi1>, vector<16xi32>
      %mul3A_1714 = arith.constant 4 : i32
      %mul3A_1715 = vector.broadcast %mul3A_1714 : i32 to vector<16xi32>
      %mul3A_1716 = arith.muli %select_n3A_1713, %mul3A_1715 : vector<16xi32>
      %get3A_1717 = arith.index_cast %add3A_1688 : i32 to index
      %get3A_1718 = tpu.vector_load %arg6[%get3A_1717] {strides = array<i32>} : memref<25600xi32, #tpu.memory_space<vmem>>, vector<16xi32>,
      %get3A_1719 = vector.shape_cast %get3A_1718 : vector<16xi32> to vector<16xi32>
      %add3A_1720 = arith.addi %mul3A_1716, %get3A_1719 : vector<16xi32>
      %swap3A_1721 = arith.index_cast %add3A_1688 : i32 to index
      %swap3A_1722 = tpu.vector_load %arg6[%swap3A_1721] {strides = array<i32>} : memref<25600xi32, #tpu.memory_space<vmem>>, vector<16xi32>,
      %swap3A_1723 = vector.shape_cast %swap3A_1722 : vector<16xi32> to vector<16xi32>
      %swap3A_1724 = vector.shape_cast %add3A_1720 : vector<16xi32> to vector<16xi32>
      tpu.vector_store %arg6[%swap3A_1721], %swap3A_1724 {strides = array<i32>} : memref<25600xi32, #tpu.memory_space<vmem>>, vector<16xi32>,
      %mul3A_1725 = arith.constant 128 : i32
      %mul3A_1726 = arith.muli %add3A_1684, %mul3A_1725 : i32
      %add3A_1727 = arith.constant 16 : i32
      %add3A_1728 = arith.addi %mul3A_1726, %add3A_1727 : i32
      %add3A_1729 = arith.addi %mul3A_2, %add3A_1728 : i32
      %add3A_1730 = vector.broadcast %add3A_1729 : i32 to vector<16xi32>
      %add3A_1731 = arith.addi %add3A_1730, %iota3A : vector<16xi32>
      %jit3A_1732 = arith.constant 200 : i32
      %eq3A_1733 = arith.constant 0 : i32
      %eq3A_1734 = arith.cmpi eq, %jit3A_1732, %eq3A_1733 : i32
      %jit3A_1735 = arith.constant 1 : i32
      %select_n3A_1736 = arith.select %eq3A_1734, %jit3A_1735, %jit3A_1732 : i32
      %rem3A_1737 = vector.broadcast %select_n3A_1736 : i32 to vector<16xi32>
      %rem3A_1738 = arith.remsi %add3A_1731, %rem3A_1737 : vector<16xi32>
      %ne3A_1739 = arith.constant 0 : i32
      %ne3A_1740 = vector.broadcast %ne3A_1739 : i32 to vector<16xi32>
      %ne3A_1741 = arith.cmpi ne, %rem3A_1738, %ne3A_1740 : vector<16xi32>
      %lt3A_1742 = arith.constant 0 : i32
      %lt3A_1743 = vector.broadcast %lt3A_1742 : i32 to vector<16xi32>
      %lt3A_1744 = arith.cmpi slt, %rem3A_1738, %lt3A_1743 : vector<16xi32>
      %lt3A_1745 = arith.constant 0 : i32
      %lt3A_1746 = arith.cmpi slt, %select_n3A_1736, %lt3A_1745 : i32
      %ne3A_1747 = vector.broadcast %lt3A_1746 : i1 to vector<16xi1>
      %ne3A_1748 = vector.broadcast %ne3A_1747 : vector<16xi1> to vector<16xi1>
      %ne3A_1749 = arith.xori %lt3A_1744, %ne3A_1748 : vector<16xi1>
      %and3A_1750 = arith.andi %ne3A_1749, %ne3A_1741 : vector<16xi1>
      %add3A_1751 = vector.broadcast %select_n3A_1736 : i32 to vector<16xi32>
      %add3A_1752 = arith.addi %rem3A_1738, %add3A_1751 : vector<16xi32>
      %select_n3A_1753 = arith.select %and3A_1750, %add3A_1752, %rem3A_1738 : vector<16xi1>, vector<16xi32>
      %mul3A_1754 = arith.constant 4 : i32
      %mul3A_1755 = vector.broadcast %mul3A_1754 : i32 to vector<16xi32>
      %mul3A_1756 = arith.muli %select_n3A_1753, %mul3A_1755 : vector<16xi32>
      %get3A_1757 = arith.index_cast %add3A_1728 : i32 to index
      %get3A_1758 = tpu.vector_load %arg6[%get3A_1757] {strides = array<i32>} : memref<25600xi32, #tpu.memory_space<vmem>>, vector<16xi32>,
      %get3A_1759 = vector.shape_cast %get3A_1758 : vector<16xi32> to vector<16xi32>
      %add3A_1760 = arith.addi %mul3A_1756, %get3A_1759 : vector<16xi32>
      %swap3A_1761 = arith.index_cast %add3A_1728 : i32 to index
      %swap3A_1762 = tpu.vector_load %arg6[%swap3A_1761] {strides = array<i32>} : memref<25600xi32, #tpu.memory_space<vmem>>, vector<16xi32>,
      %swap3A_1763 = vector.shape_cast %swap3A_1762 : vector<16xi32> to vector<16xi32>
      %swap3A_1764 = vector.shape_cast %add3A_1760 : vector<16xi32> to vector<16xi32>
      tpu.vector_store %arg6[%swap3A_1761], %swap3A_1764 {strides = array<i32>} : memref<25600xi32, #tpu.memory_space<vmem>>, vector<16xi32>,
      %mul3A_1765 = arith.constant 128 : i32
      %mul3A_1766 = arith.muli %add3A_1684, %mul3A_1765 : i32
      %add3A_1767 = arith.constant 32 : i32
      %add3A_1768 = arith.addi %mul3A_1766, %add3A_1767 : i32
      %add3A_1769 = arith.addi %mul3A_2, %add3A_1768 : i32
      %add3A_1770 = vector.broadcast %add3A_1769 : i32 to vector<16xi32>
      %add3A_1771 = arith.addi %add3A_1770, %iota3A : vector<16xi32>
      %jit3A_1772 = arith.constant 200 : i32
      %eq3A_1773 = arith.constant 0 : i32
      %eq3A_1774 = arith.cmpi eq, %jit3A_1772, %eq3A_1773 : i32
      %jit3A_1775 = arith.constant 1 : i32
      %select_n3A_1776 = arith.select %eq3A_1774, %jit3A_1775, %jit3A_1772 : i32
      %rem3A_1777 = vector.broadcast %select_n3A_1776 : i32 to vector<16xi32>
      %rem3A_1778 = arith.remsi %add3A_1771, %rem3A_1777 : vector<16xi32>
      %ne3A_1779 = arith.constant 0 : i32
      %ne3A_1780 = vector.broadcast %ne3A_1779 : i32 to vector<16xi32>
      %ne3A_1781 = arith.cmpi ne, %rem3A_1778, %ne3A_1780 : vector<16xi32>
      %lt3A_1782 = arith.constant 0 : i32
      %lt3A_1783 = vector.broadcast %lt3A_1782 : i32 to vector<16xi32>
      %lt3A_1784 = arith.cmpi slt, %rem3A_1778, %lt3A_1783 : vector<16xi32>
      %lt3A_1785 = arith.constant 0 : i32
      %lt3A_1786 = arith.cmpi slt, %select_n3A_1776, %lt3A_1785 : i32
      %ne3A_1787 = vector.broadcast %lt3A_1786 : i1 to vector<16xi1>
      %ne3A_1788 = vector.broadcast %ne3A_1787 : vector<16xi1> to vector<16xi1>
      %ne3A_1789 = arith.xori %lt3A_1784, %ne3A_1788 : vector<16xi1>
      %and3A_1790 = arith.andi %ne3A_1789, %ne3A_1781 : vector<16xi1>
      %add3A_1791 = vector.broadcast %select_n3A_1776 : i32 to vector<16xi32>
      %add3A_1792 = arith.addi %rem3A_1778, %add3A_1791 : vector<16xi32>
      %select_n3A_1793 = arith.select %and3A_1790, %add3A_1792, %rem3A_1778 : vector<16xi1>, vector<16xi32>
      %mul3A_1794 = arith.constant 4 : i32
      %mul3A_1795 = vector.broadcast %mul3A_1794 : i32 to vector<16xi32>
      %mul3A_1796 = arith.muli %select_n3A_1793, %mul3A_1795 : vector<16xi32>
      %get3A_1797 = arith.index_cast %add3A_1768 : i32 to index
      %get3A_1798 = tpu.vector_load %arg6[%get3A_1797] {strides = array<i32>} : memref<25600xi32, #tpu.memory_space<vmem>>, vector<16xi32>,
      %get3A_1799 = vector.shape_cast %get3A_1798 : vector<16xi32> to vector<16xi32>
      %add3A_1800 = arith.addi %mul3A_1796, %get3A_1799 : vector<16xi32>
      %swap3A_1801 = arith.index_cast %add3A_1768 : i32 to index
      %swap3A_1802 = tpu.vector_load %arg6[%swap3A_1801] {strides = array<i32>} : memref<25600xi32, #tpu.memory_space<vmem>>, vector<16xi32>,
      %swap3A_1803 = vector.shape_cast %swap3A_1802 : vector<16xi32> to vector<16xi32>
      %swap3A_1804 = vector.shape_cast %add3A_1800 : vector<16xi32> to vector<16xi32>
      tpu.vector_store %arg6[%swap3A_1801], %swap3A_1804 {strides = array<i32>} : memref<25600xi32, #tpu.memory_space<vmem>>, vector<16xi32>,
      %mul3A_1805 = arith.constant 128 : i32
      %mul3A_1806 = arith.muli %add3A_1684, %mul3A_1805 : i32
      %add3A_1807 = arith.constant 48 : i32
      %add3A_1808 = arith.addi %mul3A_1806, %add3A_1807 : i32
      %add3A_1809 = arith.addi %mul3A_2, %add3A_1808 : i32
      %add3A_1810 = vector.broadcast %add3A_1809 : i32 to vector<16xi32>
      %add3A_1811 = arith.addi %add3A_1810, %iota3A : vector<16xi32>
      %jit3A_1812 = arith.constant 200 : i32
      %eq3A_1813 = arith.constant 0 : i32
      %eq3A_1814 = arith.cmpi eq, %jit3A_1812, %eq3A_1813 : i32
      %jit3A_1815 = arith.constant 1 : i32
      %select_n3A_1816 = arith.select %eq3A_1814, %jit3A_1815, %jit3A_1812 : i32
      %rem3A_1817 = vector.broadcast %select_n3A_1816 : i32 to vector<16xi32>
      %rem3A_1818 = arith.remsi %add3A_1811, %rem3A_1817 : vector<16xi32>
      %ne3A_1819 = arith.constant 0 : i32
      %ne3A_1820 = vector.broadcast %ne3A_1819 : i32 to vector<16xi32>
      %ne3A_1821 = arith.cmpi ne, %rem3A_1818, %ne3A_1820 : vector<16xi32>
      %lt3A_1822 = arith.constant 0 : i32
      %lt3A_1823 = vector.broadcast %lt3A_1822 : i32 to vector<16xi32>
      %lt3A_1824 = arith.cmpi slt, %rem3A_1818, %lt3A_1823 : vector<16xi32>
      %lt3A_1825 = arith.constant 0 : i32
      %lt3A_1826 = arith.cmpi slt, %select_n3A_1816, %lt3A_1825 : i32
      %ne3A_1827 = vector.broadcast %lt3A_1826 : i1 to vector<16xi1>
      %ne3A_1828 = vector.broadcast %ne3A_1827 : vector<16xi1> to vector<16xi1>
      %ne3A_1829 = arith.xori %lt3A_1824, %ne3A_1828 : vector<16xi1>
      %and3A_1830 = arith.andi %ne3A_1829, %ne3A_1821 : vector<16xi1>
      %add3A_1831 = vector.broadcast %select_n3A_1816 : i32 to vector<16xi32>
      %add3A_1832 = arith.addi %rem3A_1818, %add3A_1831 : vector<16xi32>
      %select_n3A_1833 = arith.select %and3A_1830, %add3A_1832, %rem3A_1818 : vector<16xi1>, vector<16xi32>
      %mul3A_1834 = arith.constant 4 : i32
      %mul3A_1835 = vector.broadcast %mul3A_1834 : i32 to vector<16xi32>
      %mul3A_1836 = arith.muli %select_n3A_1833, %mul3A_1835 : vector<16xi32>
      %get3A_1837 = arith.index_cast %add3A_1808 : i32 to index
      %get3A_1838 = tpu.vector_load %arg6[%get3A_1837] {strides = array<i32>} : memref<25600xi32, #tpu.memory_space<vmem>>, vector<16xi32>,
      %get3A_1839 = vector.shape_cast %get3A_1838 : vector<16xi32> to vector<16xi32>
      %add3A_1840 = arith.addi %mul3A_1836, %get3A_1839 : vector<16xi32>
      %swap3A_1841 = arith.index_cast %add3A_1808 : i32 to index
      %swap3A_1842 = tpu.vector_load %arg6[%swap3A_1841] {strides = array<i32>} : memref<25600xi32, #tpu.memory_space<vmem>>, vector<16xi32>,
      %swap3A_1843 = vector.shape_cast %swap3A_1842 : vector<16xi32> to vector<16xi32>
      %swap3A_1844 = vector.shape_cast %add3A_1840 : vector<16xi32> to vector<16xi32>
      tpu.vector_store %arg6[%swap3A_1841], %swap3A_1844 {strides = array<i32>} : memref<25600xi32, #tpu.memory_space<vmem>>, vector<16xi32>,
      %mul3A_1845 = arith.constant 128 : i32
      %mul3A_1846 = arith.muli %add3A_1684, %mul3A_1845 : i32
      %add3A_1847 = arith.constant 64 : i32
      %add3A_1848 = arith.addi %mul3A_1846, %add3A_1847 : i32
      %add3A_1849 = arith.addi %mul3A_2, %add3A_1848 : i32
      %add3A_1850 = vector.broadcast %add3A_1849 : i32 to vector<16xi32>
      %add3A_1851 = arith.addi %add3A_1850, %iota3A : vector<16xi32>
      %jit3A_1852 = arith.constant 200 : i32
      %eq3A_1853 = arith.constant 0 : i32
      %eq3A_1854 = arith.cmpi eq, %jit3A_1852, %eq3A_1853 : i32
      %jit3A_1855 = arith.constant 1 : i32
      %select_n3A_1856 = arith.select %eq3A_1854, %jit3A_1855, %jit3A_1852 : i32
      %rem3A_1857 = vector.broadcast %select_n3A_1856 : i32 to vector<16xi32>
      %rem3A_1858 = arith.remsi %add3A_1851, %rem3A_1857 : vector<16xi32>
      %ne3A_1859 = arith.constant 0 : i32
      %ne3A_1860 = vector.broadcast %ne3A_1859 : i32 to vector<16xi32>
      %ne3A_1861 = arith.cmpi ne, %rem3A_1858, %ne3A_1860 : vector<16xi32>
      %lt3A_1862 = arith.constant 0 : i32
      %lt3A_1863 = vector.broadcast %lt3A_1862 : i32 to vector<16xi32>
      %lt3A_1864 = arith.cmpi slt, %rem3A_1858, %lt3A_1863 : vector<16xi32>
      %lt3A_1865 = arith.constant 0 : i32
      %lt3A_1866 = arith.cmpi slt, %select_n3A_1856, %lt3A_1865 : i32
      %ne3A_1867 = vector.broadcast %lt3A_1866 : i1 to vector<16xi1>
      %ne3A_1868 = vector.broadcast %ne3A_1867 : vector<16xi1> to vector<16xi1>
      %ne3A_1869 = arith.xori %lt3A_1864, %ne3A_1868 : vector<16xi1>
      %and3A_1870 = arith.andi %ne3A_1869, %ne3A_1861 : vector<16xi1>
      %add3A_1871 = vector.broadcast %select_n3A_1856 : i32 to vector<16xi32>
      %add3A_1872 = arith.addi %rem3A_1858, %add3A_1871 : vector<16xi32>
      %select_n3A_1873 = arith.select %and3A_1870, %add3A_1872, %rem3A_1858 : vector<16xi1>, vector<16xi32>
      %mul3A_1874 = arith.constant 4 : i32
      %mul3A_1875 = vector.broadcast %mul3A_1874 : i32 to vector<16xi32>
      %mul3A_1876 = arith.muli %select_n3A_1873, %mul3A_1875 : vector<16xi32>
      %get3A_1877 = arith.index_cast %add3A_1848 : i32 to index
      %get3A_1878 = tpu.vector_load %arg6[%get3A_1877] {strides = array<i32>} : memref<25600xi32, #tpu.memory_space<vmem>>, vector<16xi32>,
      %get3A_1879 = vector.shape_cast %get3A_1878 : vector<16xi32> to vector<16xi32>
      %add3A_1880 = arith.addi %mul3A_1876, %get3A_1879 : vector<16xi32>
      %swap3A_1881 = arith.index_cast %add3A_1848 : i32 to index
      %swap3A_1882 = tpu.vector_load %arg6[%swap3A_1881] {strides = array<i32>} : memref<25600xi32, #tpu.memory_space<vmem>>, vector<16xi32>,
      %swap3A_1883 = vector.shape_cast %swap3A_1882 : vector<16xi32> to vector<16xi32>
      %swap3A_1884 = vector.shape_cast %add3A_1880 : vector<16xi32> to vector<16xi32>
      tpu.vector_store %arg6[%swap3A_1881], %swap3A_1884 {strides = array<i32>} : memref<25600xi32, #tpu.memory_space<vmem>>, vector<16xi32>,
      %mul3A_1885 = arith.constant 128 : i32
      %mul3A_1886 = arith.muli %add3A_1684, %mul3A_1885 : i32
      %add3A_1887 = arith.constant 80 : i32
      %add3A_1888 = arith.addi %mul3A_1886, %add3A_1887 : i32
      %add3A_1889 = arith.addi %mul3A_2, %add3A_1888 : i32
      %add3A_1890 = vector.broadcast %add3A_1889 : i32 to vector<16xi32>
      %add3A_1891 = arith.addi %add3A_1890, %iota3A : vector<16xi32>
      %jit3A_1892 = arith.constant 200 : i32
      %eq3A_1893 = arith.constant 0 : i32
      %eq3A_1894 = arith.cmpi eq, %jit3A_1892, %eq3A_1893 : i32
      %jit3A_1895 = arith.constant 1 : i32
      %select_n3A_1896 = arith.select %eq3A_1894, %jit3A_1895, %jit3A_1892 : i32
      %rem3A_1897 = vector.broadcast %select_n3A_1896 : i32 to vector<16xi32>
      %rem3A_1898 = arith.remsi %add3A_1891, %rem3A_1897 : vector<16xi32>
      %ne3A_1899 = arith.constant 0 : i32
      %ne3A_1900 = vector.broadcast %ne3A_1899 : i32 to vector<16xi32>
      %ne3A_1901 = arith.cmpi ne, %rem3A_1898, %ne3A_1900 : vector<16xi32>
      %lt3A_1902 = arith.constant 0 : i32
      %lt3A_1903 = vector.broadcast %lt3A_1902 : i32 to vector<16xi32>
      %lt3A_1904 = arith.cmpi slt, %rem3A_1898, %lt3A_1903 : vector<16xi32>
      %lt3A_1905 = arith.constant 0 : i32
      %lt3A_1906 = arith.cmpi slt, %select_n3A_1896, %lt3A_1905 : i32
      %ne3A_1907 = vector.broadcast %lt3A_1906 : i1 to vector<16xi1>
      %ne3A_1908 = vector.broadcast %ne3A_1907 : vector<16xi1> to vector<16xi1>
      %ne3A_1909 = arith.xori %lt3A_1904, %ne3A_1908 : vector<16xi1>
      %and3A_1910 = arith.andi %ne3A_1909, %ne3A_1901 : vector<16xi1>
      %add3A_1911 = vector.broadcast %select_n3A_1896 : i32 to vector<16xi32>
      %add3A_1912 = arith.addi %rem3A_1898, %add3A_1911 : vector<16xi32>
      %select_n3A_1913 = arith.select %and3A_1910, %add3A_1912, %rem3A_1898 : vector<16xi1>, vector<16xi32>
      %mul3A_1914 = arith.constant 4 : i32
      %mul3A_1915 = vector.broadcast %mul3A_1914 : i32 to vector<16xi32>
      %mul3A_1916 = arith.muli %select_n3A_1913, %mul3A_1915 : vector<16xi32>
      %get3A_1917 = arith.index_cast %add3A_1888 : i32 to index
      %get3A_1918 = tpu.vector_load %arg6[%get3A_1917] {strides = array<i32>} : memref<25600xi32, #tpu.memory_space<vmem>>, vector<16xi32>,
      %get3A_1919 = vector.shape_cast %get3A_1918 : vector<16xi32> to vector<16xi32>
      %add3A_1920 = arith.addi %mul3A_1916, %get3A_1919 : vector<16xi32>
      %swap3A_1921 = arith.index_cast %add3A_1888 : i32 to index
      %swap3A_1922 = tpu.vector_load %arg6[%swap3A_1921] {strides = array<i32>} : memref<25600xi32, #tpu.memory_space<vmem>>, vector<16xi32>,
      %swap3A_1923 = vector.shape_cast %swap3A_1922 : vector<16xi32> to vector<16xi32>
      %swap3A_1924 = vector.shape_cast %add3A_1920 : vector<16xi32> to vector<16xi32>
      tpu.vector_store %arg6[%swap3A_1921], %swap3A_1924 {strides = array<i32>} : memref<25600xi32, #tpu.memory_space<vmem>>, vector<16xi32>,
      %mul3A_1925 = arith.constant 128 : i32
      %mul3A_1926 = arith.muli %add3A_1684, %mul3A_1925 : i32
      %add3A_1927 = arith.constant 96 : i32
      %add3A_1928 = arith.addi %mul3A_1926, %add3A_1927 : i32
      %add3A_1929 = arith.addi %mul3A_2, %add3A_1928 : i32
      %add3A_1930 = vector.broadcast %add3A_1929 : i32 to vector<16xi32>
      %add3A_1931 = arith.addi %add3A_1930, %iota3A : vector<16xi32>
      %jit3A_1932 = arith.constant 200 : i32
      %eq3A_1933 = arith.constant 0 : i32
      %eq3A_1934 = arith.cmpi eq, %jit3A_1932, %eq3A_1933 : i32
      %jit3A_1935 = arith.constant 1 : i32
      %select_n3A_1936 = arith.select %eq3A_1934, %jit3A_1935, %jit3A_1932 : i32
      %rem3A_1937 = vector.broadcast %select_n3A_1936 : i32 to vector<16xi32>
      %rem3A_1938 = arith.remsi %add3A_1931, %rem3A_1937 : vector<16xi32>
      %ne3A_1939 = arith.constant 0 : i32
      %ne3A_1940 = vector.broadcast %ne3A_1939 : i32 to vector<16xi32>
      %ne3A_1941 = arith.cmpi ne, %rem3A_1938, %ne3A_1940 : vector<16xi32>
      %lt3A_1942 = arith.constant 0 : i32
      %lt3A_1943 = vector.broadcast %lt3A_1942 : i32 to vector<16xi32>
      %lt3A_1944 = arith.cmpi slt, %rem3A_1938, %lt3A_1943 : vector<16xi32>
      %lt3A_1945 = arith.constant 0 : i32
      %lt3A_1946 = arith.cmpi slt, %select_n3A_1936, %lt3A_1945 : i32
      %ne3A_1947 = vector.broadcast %lt3A_1946 : i1 to vector<16xi1>
      %ne3A_1948 = vector.broadcast %ne3A_1947 : vector<16xi1> to vector<16xi1>
      %ne3A_1949 = arith.xori %lt3A_1944, %ne3A_1948 : vector<16xi1>
      %and3A_1950 = arith.andi %ne3A_1949, %ne3A_1941 : vector<16xi1>
      %add3A_1951 = vector.broadcast %select_n3A_1936 : i32 to vector<16xi32>
      %add3A_1952 = arith.addi %rem3A_1938, %add3A_1951 : vector<16xi32>
      %select_n3A_1953 = arith.select %and3A_1950, %add3A_1952, %rem3A_1938 : vector<16xi1>, vector<16xi32>
      %mul3A_1954 = arith.constant 4 : i32
      %mul3A_1955 = vector.broadcast %mul3A_1954 : i32 to vector<16xi32>
      %mul3A_1956 = arith.muli %select_n3A_1953, %mul3A_1955 : vector<16xi32>
      %get3A_1957 = arith.index_cast %add3A_1928 : i32 to index
      %get3A_1958 = tpu.vector_load %arg6[%get3A_1957] {strides = array<i32>} : memref<25600xi32, #tpu.memory_space<vmem>>, vector<16xi32>,
      %get3A_1959 = vector.shape_cast %get3A_1958 : vector<16xi32> to vector<16xi32>
      %add3A_1960 = arith.addi %mul3A_1956, %get3A_1959 : vector<16xi32>
      %swap3A_1961 = arith.index_cast %add3A_1928 : i32 to index
      %swap3A_1962 = tpu.vector_load %arg6[%swap3A_1961] {strides = array<i32>} : memref<25600xi32, #tpu.memory_space<vmem>>, vector<16xi32>,
      %swap3A_1963 = vector.shape_cast %swap3A_1962 : vector<16xi32> to vector<16xi32>
      %swap3A_1964 = vector.shape_cast %add3A_1960 : vector<16xi32> to vector<16xi32>
      tpu.vector_store %arg6[%swap3A_1961], %swap3A_1964 {strides = array<i32>} : memref<25600xi32, #tpu.memory_space<vmem>>, vector<16xi32>,
      %mul3A_1965 = arith.constant 128 : i32
      %mul3A_1966 = arith.muli %add3A_1684, %mul3A_1965 : i32
      %add3A_1967 = arith.constant 112 : i32
      %add3A_1968 = arith.addi %mul3A_1966, %add3A_1967 : i32
      %add3A_1969 = arith.addi %mul3A_2, %add3A_1968 : i32
      %add3A_1970 = vector.broadcast %add3A_1969 : i32 to vector<16xi32>
      %add3A_1971 = arith.addi %add3A_1970, %iota3A : vector<16xi32>
      %jit3A_1972 = arith.constant 200 : i32
      %eq3A_1973 = arith.constant 0 : i32
      %eq3A_1974 = arith.cmpi eq, %jit3A_1972, %eq3A_1973 : i32
      %jit3A_1975 = arith.constant 1 : i32
      %select_n3A_1976 = arith.select %eq3A_1974, %jit3A_1975, %jit3A_1972 : i32
      %rem3A_1977 = vector.broadcast %select_n3A_1976 : i32 to vector<16xi32>
      %rem3A_1978 = arith.remsi %add3A_1971, %rem3A_1977 : vector<16xi32>
      %ne3A_1979 = arith.constant 0 : i32
      %ne3A_1980 = vector.broadcast %ne3A_1979 : i32 to vector<16xi32>
      %ne3A_1981 = arith.cmpi ne, %rem3A_1978, %ne3A_1980 : vector<16xi32>
      %lt3A_1982 = arith.constant 0 : i32
      %lt3A_1983 = vector.broadcast %lt3A_1982 : i32 to vector<16xi32>
      %lt3A_1984 = arith.cmpi slt, %rem3A_1978, %lt3A_1983 : vector<16xi32>
      %lt3A_1985 = arith.constant 0 : i32
      %lt3A_1986 = arith.cmpi slt, %select_n3A_1976, %lt3A_1985 : i32
      %ne3A_1987 = vector.broadcast %lt3A_1986 : i1 to vector<16xi1>
      %ne3A_1988 = vector.broadcast %ne3A_1987 : vector<16xi1> to vector<16xi1>
      %ne3A_1989 = arith.xori %lt3A_1984, %ne3A_1988 : vector<16xi1>
      %and3A_1990 = arith.andi %ne3A_1989, %ne3A_1981 : vector<16xi1>
      %add3A_1991 = vector.broadcast %select_n3A_1976 : i32 to vector<16xi32>
      %add3A_1992 = arith.addi %rem3A_1978, %add3A_1991 : vector<16xi32>
      %select_n3A_1993 = arith.select %and3A_1990, %add3A_1992, %rem3A_1978 : vector<16xi1>, vector<16xi32>
      %mul3A_1994 = arith.constant 4 : i32
      %mul3A_1995 = vector.broadcast %mul3A_1994 : i32 to vector<16xi32>
      %mul3A_1996 = arith.muli %select_n3A_1993, %mul3A_1995 : vector<16xi32>
      %get3A_1997 = arith.index_cast %add3A_1968 : i32 to index
      %get3A_1998 = tpu.vector_load %arg6[%get3A_1997] {strides = array<i32>} : memref<25600xi32, #tpu.memory_space<vmem>>, vector<16xi32>,
      %get3A_1999 = vector.shape_cast %get3A_1998 : vector<16xi32> to vector<16xi32>
      %add3A_2000 = arith.addi %mul3A_1996, %get3A_1999 : vector<16xi32>
      %swap3A_2001 = arith.index_cast %add3A_1968 : i32 to index
      %swap3A_2002 = tpu.vector_load %arg6[%swap3A_2001] {strides = array<i32>} : memref<25600xi32, #tpu.memory_space<vmem>>, vector<16xi32>,
      %swap3A_2003 = vector.shape_cast %swap3A_2002 : vector<16xi32> to vector<16xi32>
      %swap3A_2004 = vector.shape_cast %add3A_2000 : vector<16xi32> to vector<16xi32>
      tpu.vector_store %arg6[%swap3A_2001], %swap3A_2004 {strides = array<i32>} : memref<25600xi32, #tpu.memory_space<vmem>>, vector<16xi32>,
      %mul3A_2005 = arith.constant 128 : i32
      %mul3A_2006 = arith.muli %add3A_1684, %mul3A_2005 : i32
      %dma_start3A_2007 = tpu.memref_slice %arg6[%mul3A_2006] : memref<25600xi32, #tpu.memory_space<vmem>> -> memref<128xi32, #tpu.memory_space<vmem>>
      %dma_start3A_2008 = arith.constant 0 : i32
      %dma_start3A_2009 = arith.constant 0 : i32
      %dma_start3A_2010 = tpu.memref_slice %arg5[%dma_start3A_2008, %dma_start3A_2009] : memref<800x128xf32, #tpu.memory_space<vmem_shared>> -> memref<800x128xf32, #tpu.memory_space<vmem_shared>>
      tpu.enqueue_indirect_dma source(%dma_start3A_2010 : memref<800x128xf32, #tpu.memory_space<vmem_shared>>) target(%arg8 : memref<128x128xf32, #tpu.memory_space<vmem>>) offsets(%dma_start3A_2007 : memref<128xi32, #tpu.memory_space<vmem>>) semaphore(%arg12 : memref<!tpu.dma_semaphore, #tpu.memory_space<semaphore_mem>>)
      %dma_wait3A_2011 = arith.constant 0 : i32
      %dma_wait3A_2012 = arith.constant 0 : i32
      %dma_wait3A_2013 = tpu.memref_slice %arg4[%dma_wait3A_2011, %dma_wait3A_2012] : memref<819200x128xf32, #tpu.memory_space<hbm>> -> memref<128x128xf32, #tpu.memory_space<hbm>>
      %dma_wait3A_2014 = arith.constant 0 : i32
      %dma_wait3A_2015 = arith.constant 0 : i32
      %dma_wait3A_2016 = tpu.memref_slice %arg4[%dma_wait3A_2014, %dma_wait3A_2015] : memref<819200x128xf32, #tpu.memory_space<hbm>> -> memref<128x128xf32, #tpu.memory_space<hbm>>
      tpu.wait_dma2 semaphore(%arg17 : memref<!tpu.dma_semaphore, #tpu.memory_space<semaphore_mem>>) src(%arg9 : memref<128x128xf32, #tpu.memory_space<vmem>>) dst(%dma_wait3A_2016 : memref<128x128xf32, #tpu.memory_space<hbm>>)
      %add3A_2017 = arith.constant 4 : i32
      %add3A_2018 = arith.addi %mul3A_1278, %add3A_2017 : i32
      %add3A_2019 = arith.constant 2 : i32
      %add3A_2020 = arith.addi %add3A_2018, %add3A_2019 : i32
      %mul3A_2021 = arith.constant 128 : i32
      %mul3A_2022 = arith.muli %add3A_2020, %mul3A_2021 : i32
      %add3A_2023 = arith.constant 0 : i32
      %add3A_2024 = arith.addi %mul3A_2022, %add3A_2023 : i32
      %add3A_2025 = arith.addi %mul3A_2, %add3A_2024 : i32
      %add3A_2026 = vector.broadcast %add3A_2025 : i32 to vector<16xi32>
      %add3A_2027 = arith.addi %add3A_2026, %iota3A : vector<16xi32>
      %jit3A_2028 = arith.constant 200 : i32
      %eq3A_2029 = arith.constant 0 : i32
      %eq3A_2030 = arith.cmpi eq, %jit3A_2028, %eq3A_2029 : i32
      %jit3A_2031 = arith.constant 1 : i32
      %select_n3A_2032 = arith.select %eq3A_2030, %jit3A_2031, %jit3A_2028 : i32
      %rem3A_2033 = vector.broadcast %select_n3A_2032 : i32 to vector<16xi32>
      %rem3A_2034 = arith.remsi %add3A_2027, %rem3A_2033 : vector<16xi32>
      %ne3A_2035 = arith.constant 0 : i32
      %ne3A_2036 = vector.broadcast %ne3A_2035 : i32 to vector<16xi32>
      %ne3A_2037 = arith.cmpi ne, %rem3A_2034, %ne3A_2036 : vector<16xi32>
      %lt3A_2038 = arith.constant 0 : i32
      %lt3A_2039 = vector.broadcast %lt3A_2038 : i32 to vector<16xi32>
      %lt3A_2040 = arith.cmpi slt, %rem3A_2034, %lt3A_2039 : vector<16xi32>
      %lt3A_2041 = arith.constant 0 : i32
      %lt3A_2042 = arith.cmpi slt, %select_n3A_2032, %lt3A_2041 : i32
      %ne3A_2043 = vector.broadcast %lt3A_2042 : i1 to vector<16xi1>
      %ne3A_2044 = vector.broadcast %ne3A_2043 : vector<16xi1> to vector<16xi1>
      %ne3A_2045 = arith.xori %lt3A_2040, %ne3A_2044 : vector<16xi1>
      %and3A_2046 = arith.andi %ne3A_2045, %ne3A_2037 : vector<16xi1>
      %add3A_2047 = vector.broadcast %select_n3A_2032 : i32 to vector<16xi32>
      %add3A_2048 = arith.addi %rem3A_2034, %add3A_2047 : vector<16xi32>
      %select_n3A_2049 = arith.select %and3A_2046, %add3A_2048, %rem3A_2034 : vector<16xi1>, vector<16xi32>
      %mul3A_2050 = arith.constant 4 : i32
      %mul3A_2051 = vector.broadcast %mul3A_2050 : i32 to vector<16xi32>
      %mul3A_2052 = arith.muli %select_n3A_2049, %mul3A_2051 : vector<16xi32>
      %get3A_2053 = arith.index_cast %add3A_2024 : i32 to index
      %get3A_2054 = tpu.vector_load %arg6[%get3A_2053] {strides = array<i32>} : memref<25600xi32, #tpu.memory_space<vmem>>, vector<16xi32>,
      %get3A_2055 = vector.shape_cast %get3A_2054 : vector<16xi32> to vector<16xi32>
      %add3A_2056 = arith.addi %mul3A_2052, %get3A_2055 : vector<16xi32>
      %swap3A_2057 = arith.index_cast %add3A_2024 : i32 to index
      %swap3A_2058 = tpu.vector_load %arg6[%swap3A_2057] {strides = array<i32>} : memref<25600xi32, #tpu.memory_space<vmem>>, vector<16xi32>,
      %swap3A_2059 = vector.shape_cast %swap3A_2058 : vector<16xi32> to vector<16xi32>
      %swap3A_2060 = vector.shape_cast %add3A_2056 : vector<16xi32> to vector<16xi32>
      tpu.vector_store %arg6[%swap3A_2057], %swap3A_2060 {strides = array<i32>} : memref<25600xi32, #tpu.memory_space<vmem>>, vector<16xi32>,
      %mul3A_2061 = arith.constant 128 : i32
      %mul3A_2062 = arith.muli %add3A_2020, %mul3A_2061 : i32
      %add3A_2063 = arith.constant 16 : i32
      %add3A_2064 = arith.addi %mul3A_2062, %add3A_2063 : i32
      %add3A_2065 = arith.addi %mul3A_2, %add3A_2064 : i32
      %add3A_2066 = vector.broadcast %add3A_2065 : i32 to vector<16xi32>
      %add3A_2067 = arith.addi %add3A_2066, %iota3A : vector<16xi32>
      %jit3A_2068 = arith.constant 200 : i32
      %eq3A_2069 = arith.constant 0 : i32
      %eq3A_2070 = arith.cmpi eq, %jit3A_2068, %eq3A_2069 : i32
      %jit3A_2071 = arith.constant 1 : i32
      %select_n3A_2072 = arith.select %eq3A_2070, %jit3A_2071, %jit3A_2068 : i32
      %rem3A_2073 = vector.broadcast %select_n3A_2072 : i32 to vector<16xi32>
      %rem3A_2074 = arith.remsi %add3A_2067, %rem3A_2073 : vector<16xi32>
      %ne3A_2075 = arith.constant 0 : i32
      %ne3A_2076 = vector.broadcast %ne3A_2075 : i32 to vector<16xi32>
      %ne3A_2077 = arith.cmpi ne, %rem3A_2074, %ne3A_2076 : vector<16xi32>
      %lt3A_2078 = arith.constant 0 : i32
      %lt3A_2079 = vector.broadcast %lt3A_2078 : i32 to vector<16xi32>
      %lt3A_2080 = arith.cmpi slt, %rem3A_2074, %lt3A_2079 : vector<16xi32>
      %lt3A_2081 = arith.constant 0 : i32
      %lt3A_2082 = arith.cmpi slt, %select_n3A_2072, %lt3A_2081 : i32
      %ne3A_2083 = vector.broadcast %lt3A_2082 : i1 to vector<16xi1>
      %ne3A_2084 = vector.broadcast %ne3A_2083 : vector<16xi1> to vector<16xi1>
      %ne3A_2085 = arith.xori %lt3A_2080, %ne3A_2084 : vector<16xi1>
      %and3A_2086 = arith.andi %ne3A_2085, %ne3A_2077 : vector<16xi1>
      %add3A_2087 = vector.broadcast %select_n3A_2072 : i32 to vector<16xi32>
      %add3A_2088 = arith.addi %rem3A_2074, %add3A_2087 : vector<16xi32>
      %select_n3A_2089 = arith.select %and3A_2086, %add3A_2088, %rem3A_2074 : vector<16xi1>, vector<16xi32>
      %mul3A_2090 = arith.constant 4 : i32
      %mul3A_2091 = vector.broadcast %mul3A_2090 : i32 to vector<16xi32>
      %mul3A_2092 = arith.muli %select_n3A_2089, %mul3A_2091 : vector<16xi32>
      %get3A_2093 = arith.index_cast %add3A_2064 : i32 to index
      %get3A_2094 = tpu.vector_load %arg6[%get3A_2093] {strides = array<i32>} : memref<25600xi32, #tpu.memory_space<vmem>>, vector<16xi32>,
      %get3A_2095 = vector.shape_cast %get3A_2094 : vector<16xi32> to vector<16xi32>
      %add3A_2096 = arith.addi %mul3A_2092, %get3A_2095 : vector<16xi32>
      %swap3A_2097 = arith.index_cast %add3A_2064 : i32 to index
      %swap3A_2098 = tpu.vector_load %arg6[%swap3A_2097] {strides = array<i32>} : memref<25600xi32, #tpu.memory_space<vmem>>, vector<16xi32>,
      %swap3A_2099 = vector.shape_cast %swap3A_2098 : vector<16xi32> to vector<16xi32>
      %swap3A_2100 = vector.shape_cast %add3A_2096 : vector<16xi32> to vector<16xi32>
      tpu.vector_store %arg6[%swap3A_2097], %swap3A_2100 {strides = array<i32>} : memref<25600xi32, #tpu.memory_space<vmem>>, vector<16xi32>,
      %mul3A_2101 = arith.constant 128 : i32
      %mul3A_2102 = arith.muli %add3A_2020, %mul3A_2101 : i32
      %add3A_2103 = arith.constant 32 : i32
      %add3A_2104 = arith.addi %mul3A_2102, %add3A_2103 : i32
      %add3A_2105 = arith.addi %mul3A_2, %add3A_2104 : i32
      %add3A_2106 = vector.broadcast %add3A_2105 : i32 to vector<16xi32>
      %add3A_2107 = arith.addi %add3A_2106, %iota3A : vector<16xi32>
      %jit3A_2108 = arith.constant 200 : i32
      %eq3A_2109 = arith.constant 0 : i32
      %eq3A_2110 = arith.cmpi eq, %jit3A_2108, %eq3A_2109 : i32
      %jit3A_2111 = arith.constant 1 : i32
      %select_n3A_2112 = arith.select %eq3A_2110, %jit3A_2111, %jit3A_2108 : i32
      %rem3A_2113 = vector.broadcast %select_n3A_2112 : i32 to vector<16xi32>
      %rem3A_2114 = arith.remsi %add3A_2107, %rem3A_2113 : vector<16xi32>
      %ne3A_2115 = arith.constant 0 : i32
      %ne3A_2116 = vector.broadcast %ne3A_2115 : i32 to vector<16xi32>
      %ne3A_2117 = arith.cmpi ne, %rem3A_2114, %ne3A_2116 : vector<16xi32>
      %lt3A_2118 = arith.constant 0 : i32
      %lt3A_2119 = vector.broadcast %lt3A_2118 : i32 to vector<16xi32>
      %lt3A_2120 = arith.cmpi slt, %rem3A_2114, %lt3A_2119 : vector<16xi32>
      %lt3A_2121 = arith.constant 0 : i32
      %lt3A_2122 = arith.cmpi slt, %select_n3A_2112, %lt3A_2121 : i32
      %ne3A_2123 = vector.broadcast %lt3A_2122 : i1 to vector<16xi1>
      %ne3A_2124 = vector.broadcast %ne3A_2123 : vector<16xi1> to vector<16xi1>
      %ne3A_2125 = arith.xori %lt3A_2120, %ne3A_2124 : vector<16xi1>
      %and3A_2126 = arith.andi %ne3A_2125, %ne3A_2117 : vector<16xi1>
      %add3A_2127 = vector.broadcast %select_n3A_2112 : i32 to vector<16xi32>
      %add3A_2128 = arith.addi %rem3A_2114, %add3A_2127 : vector<16xi32>
      %select_n3A_2129 = arith.select %and3A_2126, %add3A_2128, %rem3A_2114 : vector<16xi1>, vector<16xi32>
      %mul3A_2130 = arith.constant 4 : i32
      %mul3A_2131 = vector.broadcast %mul3A_2130 : i32 to vector<16xi32>
      %mul3A_2132 = arith.muli %select_n3A_2129, %mul3A_2131 : vector<16xi32>
      %get3A_2133 = arith.index_cast %add3A_2104 : i32 to index
      %get3A_2134 = tpu.vector_load %arg6[%get3A_2133] {strides = array<i32>} : memref<25600xi32, #tpu.memory_space<vmem>>, vector<16xi32>,
      %get3A_2135 = vector.shape_cast %get3A_2134 : vector<16xi32> to vector<16xi32>
      %add3A_2136 = arith.addi %mul3A_2132, %get3A_2135 : vector<16xi32>
      %swap3A_2137 = arith.index_cast %add3A_2104 : i32 to index
      %swap3A_2138 = tpu.vector_load %arg6[%swap3A_2137] {strides = array<i32>} : memref<25600xi32, #tpu.memory_space<vmem>>, vector<16xi32>,
      %swap3A_2139 = vector.shape_cast %swap3A_2138 : vector<16xi32> to vector<16xi32>
      %swap3A_2140 = vector.shape_cast %add3A_2136 : vector<16xi32> to vector<16xi32>
      tpu.vector_store %arg6[%swap3A_2137], %swap3A_2140 {strides = array<i32>} : memref<25600xi32, #tpu.memory_space<vmem>>, vector<16xi32>,
      %mul3A_2141 = arith.constant 128 : i32
      %mul3A_2142 = arith.muli %add3A_2020, %mul3A_2141 : i32
      %add3A_2143 = arith.constant 48 : i32
      %add3A_2144 = arith.addi %mul3A_2142, %add3A_2143 : i32
      %add3A_2145 = arith.addi %mul3A_2, %add3A_2144 : i32
      %add3A_2146 = vector.broadcast %add3A_2145 : i32 to vector<16xi32>
      %add3A_2147 = arith.addi %add3A_2146, %iota3A : vector<16xi32>
      %jit3A_2148 = arith.constant 200 : i32
      %eq3A_2149 = arith.constant 0 : i32
      %eq3A_2150 = arith.cmpi eq, %jit3A_2148, %eq3A_2149 : i32
      %jit3A_2151 = arith.constant 1 : i32
      %select_n3A_2152 = arith.select %eq3A_2150, %jit3A_2151, %jit3A_2148 : i32
      %rem3A_2153 = vector.broadcast %select_n3A_2152 : i32 to vector<16xi32>
      %rem3A_2154 = arith.remsi %add3A_2147, %rem3A_2153 : vector<16xi32>
      %ne3A_2155 = arith.constant 0 : i32
      %ne3A_2156 = vector.broadcast %ne3A_2155 : i32 to vector<16xi32>
      %ne3A_2157 = arith.cmpi ne, %rem3A_2154, %ne3A_2156 : vector<16xi32>
      %lt3A_2158 = arith.constant 0 : i32
      %lt3A_2159 = vector.broadcast %lt3A_2158 : i32 to vector<16xi32>
      %lt3A_2160 = arith.cmpi slt, %rem3A_2154, %lt3A_2159 : vector<16xi32>
      %lt3A_2161 = arith.constant 0 : i32
      %lt3A_2162 = arith.cmpi slt, %select_n3A_2152, %lt3A_2161 : i32
      %ne3A_2163 = vector.broadcast %lt3A_2162 : i1 to vector<16xi1>
      %ne3A_2164 = vector.broadcast %ne3A_2163 : vector<16xi1> to vector<16xi1>
      %ne3A_2165 = arith.xori %lt3A_2160, %ne3A_2164 : vector<16xi1>
      %and3A_2166 = arith.andi %ne3A_2165, %ne3A_2157 : vector<16xi1>
      %add3A_2167 = vector.broadcast %select_n3A_2152 : i32 to vector<16xi32>
      %add3A_2168 = arith.addi %rem3A_2154, %add3A_2167 : vector<16xi32>
      %select_n3A_2169 = arith.select %and3A_2166, %add3A_2168, %rem3A_2154 : vector<16xi1>, vector<16xi32>
      %mul3A_2170 = arith.constant 4 : i32
      %mul3A_2171 = vector.broadcast %mul3A_2170 : i32 to vector<16xi32>
      %mul3A_2172 = arith.muli %select_n3A_2169, %mul3A_2171 : vector<16xi32>
      %get3A_2173 = arith.index_cast %add3A_2144 : i32 to index
      %get3A_2174 = tpu.vector_load %arg6[%get3A_2173] {strides = array<i32>} : memref<25600xi32, #tpu.memory_space<vmem>>, vector<16xi32>,
      %get3A_2175 = vector.shape_cast %get3A_2174 : vector<16xi32> to vector<16xi32>
      %add3A_2176 = arith.addi %mul3A_2172, %get3A_2175 : vector<16xi32>
      %swap3A_2177 = arith.index_cast %add3A_2144 : i32 to index
      %swap3A_2178 = tpu.vector_load %arg6[%swap3A_2177] {strides = array<i32>} : memref<25600xi32, #tpu.memory_space<vmem>>, vector<16xi32>,
      %swap3A_2179 = vector.shape_cast %swap3A_2178 : vector<16xi32> to vector<16xi32>
      %swap3A_2180 = vector.shape_cast %add3A_2176 : vector<16xi32> to vector<16xi32>
      tpu.vector_store %arg6[%swap3A_2177], %swap3A_2180 {strides = array<i32>} : memref<25600xi32, #tpu.memory_space<vmem>>, vector<16xi32>,
      %mul3A_2181 = arith.constant 128 : i32
      %mul3A_2182 = arith.muli %add3A_2020, %mul3A_2181 : i32
      %add3A_2183 = arith.constant 64 : i32
      %add3A_2184 = arith.addi %mul3A_2182, %add3A_2183 : i32
      %add3A_2185 = arith.addi %mul3A_2, %add3A_2184 : i32
      %add3A_2186 = vector.broadcast %add3A_2185 : i32 to vector<16xi32>
      %add3A_2187 = arith.addi %add3A_2186, %iota3A : vector<16xi32>
      %jit3A_2188 = arith.constant 200 : i32
      %eq3A_2189 = arith.constant 0 : i32
      %eq3A_2190 = arith.cmpi eq, %jit3A_2188, %eq3A_2189 : i32
      %jit3A_2191 = arith.constant 1 : i32
      %select_n3A_2192 = arith.select %eq3A_2190, %jit3A_2191, %jit3A_2188 : i32
      %rem3A_2193 = vector.broadcast %select_n3A_2192 : i32 to vector<16xi32>
      %rem3A_2194 = arith.remsi %add3A_2187, %rem3A_2193 : vector<16xi32>
      %ne3A_2195 = arith.constant 0 : i32
      %ne3A_2196 = vector.broadcast %ne3A_2195 : i32 to vector<16xi32>
      %ne3A_2197 = arith.cmpi ne, %rem3A_2194, %ne3A_2196 : vector<16xi32>
      %lt3A_2198 = arith.constant 0 : i32
      %lt3A_2199 = vector.broadcast %lt3A_2198 : i32 to vector<16xi32>
      %lt3A_2200 = arith.cmpi slt, %rem3A_2194, %lt3A_2199 : vector<16xi32>
      %lt3A_2201 = arith.constant 0 : i32
      %lt3A_2202 = arith.cmpi slt, %select_n3A_2192, %lt3A_2201 : i32
      %ne3A_2203 = vector.broadcast %lt3A_2202 : i1 to vector<16xi1>
      %ne3A_2204 = vector.broadcast %ne3A_2203 : vector<16xi1> to vector<16xi1>
      %ne3A_2205 = arith.xori %lt3A_2200, %ne3A_2204 : vector<16xi1>
      %and3A_2206 = arith.andi %ne3A_2205, %ne3A_2197 : vector<16xi1>
      %add3A_2207 = vector.broadcast %select_n3A_2192 : i32 to vector<16xi32>
      %add3A_2208 = arith.addi %rem3A_2194, %add3A_2207 : vector<16xi32>
      %select_n3A_2209 = arith.select %and3A_2206, %add3A_2208, %rem3A_2194 : vector<16xi1>, vector<16xi32>
      %mul3A_2210 = arith.constant 4 : i32
      %mul3A_2211 = vector.broadcast %mul3A_2210 : i32 to vector<16xi32>
      %mul3A_2212 = arith.muli %select_n3A_2209, %mul3A_2211 : vector<16xi32>
      %get3A_2213 = arith.index_cast %add3A_2184 : i32 to index
      %get3A_2214 = tpu.vector_load %arg6[%get3A_2213] {strides = array<i32>} : memref<25600xi32, #tpu.memory_space<vmem>>, vector<16xi32>,
      %get3A_2215 = vector.shape_cast %get3A_2214 : vector<16xi32> to vector<16xi32>
      %add3A_2216 = arith.addi %mul3A_2212, %get3A_2215 : vector<16xi32>
      %swap3A_2217 = arith.index_cast %add3A_2184 : i32 to index
      %swap3A_2218 = tpu.vector_load %arg6[%swap3A_2217] {strides = array<i32>} : memref<25600xi32, #tpu.memory_space<vmem>>, vector<16xi32>,
      %swap3A_2219 = vector.shape_cast %swap3A_2218 : vector<16xi32> to vector<16xi32>
      %swap3A_2220 = vector.shape_cast %add3A_2216 : vector<16xi32> to vector<16xi32>
      tpu.vector_store %arg6[%swap3A_2217], %swap3A_2220 {strides = array<i32>} : memref<25600xi32, #tpu.memory_space<vmem>>, vector<16xi32>,
      %mul3A_2221 = arith.constant 128 : i32
      %mul3A_2222 = arith.muli %add3A_2020, %mul3A_2221 : i32
      %add3A_2223 = arith.constant 80 : i32
      %add3A_2224 = arith.addi %mul3A_2222, %add3A_2223 : i32
      %add3A_2225 = arith.addi %mul3A_2, %add3A_2224 : i32
      %add3A_2226 = vector.broadcast %add3A_2225 : i32 to vector<16xi32>
      %add3A_2227 = arith.addi %add3A_2226, %iota3A : vector<16xi32>
      %jit3A_2228 = arith.constant 200 : i32
      %eq3A_2229 = arith.constant 0 : i32
      %eq3A_2230 = arith.cmpi eq, %jit3A_2228, %eq3A_2229 : i32
      %jit3A_2231 = arith.constant 1 : i32
      %select_n3A_2232 = arith.select %eq3A_2230, %jit3A_2231, %jit3A_2228 : i32
      %rem3A_2233 = vector.broadcast %select_n3A_2232 : i32 to vector<16xi32>
      %rem3A_2234 = arith.remsi %add3A_2227, %rem3A_2233 : vector<16xi32>
      %ne3A_2235 = arith.constant 0 : i32
      %ne3A_2236 = vector.broadcast %ne3A_2235 : i32 to vector<16xi32>
      %ne3A_2237 = arith.cmpi ne, %rem3A_2234, %ne3A_2236 : vector<16xi32>
      %lt3A_2238 = arith.constant 0 : i32
      %lt3A_2239 = vector.broadcast %lt3A_2238 : i32 to vector<16xi32>
      %lt3A_2240 = arith.cmpi slt, %rem3A_2234, %lt3A_2239 : vector<16xi32>
      %lt3A_2241 = arith.constant 0 : i32
      %lt3A_2242 = arith.cmpi slt, %select_n3A_2232, %lt3A_2241 : i32
      %ne3A_2243 = vector.broadcast %lt3A_2242 : i1 to vector<16xi1>
      %ne3A_2244 = vector.broadcast %ne3A_2243 : vector<16xi1> to vector<16xi1>
      %ne3A_2245 = arith.xori %lt3A_2240, %ne3A_2244 : vector<16xi1>
      %and3A_2246 = arith.andi %ne3A_2245, %ne3A_2237 : vector<16xi1>
      %add3A_2247 = vector.broadcast %select_n3A_2232 : i32 to vector<16xi32>
      %add3A_2248 = arith.addi %rem3A_2234, %add3A_2247 : vector<16xi32>
      %select_n3A_2249 = arith.select %and3A_2246, %add3A_2248, %rem3A_2234 : vector<16xi1>, vector<16xi32>
      %mul3A_2250 = arith.constant 4 : i32
      %mul3A_2251 = vector.broadcast %mul3A_2250 : i32 to vector<16xi32>
      %mul3A_2252 = arith.muli %select_n3A_2249, %mul3A_2251 : vector<16xi32>
      %get3A_2253 = arith.index_cast %add3A_2224 : i32 to index
      %get3A_2254 = tpu.vector_load %arg6[%get3A_2253] {strides = array<i32>} : memref<25600xi32, #tpu.memory_space<vmem>>, vector<16xi32>,
      %get3A_2255 = vector.shape_cast %get3A_2254 : vector<16xi32> to vector<16xi32>
      %add3A_2256 = arith.addi %mul3A_2252, %get3A_2255 : vector<16xi32>
      %swap3A_2257 = arith.index_cast %add3A_2224 : i32 to index
      %swap3A_2258 = tpu.vector_load %arg6[%swap3A_2257] {strides = array<i32>} : memref<25600xi32, #tpu.memory_space<vmem>>, vector<16xi32>,
      %swap3A_2259 = vector.shape_cast %swap3A_2258 : vector<16xi32> to vector<16xi32>
      %swap3A_2260 = vector.shape_cast %add3A_2256 : vector<16xi32> to vector<16xi32>
      tpu.vector_store %arg6[%swap3A_2257], %swap3A_2260 {strides = array<i32>} : memref<25600xi32, #tpu.memory_space<vmem>>, vector<16xi32>,
      %mul3A_2261 = arith.constant 128 : i32
      %mul3A_2262 = arith.muli %add3A_2020, %mul3A_2261 : i32
      %add3A_2263 = arith.constant 96 : i32
      %add3A_2264 = arith.addi %mul3A_2262, %add3A_2263 : i32
      %add3A_2265 = arith.addi %mul3A_2, %add3A_2264 : i32
      %add3A_2266 = vector.broadcast %add3A_2265 : i32 to vector<16xi32>
      %add3A_2267 = arith.addi %add3A_2266, %iota3A : vector<16xi32>
      %jit3A_2268 = arith.constant 200 : i32
      %eq3A_2269 = arith.constant 0 : i32
      %eq3A_2270 = arith.cmpi eq, %jit3A_2268, %eq3A_2269 : i32
      %jit3A_2271 = arith.constant 1 : i32
      %select_n3A_2272 = arith.select %eq3A_2270, %jit3A_2271, %jit3A_2268 : i32
      %rem3A_2273 = vector.broadcast %select_n3A_2272 : i32 to vector<16xi32>
      %rem3A_2274 = arith.remsi %add3A_2267, %rem3A_2273 : vector<16xi32>
      %ne3A_2275 = arith.constant 0 : i32
      %ne3A_2276 = vector.broadcast %ne3A_2275 : i32 to vector<16xi32>
      %ne3A_2277 = arith.cmpi ne, %rem3A_2274, %ne3A_2276 : vector<16xi32>
      %lt3A_2278 = arith.constant 0 : i32
      %lt3A_2279 = vector.broadcast %lt3A_2278 : i32 to vector<16xi32>
      %lt3A_2280 = arith.cmpi slt, %rem3A_2274, %lt3A_2279 : vector<16xi32>
      %lt3A_2281 = arith.constant 0 : i32
      %lt3A_2282 = arith.cmpi slt, %select_n3A_2272, %lt3A_2281 : i32
      %ne3A_2283 = vector.broadcast %lt3A_2282 : i1 to vector<16xi1>
      %ne3A_2284 = vector.broadcast %ne3A_2283 : vector<16xi1> to vector<16xi1>
      %ne3A_2285 = arith.xori %lt3A_2280, %ne3A_2284 : vector<16xi1>
      %and3A_2286 = arith.andi %ne3A_2285, %ne3A_2277 : vector<16xi1>
      %add3A_2287 = vector.broadcast %select_n3A_2272 : i32 to vector<16xi32>
      %add3A_2288 = arith.addi %rem3A_2274, %add3A_2287 : vector<16xi32>
      %select_n3A_2289 = arith.select %and3A_2286, %add3A_2288, %rem3A_2274 : vector<16xi1>, vector<16xi32>
      %mul3A_2290 = arith.constant 4 : i32
      %mul3A_2291 = vector.broadcast %mul3A_2290 : i32 to vector<16xi32>
      %mul3A_2292 = arith.muli %select_n3A_2289, %mul3A_2291 : vector<16xi32>
      %get3A_2293 = arith.index_cast %add3A_2264 : i32 to index
      %get3A_2294 = tpu.vector_load %arg6[%get3A_2293] {strides = array<i32>} : memref<25600xi32, #tpu.memory_space<vmem>>, vector<16xi32>,
      %get3A_2295 = vector.shape_cast %get3A_2294 : vector<16xi32> to vector<16xi32>
      %add3A_2296 = arith.addi %mul3A_2292, %get3A_2295 : vector<16xi32>
      %swap3A_2297 = arith.index_cast %add3A_2264 : i32 to index
      %swap3A_2298 = tpu.vector_load %arg6[%swap3A_2297] {strides = array<i32>} : memref<25600xi32, #tpu.memory_space<vmem>>, vector<16xi32>,
      %swap3A_2299 = vector.shape_cast %swap3A_2298 : vector<16xi32> to vector<16xi32>
      %swap3A_2300 = vector.shape_cast %add3A_2296 : vector<16xi32> to vector<16xi32>
      tpu.vector_store %arg6[%swap3A_2297], %swap3A_2300 {strides = array<i32>} : memref<25600xi32, #tpu.memory_space<vmem>>, vector<16xi32>,
      %mul3A_2301 = arith.constant 128 : i32
      %mul3A_2302 = arith.muli %add3A_2020, %mul3A_2301 : i32
      %add3A_2303 = arith.constant 112 : i32
      %add3A_2304 = arith.addi %mul3A_2302, %add3A_2303 : i32
      %add3A_2305 = arith.addi %mul3A_2, %add3A_2304 : i32
      %add3A_2306 = vector.broadcast %add3A_2305 : i32 to vector<16xi32>
      %add3A_2307 = arith.addi %add3A_2306, %iota3A : vector<16xi32>
      %jit3A_2308 = arith.constant 200 : i32
      %eq3A_2309 = arith.constant 0 : i32
      %eq3A_2310 = arith.cmpi eq, %jit3A_2308, %eq3A_2309 : i32
      %jit3A_2311 = arith.constant 1 : i32
      %select_n3A_2312 = arith.select %eq3A_2310, %jit3A_2311, %jit3A_2308 : i32
      %rem3A_2313 = vector.broadcast %select_n3A_2312 : i32 to vector<16xi32>
      %rem3A_2314 = arith.remsi %add3A_2307, %rem3A_2313 : vector<16xi32>
      %ne3A_2315 = arith.constant 0 : i32
      %ne3A_2316 = vector.broadcast %ne3A_2315 : i32 to vector<16xi32>
      %ne3A_2317 = arith.cmpi ne, %rem3A_2314, %ne3A_2316 : vector<16xi32>
      %lt3A_2318 = arith.constant 0 : i32
      %lt3A_2319 = vector.broadcast %lt3A_2318 : i32 to vector<16xi32>
      %lt3A_2320 = arith.cmpi slt, %rem3A_2314, %lt3A_2319 : vector<16xi32>
      %lt3A_2321 = arith.constant 0 : i32
      %lt3A_2322 = arith.cmpi slt, %select_n3A_2312, %lt3A_2321 : i32
      %ne3A_2323 = vector.broadcast %lt3A_2322 : i1 to vector<16xi1>
      %ne3A_2324 = vector.broadcast %ne3A_2323 : vector<16xi1> to vector<16xi1>
      %ne3A_2325 = arith.xori %lt3A_2320, %ne3A_2324 : vector<16xi1>
      %and3A_2326 = arith.andi %ne3A_2325, %ne3A_2317 : vector<16xi1>
      %add3A_2327 = vector.broadcast %select_n3A_2312 : i32 to vector<16xi32>
      %add3A_2328 = arith.addi %rem3A_2314, %add3A_2327 : vector<16xi32>
      %select_n3A_2329 = arith.select %and3A_2326, %add3A_2328, %rem3A_2314 : vector<16xi1>, vector<16xi32>
      %mul3A_2330 = arith.constant 4 : i32
      %mul3A_2331 = vector.broadcast %mul3A_2330 : i32 to vector<16xi32>
      %mul3A_2332 = arith.muli %select_n3A_2329, %mul3A_2331 : vector<16xi32>
      %get3A_2333 = arith.index_cast %add3A_2304 : i32 to index
      %get3A_2334 = tpu.vector_load %arg6[%get3A_2333] {strides = array<i32>} : memref<25600xi32, #tpu.memory_space<vmem>>, vector<16xi32>,
      %get3A_2335 = vector.shape_cast %get3A_2334 : vector<16xi32> to vector<16xi32>
      %add3A_2336 = arith.addi %mul3A_2332, %get3A_2335 : vector<16xi32>
      %swap3A_2337 = arith.index_cast %add3A_2304 : i32 to index
      %swap3A_2338 = tpu.vector_load %arg6[%swap3A_2337] {strides = array<i32>} : memref<25600xi32, #tpu.memory_space<vmem>>, vector<16xi32>,
      %swap3A_2339 = vector.shape_cast %swap3A_2338 : vector<16xi32> to vector<16xi32>
      %swap3A_2340 = vector.shape_cast %add3A_2336 : vector<16xi32> to vector<16xi32>
      tpu.vector_store %arg6[%swap3A_2337], %swap3A_2340 {strides = array<i32>} : memref<25600xi32, #tpu.memory_space<vmem>>, vector<16xi32>,
      %mul3A_2341 = arith.constant 128 : i32
      %mul3A_2342 = arith.muli %add3A_2020, %mul3A_2341 : i32
      %dma_start3A_2343 = tpu.memref_slice %arg6[%mul3A_2342] : memref<25600xi32, #tpu.memory_space<vmem>> -> memref<128xi32, #tpu.memory_space<vmem>>
      %dma_start3A_2344 = arith.constant 0 : i32
      %dma_start3A_2345 = arith.constant 0 : i32
      %dma_start3A_2346 = tpu.memref_slice %arg5[%dma_start3A_2344, %dma_start3A_2345] : memref<800x128xf32, #tpu.memory_space<vmem_shared>> -> memref<800x128xf32, #tpu.memory_space<vmem_shared>>
      tpu.enqueue_indirect_dma source(%dma_start3A_2346 : memref<800x128xf32, #tpu.memory_space<vmem_shared>>) target(%arg9 : memref<128x128xf32, #tpu.memory_space<vmem>>) offsets(%dma_start3A_2343 : memref<128xi32, #tpu.memory_space<vmem>>) semaphore(%arg13 : memref<!tpu.dma_semaphore, #tpu.memory_space<semaphore_mem>>)
      %dma_wait3A_2347 = arith.constant 0 : i32
      %dma_wait3A_2348 = arith.constant 0 : i32
      %dma_wait3A_2349 = tpu.memref_slice %arg4[%dma_wait3A_2347, %dma_wait3A_2348] : memref<819200x128xf32, #tpu.memory_space<hbm>> -> memref<128x128xf32, #tpu.memory_space<hbm>>
      %dma_wait3A_2350 = arith.constant 0 : i32
      %dma_wait3A_2351 = arith.constant 0 : i32
      %dma_wait3A_2352 = tpu.memref_slice %arg4[%dma_wait3A_2350, %dma_wait3A_2351] : memref<819200x128xf32, #tpu.memory_space<hbm>> -> memref<128x128xf32, #tpu.memory_space<hbm>>
      tpu.wait_dma2 semaphore(%arg18 : memref<!tpu.dma_semaphore, #tpu.memory_space<semaphore_mem>>) src(%arg10 : memref<128x128xf32, #tpu.memory_space<vmem>>) dst(%dma_wait3A_2352 : memref<128x128xf32, #tpu.memory_space<hbm>>)
      %add3A_2353 = arith.constant 4 : i32
      %add3A_2354 = arith.addi %mul3A_1278, %add3A_2353 : i32
      %add3A_2355 = arith.constant 3 : i32
      %add3A_2356 = arith.addi %add3A_2354, %add3A_2355 : i32
      %mul3A_2357 = arith.constant 128 : i32
      %mul3A_2358 = arith.muli %add3A_2356, %mul3A_2357 : i32
      %add3A_2359 = arith.constant 0 : i32
      %add3A_2360 = arith.addi %mul3A_2358, %add3A_2359 : i32
      %add3A_2361 = arith.addi %mul3A_2, %add3A_2360 : i32
      %add3A_2362 = vector.broadcast %add3A_2361 : i32 to vector<16xi32>
      %add3A_2363 = arith.addi %add3A_2362, %iota3A : vector<16xi32>
      %jit3A_2364 = arith.constant 200 : i32
      %eq3A_2365 = arith.constant 0 : i32
      %eq3A_2366 = arith.cmpi eq, %jit3A_2364, %eq3A_2365 : i32
      %jit3A_2367 = arith.constant 1 : i32
      %select_n3A_2368 = arith.select %eq3A_2366, %jit3A_2367, %jit3A_2364 : i32
      %rem3A_2369 = vector.broadcast %select_n3A_2368 : i32 to vector<16xi32>
      %rem3A_2370 = arith.remsi %add3A_2363, %rem3A_2369 : vector<16xi32>
      %ne3A_2371 = arith.constant 0 : i32
      %ne3A_2372 = vector.broadcast %ne3A_2371 : i32 to vector<16xi32>
      %ne3A_2373 = arith.cmpi ne, %rem3A_2370, %ne3A_2372 : vector<16xi32>
      %lt3A_2374 = arith.constant 0 : i32
      %lt3A_2375 = vector.broadcast %lt3A_2374 : i32 to vector<16xi32>
      %lt3A_2376 = arith.cmpi slt, %rem3A_2370, %lt3A_2375 : vector<16xi32>
      %lt3A_2377 = arith.constant 0 : i32
      %lt3A_2378 = arith.cmpi slt, %select_n3A_2368, %lt3A_2377 : i32
      %ne3A_2379 = vector.broadcast %lt3A_2378 : i1 to vector<16xi1>
      %ne3A_2380 = vector.broadcast %ne3A_2379 : vector<16xi1> to vector<16xi1>
      %ne3A_2381 = arith.xori %lt3A_2376, %ne3A_2380 : vector<16xi1>
      %and3A_2382 = arith.andi %ne3A_2381, %ne3A_2373 : vector<16xi1>
      %add3A_2383 = vector.broadcast %select_n3A_2368 : i32 to vector<16xi32>
      %add3A_2384 = arith.addi %rem3A_2370, %add3A_2383 : vector<16xi32>
      %select_n3A_2385 = arith.select %and3A_2382, %add3A_2384, %rem3A_2370 : vector<16xi1>, vector<16xi32>
      %mul3A_2386 = arith.constant 4 : i32
      %mul3A_2387 = vector.broadcast %mul3A_2386 : i32 to vector<16xi32>
      %mul3A_2388 = arith.muli %select_n3A_2385, %mul3A_2387 : vector<16xi32>
      %get3A_2389 = arith.index_cast %add3A_2360 : i32 to index
      %get3A_2390 = tpu.vector_load %arg6[%get3A_2389] {strides = array<i32>} : memref<25600xi32, #tpu.memory_space<vmem>>, vector<16xi32>,
      %get3A_2391 = vector.shape_cast %get3A_2390 : vector<16xi32> to vector<16xi32>
      %add3A_2392 = arith.addi %mul3A_2388, %get3A_2391 : vector<16xi32>
      %swap3A_2393 = arith.index_cast %add3A_2360 : i32 to index
      %swap3A_2394 = tpu.vector_load %arg6[%swap3A_2393] {strides = array<i32>} : memref<25600xi32, #tpu.memory_space<vmem>>, vector<16xi32>,
      %swap3A_2395 = vector.shape_cast %swap3A_2394 : vector<16xi32> to vector<16xi32>
      %swap3A_2396 = vector.shape_cast %add3A_2392 : vector<16xi32> to vector<16xi32>
      tpu.vector_store %arg6[%swap3A_2393], %swap3A_2396 {strides = array<i32>} : memref<25600xi32, #tpu.memory_space<vmem>>, vector<16xi32>,
      %mul3A_2397 = arith.constant 128 : i32
      %mul3A_2398 = arith.muli %add3A_2356, %mul3A_2397 : i32
      %add3A_2399 = arith.constant 16 : i32
      %add3A_2400 = arith.addi %mul3A_2398, %add3A_2399 : i32
      %add3A_2401 = arith.addi %mul3A_2, %add3A_2400 : i32
      %add3A_2402 = vector.broadcast %add3A_2401 : i32 to vector<16xi32>
      %add3A_2403 = arith.addi %add3A_2402, %iota3A : vector<16xi32>
      %jit3A_2404 = arith.constant 200 : i32
      %eq3A_2405 = arith.constant 0 : i32
      %eq3A_2406 = arith.cmpi eq, %jit3A_2404, %eq3A_2405 : i32
      %jit3A_2407 = arith.constant 1 : i32
      %select_n3A_2408 = arith.select %eq3A_2406, %jit3A_2407, %jit3A_2404 : i32
      %rem3A_2409 = vector.broadcast %select_n3A_2408 : i32 to vector<16xi32>
      %rem3A_2410 = arith.remsi %add3A_2403, %rem3A_2409 : vector<16xi32>
      %ne3A_2411 = arith.constant 0 : i32
      %ne3A_2412 = vector.broadcast %ne3A_2411 : i32 to vector<16xi32>
      %ne3A_2413 = arith.cmpi ne, %rem3A_2410, %ne3A_2412 : vector<16xi32>
      %lt3A_2414 = arith.constant 0 : i32
      %lt3A_2415 = vector.broadcast %lt3A_2414 : i32 to vector<16xi32>
      %lt3A_2416 = arith.cmpi slt, %rem3A_2410, %lt3A_2415 : vector<16xi32>
      %lt3A_2417 = arith.constant 0 : i32
      %lt3A_2418 = arith.cmpi slt, %select_n3A_2408, %lt3A_2417 : i32
      %ne3A_2419 = vector.broadcast %lt3A_2418 : i1 to vector<16xi1>
      %ne3A_2420 = vector.broadcast %ne3A_2419 : vector<16xi1> to vector<16xi1>
      %ne3A_2421 = arith.xori %lt3A_2416, %ne3A_2420 : vector<16xi1>
      %and3A_2422 = arith.andi %ne3A_2421, %ne3A_2413 : vector<16xi1>
      %add3A_2423 = vector.broadcast %select_n3A_2408 : i32 to vector<16xi32>
      %add3A_2424 = arith.addi %rem3A_2410, %add3A_2423 : vector<16xi32>
      %select_n3A_2425 = arith.select %and3A_2422, %add3A_2424, %rem3A_2410 : vector<16xi1>, vector<16xi32>
      %mul3A_2426 = arith.constant 4 : i32
      %mul3A_2427 = vector.broadcast %mul3A_2426 : i32 to vector<16xi32>
      %mul3A_2428 = arith.muli %select_n3A_2425, %mul3A_2427 : vector<16xi32>
      %get3A_2429 = arith.index_cast %add3A_2400 : i32 to index
      %get3A_2430 = tpu.vector_load %arg6[%get3A_2429] {strides = array<i32>} : memref<25600xi32, #tpu.memory_space<vmem>>, vector<16xi32>,
      %get3A_2431 = vector.shape_cast %get3A_2430 : vector<16xi32> to vector<16xi32>
      %add3A_2432 = arith.addi %mul3A_2428, %get3A_2431 : vector<16xi32>
      %swap3A_2433 = arith.index_cast %add3A_2400 : i32 to index
      %swap3A_2434 = tpu.vector_load %arg6[%swap3A_2433] {strides = array<i32>} : memref<25600xi32, #tpu.memory_space<vmem>>, vector<16xi32>,
      %swap3A_2435 = vector.shape_cast %swap3A_2434 : vector<16xi32> to vector<16xi32>
      %swap3A_2436 = vector.shape_cast %add3A_2432 : vector<16xi32> to vector<16xi32>
      tpu.vector_store %arg6[%swap3A_2433], %swap3A_2436 {strides = array<i32>} : memref<25600xi32, #tpu.memory_space<vmem>>, vector<16xi32>,
      %mul3A_2437 = arith.constant 128 : i32
      %mul3A_2438 = arith.muli %add3A_2356, %mul3A_2437 : i32
      %add3A_2439 = arith.constant 32 : i32
      %add3A_2440 = arith.addi %mul3A_2438, %add3A_2439 : i32
      %add3A_2441 = arith.addi %mul3A_2, %add3A_2440 : i32
      %add3A_2442 = vector.broadcast %add3A_2441 : i32 to vector<16xi32>
      %add3A_2443 = arith.addi %add3A_2442, %iota3A : vector<16xi32>
      %jit3A_2444 = arith.constant 200 : i32
      %eq3A_2445 = arith.constant 0 : i32
      %eq3A_2446 = arith.cmpi eq, %jit3A_2444, %eq3A_2445 : i32
      %jit3A_2447 = arith.constant 1 : i32
      %select_n3A_2448 = arith.select %eq3A_2446, %jit3A_2447, %jit3A_2444 : i32
      %rem3A_2449 = vector.broadcast %select_n3A_2448 : i32 to vector<16xi32>
      %rem3A_2450 = arith.remsi %add3A_2443, %rem3A_2449 : vector<16xi32>
      %ne3A_2451 = arith.constant 0 : i32
      %ne3A_2452 = vector.broadcast %ne3A_2451 : i32 to vector<16xi32>
      %ne3A_2453 = arith.cmpi ne, %rem3A_2450, %ne3A_2452 : vector<16xi32>
      %lt3A_2454 = arith.constant 0 : i32
      %lt3A_2455 = vector.broadcast %lt3A_2454 : i32 to vector<16xi32>
      %lt3A_2456 = arith.cmpi slt, %rem3A_2450, %lt3A_2455 : vector<16xi32>
      %lt3A_2457 = arith.constant 0 : i32
      %lt3A_2458 = arith.cmpi slt, %select_n3A_2448, %lt3A_2457 : i32
      %ne3A_2459 = vector.broadcast %lt3A_2458 : i1 to vector<16xi1>
      %ne3A_2460 = vector.broadcast %ne3A_2459 : vector<16xi1> to vector<16xi1>
      %ne3A_2461 = arith.xori %lt3A_2456, %ne3A_2460 : vector<16xi1>
      %and3A_2462 = arith.andi %ne3A_2461, %ne3A_2453 : vector<16xi1>
      %add3A_2463 = vector.broadcast %select_n3A_2448 : i32 to vector<16xi32>
      %add3A_2464 = arith.addi %rem3A_2450, %add3A_2463 : vector<16xi32>
      %select_n3A_2465 = arith.select %and3A_2462, %add3A_2464, %rem3A_2450 : vector<16xi1>, vector<16xi32>
      %mul3A_2466 = arith.constant 4 : i32
      %mul3A_2467 = vector.broadcast %mul3A_2466 : i32 to vector<16xi32>
      %mul3A_2468 = arith.muli %select_n3A_2465, %mul3A_2467 : vector<16xi32>
      %get3A_2469 = arith.index_cast %add3A_2440 : i32 to index
      %get3A_2470 = tpu.vector_load %arg6[%get3A_2469] {strides = array<i32>} : memref<25600xi32, #tpu.memory_space<vmem>>, vector<16xi32>,
      %get3A_2471 = vector.shape_cast %get3A_2470 : vector<16xi32> to vector<16xi32>
      %add3A_2472 = arith.addi %mul3A_2468, %get3A_2471 : vector<16xi32>
      %swap3A_2473 = arith.index_cast %add3A_2440 : i32 to index
      %swap3A_2474 = tpu.vector_load %arg6[%swap3A_2473] {strides = array<i32>} : memref<25600xi32, #tpu.memory_space<vmem>>, vector<16xi32>,
      %swap3A_2475 = vector.shape_cast %swap3A_2474 : vector<16xi32> to vector<16xi32>
      %swap3A_2476 = vector.shape_cast %add3A_2472 : vector<16xi32> to vector<16xi32>
      tpu.vector_store %arg6[%swap3A_2473], %swap3A_2476 {strides = array<i32>} : memref<25600xi32, #tpu.memory_space<vmem>>, vector<16xi32>,
      %mul3A_2477 = arith.constant 128 : i32
      %mul3A_2478 = arith.muli %add3A_2356, %mul3A_2477 : i32
      %add3A_2479 = arith.constant 48 : i32
      %add3A_2480 = arith.addi %mul3A_2478, %add3A_2479 : i32
      %add3A_2481 = arith.addi %mul3A_2, %add3A_2480 : i32
      %add3A_2482 = vector.broadcast %add3A_2481 : i32 to vector<16xi32>
      %add3A_2483 = arith.addi %add3A_2482, %iota3A : vector<16xi32>
      %jit3A_2484 = arith.constant 200 : i32
      %eq3A_2485 = arith.constant 0 : i32
      %eq3A_2486 = arith.cmpi eq, %jit3A_2484, %eq3A_2485 : i32
      %jit3A_2487 = arith.constant 1 : i32
      %select_n3A_2488 = arith.select %eq3A_2486, %jit3A_2487, %jit3A_2484 : i32
      %rem3A_2489 = vector.broadcast %select_n3A_2488 : i32 to vector<16xi32>
      %rem3A_2490 = arith.remsi %add3A_2483, %rem3A_2489 : vector<16xi32>
      %ne3A_2491 = arith.constant 0 : i32
      %ne3A_2492 = vector.broadcast %ne3A_2491 : i32 to vector<16xi32>
      %ne3A_2493 = arith.cmpi ne, %rem3A_2490, %ne3A_2492 : vector<16xi32>
      %lt3A_2494 = arith.constant 0 : i32
      %lt3A_2495 = vector.broadcast %lt3A_2494 : i32 to vector<16xi32>
      %lt3A_2496 = arith.cmpi slt, %rem3A_2490, %lt3A_2495 : vector<16xi32>
      %lt3A_2497 = arith.constant 0 : i32
      %lt3A_2498 = arith.cmpi slt, %select_n3A_2488, %lt3A_2497 : i32
      %ne3A_2499 = vector.broadcast %lt3A_2498 : i1 to vector<16xi1>
      %ne3A_2500 = vector.broadcast %ne3A_2499 : vector<16xi1> to vector<16xi1>
      %ne3A_2501 = arith.xori %lt3A_2496, %ne3A_2500 : vector<16xi1>
      %and3A_2502 = arith.andi %ne3A_2501, %ne3A_2493 : vector<16xi1>
      %add3A_2503 = vector.broadcast %select_n3A_2488 : i32 to vector<16xi32>
      %add3A_2504 = arith.addi %rem3A_2490, %add3A_2503 : vector<16xi32>
      %select_n3A_2505 = arith.select %and3A_2502, %add3A_2504, %rem3A_2490 : vector<16xi1>, vector<16xi32>
      %mul3A_2506 = arith.constant 4 : i32
      %mul3A_2507 = vector.broadcast %mul3A_2506 : i32 to vector<16xi32>
      %mul3A_2508 = arith.muli %select_n3A_2505, %mul3A_2507 : vector<16xi32>
      %get3A_2509 = arith.index_cast %add3A_2480 : i32 to index
      %get3A_2510 = tpu.vector_load %arg6[%get3A_2509] {strides = array<i32>} : memref<25600xi32, #tpu.memory_space<vmem>>, vector<16xi32>,
      %get3A_2511 = vector.shape_cast %get3A_2510 : vector<16xi32> to vector<16xi32>
      %add3A_2512 = arith.addi %mul3A_2508, %get3A_2511 : vector<16xi32>
      %swap3A_2513 = arith.index_cast %add3A_2480 : i32 to index
      %swap3A_2514 = tpu.vector_load %arg6[%swap3A_2513] {strides = array<i32>} : memref<25600xi32, #tpu.memory_space<vmem>>, vector<16xi32>,
      %swap3A_2515 = vector.shape_cast %swap3A_2514 : vector<16xi32> to vector<16xi32>
      %swap3A_2516 = vector.shape_cast %add3A_2512 : vector<16xi32> to vector<16xi32>
      tpu.vector_store %arg6[%swap3A_2513], %swap3A_2516 {strides = array<i32>} : memref<25600xi32, #tpu.memory_space<vmem>>, vector<16xi32>,
      %mul3A_2517 = arith.constant 128 : i32
      %mul3A_2518 = arith.muli %add3A_2356, %mul3A_2517 : i32
      %add3A_2519 = arith.constant 64 : i32
      %add3A_2520 = arith.addi %mul3A_2518, %add3A_2519 : i32
      %add3A_2521 = arith.addi %mul3A_2, %add3A_2520 : i32
      %add3A_2522 = vector.broadcast %add3A_2521 : i32 to vector<16xi32>
      %add3A_2523 = arith.addi %add3A_2522, %iota3A : vector<16xi32>
      %jit3A_2524 = arith.constant 200 : i32
      %eq3A_2525 = arith.constant 0 : i32
      %eq3A_2526 = arith.cmpi eq, %jit3A_2524, %eq3A_2525 : i32
      %jit3A_2527 = arith.constant 1 : i32
      %select_n3A_2528 = arith.select %eq3A_2526, %jit3A_2527, %jit3A_2524 : i32
      %rem3A_2529 = vector.broadcast %select_n3A_2528 : i32 to vector<16xi32>
      %rem3A_2530 = arith.remsi %add3A_2523, %rem3A_2529 : vector<16xi32>
      %ne3A_2531 = arith.constant 0 : i32
      %ne3A_2532 = vector.broadcast %ne3A_2531 : i32 to vector<16xi32>
      %ne3A_2533 = arith.cmpi ne, %rem3A_2530, %ne3A_2532 : vector<16xi32>
      %lt3A_2534 = arith.constant 0 : i32
      %lt3A_2535 = vector.broadcast %lt3A_2534 : i32 to vector<16xi32>
      %lt3A_2536 = arith.cmpi slt, %rem3A_2530, %lt3A_2535 : vector<16xi32>
      %lt3A_2537 = arith.constant 0 : i32
      %lt3A_2538 = arith.cmpi slt, %select_n3A_2528, %lt3A_2537 : i32
      %ne3A_2539 = vector.broadcast %lt3A_2538 : i1 to vector<16xi1>
      %ne3A_2540 = vector.broadcast %ne3A_2539 : vector<16xi1> to vector<16xi1>
      %ne3A_2541 = arith.xori %lt3A_2536, %ne3A_2540 : vector<16xi1>
      %and3A_2542 = arith.andi %ne3A_2541, %ne3A_2533 : vector<16xi1>
      %add3A_2543 = vector.broadcast %select_n3A_2528 : i32 to vector<16xi32>
      %add3A_2544 = arith.addi %rem3A_2530, %add3A_2543 : vector<16xi32>
      %select_n3A_2545 = arith.select %and3A_2542, %add3A_2544, %rem3A_2530 : vector<16xi1>, vector<16xi32>
      %mul3A_2546 = arith.constant 4 : i32
      %mul3A_2547 = vector.broadcast %mul3A_2546 : i32 to vector<16xi32>
      %mul3A_2548 = arith.muli %select_n3A_2545, %mul3A_2547 : vector<16xi32>
      %get3A_2549 = arith.index_cast %add3A_2520 : i32 to index
      %get3A_2550 = tpu.vector_load %arg6[%get3A_2549] {strides = array<i32>} : memref<25600xi32, #tpu.memory_space<vmem>>, vector<16xi32>,
      %get3A_2551 = vector.shape_cast %get3A_2550 : vector<16xi32> to vector<16xi32>
      %add3A_2552 = arith.addi %mul3A_2548, %get3A_2551 : vector<16xi32>
      %swap3A_2553 = arith.index_cast %add3A_2520 : i32 to index
      %swap3A_2554 = tpu.vector_load %arg6[%swap3A_2553] {strides = array<i32>} : memref<25600xi32, #tpu.memory_space<vmem>>, vector<16xi32>,
      %swap3A_2555 = vector.shape_cast %swap3A_2554 : vector<16xi32> to vector<16xi32>
      %swap3A_2556 = vector.shape_cast %add3A_2552 : vector<16xi32> to vector<16xi32>
      tpu.vector_store %arg6[%swap3A_2553], %swap3A_2556 {strides = array<i32>} : memref<25600xi32, #tpu.memory_space<vmem>>, vector<16xi32>,
      %mul3A_2557 = arith.constant 128 : i32
      %mul3A_2558 = arith.muli %add3A_2356, %mul3A_2557 : i32
      %add3A_2559 = arith.constant 80 : i32
      %add3A_2560 = arith.addi %mul3A_2558, %add3A_2559 : i32
      %add3A_2561 = arith.addi %mul3A_2, %add3A_2560 : i32
      %add3A_2562 = vector.broadcast %add3A_2561 : i32 to vector<16xi32>
      %add3A_2563 = arith.addi %add3A_2562, %iota3A : vector<16xi32>
      %jit3A_2564 = arith.constant 200 : i32
      %eq3A_2565 = arith.constant 0 : i32
      %eq3A_2566 = arith.cmpi eq, %jit3A_2564, %eq3A_2565 : i32
      %jit3A_2567 = arith.constant 1 : i32
      %select_n3A_2568 = arith.select %eq3A_2566, %jit3A_2567, %jit3A_2564 : i32
      %rem3A_2569 = vector.broadcast %select_n3A_2568 : i32 to vector<16xi32>
      %rem3A_2570 = arith.remsi %add3A_2563, %rem3A_2569 : vector<16xi32>
      %ne3A_2571 = arith.constant 0 : i32
      %ne3A_2572 = vector.broadcast %ne3A_2571 : i32 to vector<16xi32>
      %ne3A_2573 = arith.cmpi ne, %rem3A_2570, %ne3A_2572 : vector<16xi32>
      %lt3A_2574 = arith.constant 0 : i32
      %lt3A_2575 = vector.broadcast %lt3A_2574 : i32 to vector<16xi32>
      %lt3A_2576 = arith.cmpi slt, %rem3A_2570, %lt3A_2575 : vector<16xi32>
      %lt3A_2577 = arith.constant 0 : i32
      %lt3A_2578 = arith.cmpi slt, %select_n3A_2568, %lt3A_2577 : i32
      %ne3A_2579 = vector.broadcast %lt3A_2578 : i1 to vector<16xi1>
      %ne3A_2580 = vector.broadcast %ne3A_2579 : vector<16xi1> to vector<16xi1>
      %ne3A_2581 = arith.xori %lt3A_2576, %ne3A_2580 : vector<16xi1>
      %and3A_2582 = arith.andi %ne3A_2581, %ne3A_2573 : vector<16xi1>
      %add3A_2583 = vector.broadcast %select_n3A_2568 : i32 to vector<16xi32>
      %add3A_2584 = arith.addi %rem3A_2570, %add3A_2583 : vector<16xi32>
      %select_n3A_2585 = arith.select %and3A_2582, %add3A_2584, %rem3A_2570 : vector<16xi1>, vector<16xi32>
      %mul3A_2586 = arith.constant 4 : i32
      %mul3A_2587 = vector.broadcast %mul3A_2586 : i32 to vector<16xi32>
      %mul3A_2588 = arith.muli %select_n3A_2585, %mul3A_2587 : vector<16xi32>
      %get3A_2589 = arith.index_cast %add3A_2560 : i32 to index
      %get3A_2590 = tpu.vector_load %arg6[%get3A_2589] {strides = array<i32>} : memref<25600xi32, #tpu.memory_space<vmem>>, vector<16xi32>,
      %get3A_2591 = vector.shape_cast %get3A_2590 : vector<16xi32> to vector<16xi32>
      %add3A_2592 = arith.addi %mul3A_2588, %get3A_2591 : vector<16xi32>
      %swap3A_2593 = arith.index_cast %add3A_2560 : i32 to index
      %swap3A_2594 = tpu.vector_load %arg6[%swap3A_2593] {strides = array<i32>} : memref<25600xi32, #tpu.memory_space<vmem>>, vector<16xi32>,
      %swap3A_2595 = vector.shape_cast %swap3A_2594 : vector<16xi32> to vector<16xi32>
      %swap3A_2596 = vector.shape_cast %add3A_2592 : vector<16xi32> to vector<16xi32>
      tpu.vector_store %arg6[%swap3A_2593], %swap3A_2596 {strides = array<i32>} : memref<25600xi32, #tpu.memory_space<vmem>>, vector<16xi32>,
      %mul3A_2597 = arith.constant 128 : i32
      %mul3A_2598 = arith.muli %add3A_2356, %mul3A_2597 : i32
      %add3A_2599 = arith.constant 96 : i32
      %add3A_2600 = arith.addi %mul3A_2598, %add3A_2599 : i32
      %add3A_2601 = arith.addi %mul3A_2, %add3A_2600 : i32
      %add3A_2602 = vector.broadcast %add3A_2601 : i32 to vector<16xi32>
      %add3A_2603 = arith.addi %add3A_2602, %iota3A : vector<16xi32>
      %jit3A_2604 = arith.constant 200 : i32
      %eq3A_2605 = arith.constant 0 : i32
      %eq3A_2606 = arith.cmpi eq, %jit3A_2604, %eq3A_2605 : i32
      %jit3A_2607 = arith.constant 1 : i32
      %select_n3A_2608 = arith.select %eq3A_2606, %jit3A_2607, %jit3A_2604 : i32
      %rem3A_2609 = vector.broadcast %select_n3A_2608 : i32 to vector<16xi32>
      %rem3A_2610 = arith.remsi %add3A_2603, %rem3A_2609 : vector<16xi32>
      %ne3A_2611 = arith.constant 0 : i32
      %ne3A_2612 = vector.broadcast %ne3A_2611 : i32 to vector<16xi32>
      %ne3A_2613 = arith.cmpi ne, %rem3A_2610, %ne3A_2612 : vector<16xi32>
      %lt3A_2614 = arith.constant 0 : i32
      %lt3A_2615 = vector.broadcast %lt3A_2614 : i32 to vector<16xi32>
      %lt3A_2616 = arith.cmpi slt, %rem3A_2610, %lt3A_2615 : vector<16xi32>
      %lt3A_2617 = arith.constant 0 : i32
      %lt3A_2618 = arith.cmpi slt, %select_n3A_2608, %lt3A_2617 : i32
      %ne3A_2619 = vector.broadcast %lt3A_2618 : i1 to vector<16xi1>
      %ne3A_2620 = vector.broadcast %ne3A_2619 : vector<16xi1> to vector<16xi1>
      %ne3A_2621 = arith.xori %lt3A_2616, %ne3A_2620 : vector<16xi1>
      %and3A_2622 = arith.andi %ne3A_2621, %ne3A_2613 : vector<16xi1>
      %add3A_2623 = vector.broadcast %select_n3A_2608 : i32 to vector<16xi32>
      %add3A_2624 = arith.addi %rem3A_2610, %add3A_2623 : vector<16xi32>
      %select_n3A_2625 = arith.select %and3A_2622, %add3A_2624, %rem3A_2610 : vector<16xi1>, vector<16xi32>
      %mul3A_2626 = arith.constant 4 : i32
      %mul3A_2627 = vector.broadcast %mul3A_2626 : i32 to vector<16xi32>
      %mul3A_2628 = arith.muli %select_n3A_2625, %mul3A_2627 : vector<16xi32>
      %get3A_2629 = arith.index_cast %add3A_2600 : i32 to index
      %get3A_2630 = tpu.vector_load %arg6[%get3A_2629] {strides = array<i32>} : memref<25600xi32, #tpu.memory_space<vmem>>, vector<16xi32>,
      %get3A_2631 = vector.shape_cast %get3A_2630 : vector<16xi32> to vector<16xi32>
      %add3A_2632 = arith.addi %mul3A_2628, %get3A_2631 : vector<16xi32>
      %swap3A_2633 = arith.index_cast %add3A_2600 : i32 to index
      %swap3A_2634 = tpu.vector_load %arg6[%swap3A_2633] {strides = array<i32>} : memref<25600xi32, #tpu.memory_space<vmem>>, vector<16xi32>,
      %swap3A_2635 = vector.shape_cast %swap3A_2634 : vector<16xi32> to vector<16xi32>
      %swap3A_2636 = vector.shape_cast %add3A_2632 : vector<16xi32> to vector<16xi32>
      tpu.vector_store %arg6[%swap3A_2633], %swap3A_2636 {strides = array<i32>} : memref<25600xi32, #tpu.memory_space<vmem>>, vector<16xi32>,
      %mul3A_2637 = arith.constant 128 : i32
      %mul3A_2638 = arith.muli %add3A_2356, %mul3A_2637 : i32
      %add3A_2639 = arith.constant 112 : i32
      %add3A_2640 = arith.addi %mul3A_2638, %add3A_2639 : i32
      %add3A_2641 = arith.addi %mul3A_2, %add3A_2640 : i32
      %add3A_2642 = vector.broadcast %add3A_2641 : i32 to vector<16xi32>
      %add3A_2643 = arith.addi %add3A_2642, %iota3A : vector<16xi32>
      %jit3A_2644 = arith.constant 200 : i32
      %eq3A_2645 = arith.constant 0 : i32
      %eq3A_2646 = arith.cmpi eq, %jit3A_2644, %eq3A_2645 : i32
      %jit3A_2647 = arith.constant 1 : i32
      %select_n3A_2648 = arith.select %eq3A_2646, %jit3A_2647, %jit3A_2644 : i32
      %rem3A_2649 = vector.broadcast %select_n3A_2648 : i32 to vector<16xi32>
      %rem3A_2650 = arith.remsi %add3A_2643, %rem3A_2649 : vector<16xi32>
      %ne3A_2651 = arith.constant 0 : i32
      %ne3A_2652 = vector.broadcast %ne3A_2651 : i32 to vector<16xi32>
      %ne3A_2653 = arith.cmpi ne, %rem3A_2650, %ne3A_2652 : vector<16xi32>
      %lt3A_2654 = arith.constant 0 : i32
      %lt3A_2655 = vector.broadcast %lt3A_2654 : i32 to vector<16xi32>
      %lt3A_2656 = arith.cmpi slt, %rem3A_2650, %lt3A_2655 : vector<16xi32>
      %lt3A_2657 = arith.constant 0 : i32
      %lt3A_2658 = arith.cmpi slt, %select_n3A_2648, %lt3A_2657 : i32
      %ne3A_2659 = vector.broadcast %lt3A_2658 : i1 to vector<16xi1>
      %ne3A_2660 = vector.broadcast %ne3A_2659 : vector<16xi1> to vector<16xi1>
      %ne3A_2661 = arith.xori %lt3A_2656, %ne3A_2660 : vector<16xi1>
      %and3A_2662 = arith.andi %ne3A_2661, %ne3A_2653 : vector<16xi1>
      %add3A_2663 = vector.broadcast %select_n3A_2648 : i32 to vector<16xi32>
      %add3A_2664 = arith.addi %rem3A_2650, %add3A_2663 : vector<16xi32>
      %select_n3A_2665 = arith.select %and3A_2662, %add3A_2664, %rem3A_2650 : vector<16xi1>, vector<16xi32>
      %mul3A_2666 = arith.constant 4 : i32
      %mul3A_2667 = vector.broadcast %mul3A_2666 : i32 to vector<16xi32>
      %mul3A_2668 = arith.muli %select_n3A_2665, %mul3A_2667 : vector<16xi32>
      %get3A_2669 = arith.index_cast %add3A_2640 : i32 to index
      %get3A_2670 = tpu.vector_load %arg6[%get3A_2669] {strides = array<i32>} : memref<25600xi32, #tpu.memory_space<vmem>>, vector<16xi32>,
      %get3A_2671 = vector.shape_cast %get3A_2670 : vector<16xi32> to vector<16xi32>
      %add3A_2672 = arith.addi %mul3A_2668, %get3A_2671 : vector<16xi32>
      %swap3A_2673 = arith.index_cast %add3A_2640 : i32 to index
      %swap3A_2674 = tpu.vector_load %arg6[%swap3A_2673] {strides = array<i32>} : memref<25600xi32, #tpu.memory_space<vmem>>, vector<16xi32>,
      %swap3A_2675 = vector.shape_cast %swap3A_2674 : vector<16xi32> to vector<16xi32>
      %swap3A_2676 = vector.shape_cast %add3A_2672 : vector<16xi32> to vector<16xi32>
      tpu.vector_store %arg6[%swap3A_2673], %swap3A_2676 {strides = array<i32>} : memref<25600xi32, #tpu.memory_space<vmem>>, vector<16xi32>,
      %mul3A_2677 = arith.constant 128 : i32
      %mul3A_2678 = arith.muli %add3A_2356, %mul3A_2677 : i32
      %dma_start3A_2679 = tpu.memref_slice %arg6[%mul3A_2678] : memref<25600xi32, #tpu.memory_space<vmem>> -> memref<128xi32, #tpu.memory_space<vmem>>
      %dma_start3A_2680 = arith.constant 0 : i32
      %dma_start3A_2681 = arith.constant 0 : i32
      %dma_start3A_2682 = tpu.memref_slice %arg5[%dma_start3A_2680, %dma_start3A_2681] : memref<800x128xf32, #tpu.memory_space<vmem_shared>> -> memref<800x128xf32, #tpu.memory_space<vmem_shared>>
      tpu.enqueue_indirect_dma source(%dma_start3A_2682 : memref<800x128xf32, #tpu.memory_space<vmem_shared>>) target(%arg10 : memref<128x128xf32, #tpu.memory_space<vmem>>) offsets(%dma_start3A_2679 : memref<128xi32, #tpu.memory_space<vmem>>) semaphore(%arg14 : memref<!tpu.dma_semaphore, #tpu.memory_space<semaphore_mem>>)
    }
    %scan3A_1204 = arith.constant 49 : i32
    %dma_wait3A = arith.constant 0 : i32
    %dma_wait3A_1205 = arith.constant 0 : i32
    %dma_wait3A_1206 = tpu.memref_slice %arg3[%dma_wait3A, %dma_wait3A_1205] : memref<800x128xf32, #tpu.memory_space<hbm>> -> memref<128x128xf32, #tpu.memory_space<hbm>>
    %dma_wait3A_1207 = arith.constant 0 : i32
    %dma_wait3A_1208 = arith.constant 0 : i32
    %dma_wait3A_1209 = tpu.memref_slice %arg3[%dma_wait3A_1207, %dma_wait3A_1208] : memref<800x128xf32, #tpu.memory_space<hbm>> -> memref<128x128xf32, #tpu.memory_space<hbm>>
    tpu.wait_dma2 semaphore(%arg11 : memref<!tpu.dma_semaphore, #tpu.memory_space<semaphore_mem>>) src(%dma_wait3A_1209 : memref<128x128xf32, #tpu.memory_space<hbm>>) dst(%arg7 : memref<128x128xf32, #tpu.memory_space<vmem>>)
    %add3A_1210 = arith.constant 25088 : i32
    %add3A_1211 = arith.addi %mul3A_2, %add3A_1210 : i32
    %dma_start3A_1212 = arith.constant 0 : i32
    %dma_start3A_1213 = tpu.memref_slice %arg4[%add3A_1211, %dma_start3A_1212] : memref<819200x128xf32, #tpu.memory_space<hbm>> -> memref<128x128xf32, #tpu.memory_space<hbm>>
    %dma_start3A_1214 = arith.constant 0 : i32
    %dma_start3A_1215 = tpu.memref_slice %arg4[%add3A_1211, %dma_start3A_1214] : memref<819200x128xf32, #tpu.memory_space<hbm>> -> memref<128x128xf32, #tpu.memory_space<hbm>>
    tpu.enqueue_dma source(%arg7 : memref<128x128xf32, #tpu.memory_space<vmem>>) target(%dma_start3A_1215 : memref<128x128xf32, #tpu.memory_space<hbm>>) target_semaphore(%arg15 : memref<!tpu.dma_semaphore, #tpu.memory_space<semaphore_mem>>)
    %dma_wait3A_1216 = arith.constant 0 : i32
    %dma_wait3A_1217 = arith.constant 0 : i32
    %dma_wait3A_1218 = tpu.memref_slice %arg3[%dma_wait3A_1216, %dma_wait3A_1217] : memref<800x128xf32, #tpu.memory_space<hbm>> -> memref<128x128xf32, #tpu.memory_space<hbm>>
    %dma_wait3A_1219 = arith.constant 0 : i32
    %dma_wait3A_1220 = arith.constant 0 : i32
    %dma_wait3A_1221 = tpu.memref_slice %arg3[%dma_wait3A_1219, %dma_wait3A_1220] : memref<800x128xf32, #tpu.memory_space<hbm>> -> memref<128x128xf32, #tpu.memory_space<hbm>>
    tpu.wait_dma2 semaphore(%arg12 : memref<!tpu.dma_semaphore, #tpu.memory_space<semaphore_mem>>) src(%dma_wait3A_1221 : memref<128x128xf32, #tpu.memory_space<hbm>>) dst(%arg8 : memref<128x128xf32, #tpu.memory_space<vmem>>)
    %add3A_1222 = arith.constant 25216 : i32
    %add3A_1223 = arith.addi %mul3A_2, %add3A_1222 : i32
    %dma_start3A_1224 = arith.constant 0 : i32
    %dma_start3A_1225 = tpu.memref_slice %arg4[%add3A_1223, %dma_start3A_1224] : memref<819200x128xf32, #tpu.memory_space<hbm>> -> memref<128x128xf32, #tpu.memory_space<hbm>>
    %dma_start3A_1226 = arith.constant 0 : i32
    %dma_start3A_1227 = tpu.memref_slice %arg4[%add3A_1223, %dma_start3A_1226] : memref<819200x128xf32, #tpu.memory_space<hbm>> -> memref<128x128xf32, #tpu.memory_space<hbm>>
    tpu.enqueue_dma source(%arg8 : memref<128x128xf32, #tpu.memory_space<vmem>>) target(%dma_start3A_1227 : memref<128x128xf32, #tpu.memory_space<hbm>>) target_semaphore(%arg16 : memref<!tpu.dma_semaphore, #tpu.memory_space<semaphore_mem>>)
    %dma_wait3A_1228 = arith.constant 0 : i32
    %dma_wait3A_1229 = arith.constant 0 : i32
    %dma_wait3A_1230 = tpu.memref_slice %arg3[%dma_wait3A_1228, %dma_wait3A_1229] : memref<800x128xf32, #tpu.memory_space<hbm>> -> memref<128x128xf32, #tpu.memory_space<hbm>>
    %dma_wait3A_1231 = arith.constant 0 : i32
    %dma_wait3A_1232 = arith.constant 0 : i32
    %dma_wait3A_1233 = tpu.memref_slice %arg3[%dma_wait3A_1231, %dma_wait3A_1232] : memref<800x128xf32, #tpu.memory_space<hbm>> -> memref<128x128xf32, #tpu.memory_space<hbm>>
    tpu.wait_dma2 semaphore(%arg13 : memref<!tpu.dma_semaphore, #tpu.memory_space<semaphore_mem>>) src(%dma_wait3A_1233 : memref<128x128xf32, #tpu.memory_space<hbm>>) dst(%arg9 : memref<128x128xf32, #tpu.memory_space<vmem>>)
    %add3A_1234 = arith.constant 25344 : i32
    %add3A_1235 = arith.addi %mul3A_2, %add3A_1234 : i32
    %dma_start3A_1236 = arith.constant 0 : i32
    %dma_start3A_1237 = tpu.memref_slice %arg4[%add3A_1235, %dma_start3A_1236] : memref<819200x128xf32, #tpu.memory_space<hbm>> -> memref<128x128xf32, #tpu.memory_space<hbm>>
    %dma_start3A_1238 = arith.constant 0 : i32
    %dma_start3A_1239 = tpu.memref_slice %arg4[%add3A_1235, %dma_start3A_1238] : memref<819200x128xf32, #tpu.memory_space<hbm>> -> memref<128x128xf32, #tpu.memory_space<hbm>>
    tpu.enqueue_dma source(%arg9 : memref<128x128xf32, #tpu.memory_space<vmem>>) target(%dma_start3A_1239 : memref<128x128xf32, #tpu.memory_space<hbm>>) target_semaphore(%arg17 : memref<!tpu.dma_semaphore, #tpu.memory_space<semaphore_mem>>)
    %dma_wait3A_1240 = arith.constant 0 : i32
    %dma_wait3A_1241 = arith.constant 0 : i32
    %dma_wait3A_1242 = tpu.memref_slice %arg3[%dma_wait3A_1240, %dma_wait3A_1241] : memref<800x128xf32, #tpu.memory_space<hbm>> -> memref<128x128xf32, #tpu.memory_space<hbm>>
    %dma_wait3A_1243 = arith.constant 0 : i32
    %dma_wait3A_1244 = arith.constant 0 : i32
    %dma_wait3A_1245 = tpu.memref_slice %arg3[%dma_wait3A_1243, %dma_wait3A_1244] : memref<800x128xf32, #tpu.memory_space<hbm>> -> memref<128x128xf32, #tpu.memory_space<hbm>>
    tpu.wait_dma2 semaphore(%arg14 : memref<!tpu.dma_semaphore, #tpu.memory_space<semaphore_mem>>) src(%dma_wait3A_1245 : memref<128x128xf32, #tpu.memory_space<hbm>>) dst(%arg10 : memref<128x128xf32, #tpu.memory_space<vmem>>)
    %add3A_1246 = arith.constant 25472 : i32
    %add3A_1247 = arith.addi %mul3A_2, %add3A_1246 : i32
    %dma_start3A_1248 = arith.constant 0 : i32
    %dma_start3A_1249 = tpu.memref_slice %arg4[%add3A_1247, %dma_start3A_1248] : memref<819200x128xf32, #tpu.memory_space<hbm>> -> memref<128x128xf32, #tpu.memory_space<hbm>>
    %dma_start3A_1250 = arith.constant 0 : i32
    %dma_start3A_1251 = tpu.memref_slice %arg4[%add3A_1247, %dma_start3A_1250] : memref<819200x128xf32, #tpu.memory_space<hbm>> -> memref<128x128xf32, #tpu.memory_space<hbm>>
    tpu.enqueue_dma source(%arg10 : memref<128x128xf32, #tpu.memory_space<vmem>>) target(%dma_start3A_1251 : memref<128x128xf32, #tpu.memory_space<hbm>>) target_semaphore(%arg18 : memref<!tpu.dma_semaphore, #tpu.memory_space<semaphore_mem>>)
    %dma_wait3A_1252 = arith.constant 0 : i32
    %dma_wait3A_1253 = arith.constant 0 : i32
    %dma_wait3A_1254 = tpu.memref_slice %arg4[%dma_wait3A_1252, %dma_wait3A_1253] : memref<819200x128xf32, #tpu.memory_space<hbm>> -> memref<128x128xf32, #tpu.memory_space<hbm>>
    %dma_wait3A_1255 = arith.constant 0 : i32
    %dma_wait3A_1256 = arith.constant 0 : i32
    %dma_wait3A_1257 = tpu.memref_slice %arg4[%dma_wait3A_1255, %dma_wait3A_1256] : memref<819200x128xf32, #tpu.memory_space<hbm>> -> memref<128x128xf32, #tpu.memory_space<hbm>>
    tpu.wait_dma2 semaphore(%arg15 : memref<!tpu.dma_semaphore, #tpu.memory_space<semaphore_mem>>) src(%arg7 : memref<128x128xf32, #tpu.memory_space<vmem>>) dst(%dma_wait3A_1257 : memref<128x128xf32, #tpu.memory_space<hbm>>)
    %dma_wait3A_1258 = arith.constant 0 : i32
    %dma_wait3A_1259 = arith.constant 0 : i32
    %dma_wait3A_1260 = tpu.memref_slice %arg4[%dma_wait3A_1258, %dma_wait3A_1259] : memref<819200x128xf32, #tpu.memory_space<hbm>> -> memref<128x128xf32, #tpu.memory_space<hbm>>
    %dma_wait3A_1261 = arith.constant 0 : i32
    %dma_wait3A_1262 = arith.constant 0 : i32
    %dma_wait3A_1263 = tpu.memref_slice %arg4[%dma_wait3A_1261, %dma_wait3A_1262] : memref<819200x128xf32, #tpu.memory_space<hbm>> -> memref<128x128xf32, #tpu.memory_space<hbm>>
    tpu.wait_dma2 semaphore(%arg16 : memref<!tpu.dma_semaphore, #tpu.memory_space<semaphore_mem>>) src(%arg8 : memref<128x128xf32, #tpu.memory_space<vmem>>) dst(%dma_wait3A_1263 : memref<128x128xf32, #tpu.memory_space<hbm>>)
    %dma_wait3A_1264 = arith.constant 0 : i32
    %dma_wait3A_1265 = arith.constant 0 : i32
    %dma_wait3A_1266 = tpu.memref_slice %arg4[%dma_wait3A_1264, %dma_wait3A_1265] : memref<819200x128xf32, #tpu.memory_space<hbm>> -> memref<128x128xf32, #tpu.memory_space<hbm>>
    %dma_wait3A_1267 = arith.constant 0 : i32
    %dma_wait3A_1268 = arith.constant 0 : i32
    %dma_wait3A_1269 = tpu.memref_slice %arg4[%dma_wait3A_1267, %dma_wait3A_1268] : memref<819200x128xf32, #tpu.memory_space<hbm>> -> memref<128x128xf32, #tpu.memory_space<hbm>>
    tpu.wait_dma2 semaphore(%arg17 : memref<!tpu.dma_semaphore, #tpu.memory_space<semaphore_mem>>) src(%arg9 : memref<128x128xf32, #tpu.memory_space<vmem>>) dst(%dma_wait3A_1269 : memref<128x128xf32, #tpu.memory_space<hbm>>)
    %dma_wait3A_1270 = arith.constant 0 : i32
    %dma_wait3A_1271 = arith.constant 0 : i32
    %dma_wait3A_1272 = tpu.memref_slice %arg4[%dma_wait3A_1270, %dma_wait3A_1271] : memref<819200x128xf32, #tpu.memory_space<hbm>> -> memref<128x128xf32, #tpu.memory_space<hbm>>
    %dma_wait3A_1273 = arith.constant 0 : i32
    %dma_wait3A_1274 = arith.constant 0 : i32
    %dma_wait3A_1275 = tpu.memref_slice %arg4[%dma_wait3A_1273, %dma_wait3A_1274] : memref<819200x128xf32, #tpu.memory_space<hbm>> -> memref<128x128xf32, #tpu.memory_space<hbm>>
    tpu.wait_dma2 semaphore(%arg18 : memref<!tpu.dma_semaphore, #tpu.memory_space<semaphore_mem>>) src(%arg10 : memref<128x128xf32, #tpu.memory_space<vmem>>) dst(%dma_wait3A_1275 : memref<128x128xf32, #tpu.memory_space<hbm>>)
    return
  }
}

module attributes {stable_mosaic.version = 14 : i64} {
  func.func @_comb_body(%arg0: memref<4x128xf32, #tpu.memory_space<vmem>>, %arg1: memref<200x128xf32, #tpu.memory_space<vmem>>, %arg2: memref<200x4x128xf32, #tpu.memory_space<vmem>>) attributes {dimension_semantics = [], scalar_prefetch = 0 : i64, scratch_operands = 0 : i64, tpu.core_type = #tpu.core_type<tc>} {
    %get3A = arith.constant 0 : index
    %get3A_0 = arith.constant 0 : index
    %get3A_1 = vector.load %arg1[%get3A, %get3A_0] : memref<200x128xf32, #tpu.memory_space<vmem>>, vector<200x128xf32>
    %get3A_2 = arith.constant 0 : index
    %get3A_3 = arith.constant 0 : index
    %get3A_4 = vector.load %arg0[%get3A_2, %get3A_3] : memref<4x128xf32, #tpu.memory_space<vmem>>, vector<1x128xf32>
    %get3A_5 = vector.shape_cast %get3A_4 : vector<1x128xf32> to vector<128xf32>
    %broadcast_in_dim3A = vector.shape_cast %get3A_5 : vector<128xf32> to vector<1x128xf32>
    %add3A = vector.broadcast %broadcast_in_dim3A : vector<1x128xf32> to vector<200x128xf32>
    %add3A_6 = arith.addf %get3A_1, %add3A : vector<200x128xf32>
    %swap3A = arith.constant 0 : index
    %swap3A_7 = arith.constant 0 : index
    %swap3A_8 = arith.constant 0 : index
    %swap3A_9 = vector.load %arg2[%swap3A, %swap3A_7, %swap3A_8] : memref<200x4x128xf32, #tpu.memory_space<vmem>>, vector<200x1x128xf32>
    %swap3A_10 = vector.shape_cast %swap3A_9 : vector<200x1x128xf32> to vector<200x128xf32>
    %swap3A_11 = vector.shape_cast %add3A_6 : vector<200x128xf32> to vector<200x1x128xf32>
    tpu.vector_store %arg2[%swap3A, %swap3A_7, %swap3A_8], %swap3A_11 {strides = array<i32>} : memref<200x4x128xf32, #tpu.memory_space<vmem>>, vector<200x1x128xf32>,
    %get3A_12 = arith.constant 1 : index
    %get3A_13 = arith.constant 0 : index
    %get3A_14 = vector.load %arg0[%get3A_12, %get3A_13] : memref<4x128xf32, #tpu.memory_space<vmem>>, vector<1x128xf32>
    %get3A_15 = vector.shape_cast %get3A_14 : vector<1x128xf32> to vector<128xf32>
    %broadcast_in_dim3A_16 = vector.shape_cast %get3A_15 : vector<128xf32> to vector<1x128xf32>
    %add3A_17 = vector.broadcast %broadcast_in_dim3A_16 : vector<1x128xf32> to vector<200x128xf32>
    %add3A_18 = arith.addf %get3A_1, %add3A_17 : vector<200x128xf32>
    %swap3A_19 = arith.constant 0 : index
    %swap3A_20 = arith.constant 1 : index
    %swap3A_21 = arith.constant 0 : index
    %swap3A_22 = vector.load %arg2[%swap3A_19, %swap3A_20, %swap3A_21] : memref<200x4x128xf32, #tpu.memory_space<vmem>>, vector<200x1x128xf32>
    %swap3A_23 = vector.shape_cast %swap3A_22 : vector<200x1x128xf32> to vector<200x128xf32>
    %swap3A_24 = vector.shape_cast %add3A_18 : vector<200x128xf32> to vector<200x1x128xf32>
    tpu.vector_store %arg2[%swap3A_19, %swap3A_20, %swap3A_21], %swap3A_24 {strides = array<i32>} : memref<200x4x128xf32, #tpu.memory_space<vmem>>, vector<200x1x128xf32>,
    %get3A_25 = arith.constant 2 : index
    %get3A_26 = arith.constant 0 : index
    %get3A_27 = vector.load %arg0[%get3A_25, %get3A_26] : memref<4x128xf32, #tpu.memory_space<vmem>>, vector<1x128xf32>
    %get3A_28 = vector.shape_cast %get3A_27 : vector<1x128xf32> to vector<128xf32>
    %broadcast_in_dim3A_29 = vector.shape_cast %get3A_28 : vector<128xf32> to vector<1x128xf32>
    %add3A_30 = vector.broadcast %broadcast_in_dim3A_29 : vector<1x128xf32> to vector<200x128xf32>
    %add3A_31 = arith.addf %get3A_1, %add3A_30 : vector<200x128xf32>
    %swap3A_32 = arith.constant 0 : index
    %swap3A_33 = arith.constant 2 : index
    %swap3A_34 = arith.constant 0 : index
    %swap3A_35 = vector.load %arg2[%swap3A_32, %swap3A_33, %swap3A_34] : memref<200x4x128xf32, #tpu.memory_space<vmem>>, vector<200x1x128xf32>
    %swap3A_36 = vector.shape_cast %swap3A_35 : vector<200x1x128xf32> to vector<200x128xf32>
    %swap3A_37 = vector.shape_cast %add3A_31 : vector<200x128xf32> to vector<200x1x128xf32>
    tpu.vector_store %arg2[%swap3A_32, %swap3A_33, %swap3A_34], %swap3A_37 {strides = array<i32>} : memref<200x4x128xf32, #tpu.memory_space<vmem>>, vector<200x1x128xf32>,
    %get3A_38 = arith.constant 3 : index
    %get3A_39 = arith.constant 0 : index
    %get3A_40 = vector.load %arg0[%get3A_38, %get3A_39] : memref<4x128xf32, #tpu.memory_space<vmem>>, vector<1x128xf32>
    %get3A_41 = vector.shape_cast %get3A_40 : vector<1x128xf32> to vector<128xf32>
    %broadcast_in_dim3A_42 = vector.shape_cast %get3A_41 : vector<128xf32> to vector<1x128xf32>
    %add3A_43 = vector.broadcast %broadcast_in_dim3A_42 : vector<1x128xf32> to vector<200x128xf32>
    %add3A_44 = arith.addf %get3A_1, %add3A_43 : vector<200x128xf32>
    %swap3A_45 = arith.constant 0 : index
    %swap3A_46 = arith.constant 3 : index
    %swap3A_47 = arith.constant 0 : index
    %swap3A_48 = vector.load %arg2[%swap3A_45, %swap3A_46, %swap3A_47] : memref<200x4x128xf32, #tpu.memory_space<vmem>>, vector<200x1x128xf32>
    %swap3A_49 = vector.shape_cast %swap3A_48 : vector<200x1x128xf32> to vector<200x128xf32>
    %swap3A_50 = vector.shape_cast %add3A_44 : vector<200x128xf32> to vector<200x1x128xf32>
    tpu.vector_store %arg2[%swap3A_45, %swap3A_46, %swap3A_47], %swap3A_50 {strides = array<i32>} : memref<200x4x128xf32, #tpu.memory_space<vmem>>, vector<200x1x128xf32>,
    return
  }
}

</mosaic_0001>

<sc_bundles>
// kernel: kernel.4.cloned.1.call-start
scs
__scs_entry_jumppad:
0x0: {  	(pc) =	sbr.rel $0x88, $3  }
0x1: {  	(tag) =	ssettag $0x0;
	lr =	simm.s32 $0x1  }
0x2: {  	[smem:$0x3F9E] =	sst lr;
	_ =	strace $0xD0000000  }
0x3: {  	_ = 	snop  }
0x4: {  	_ = 	snop  }
0x5: {  	_ = 	snop  }
0x6: {  	_ = 	snop  }
0x7: {  	_ = 	snop  }
__scs_overlays_trampoline_lowered:
0x8: {  	[smem:$0x3FAD] =	sst s0  }
0x9: {  	[smem:$0x3FAE] =	sst s1  }
0xa: {  	[smem:$0x3FAF] =	sst s2  }
0xb: {  	[smem:$0x3FB0] =	sst s3  }
0xc: {  	[smem:$0x3FB1] =	sst s4  }
0xd: {  	[smem:$0x3FB2] =	sst s5  }
0xe: {  	[smem:$0x3FB3] =	sst s6  }
0xf: {  	[smem:$0x3FB4] =	sst s7  }
0x10: {  	[smem:$0x3FB5] =	sst s8  }
0x11: {  	[smem:$0x3FB6] =	sst s9;
	s0 =	simm.s32 @!p0 $0x0  }
0x12: {  	s1 =	sld [smem:$0x3F9C];
	s0 =	simm.s32 @p0 $0x1  }
0x13: {  	[smem:$0x3FB7] =	sst s0;
	s0 =	simm.s32 @!p1 $0x0  }
0x14: {  	s2 =	sld [smem:$0x3F9B];
	s0 =	simm.s32 @p1 $0x1  }
0x15: {  	[smem:$0x3FB8] =	sst s0;
	s0 =	simm.s32 @!p2 $0x0  }
0x16: {  	s3 =	sld [smem:$0x3FDB];
	s0 =	simm.s32 @p2 $0x1  }
0x17: {  	s4 =	simm.s32 $0x1BF5;
	[smem:$0x3FBA] =	sst s0  }
0x18: {  	s0 =	sld [smem:$0x3F9D];
	_ =	swait.ge [sflag:s4], $0x0  }
0x19: {  	s7 =	sld [smem:$0x3F9E]  }
0x1a: {  	s8 =	sadd.s32 $0xFFFFE003, lr  }
0x1b: {  	s9 =	sadd.s32 $0xFFFFFEF7, lr;
	s5 =	simm.s32 $0xFFFFFFFF;
	p2 =	slt.u32 s8, $0xFFFFF086  }
0x1c: {  	p1 =	slt.u32 s9, $0xF7A;
	s5 =	simm.s32 @!p2 $0x0  }
0x1d: {  	s5 =	simm.s32 @p1 $0x1;
	p0 =	seq.s32 s7, s2  }
0x1e: {  	s7 =	smul.u32 @!p0 $0xF7A, s2;
	p2 =	seq.s32 @!p0 s5, $0x0  }
0x1f: {  	s9 =	smul.u32 $0xF7A, s1;
	s8 =	simm.s32 @!p0 $0x1BF5;
	p2 =	por !p2, p0  }
0x20: {  	[sflag:s8] =	ssyncset.s32 @!p0 $0xFFFFF086;
	s6 =	sadd.s32 @!p0 s3, s7;
	s7 =	simm.s32 @!p0 $0x108  }
0x21: {  	s3 =	sadd.s32 s3, s9;
	s6 =	sadd.s32 @!p0 $0x88, s6;
	s7 =	simm.s32 @p2 $0x1082  }
0x22: {  	[simem:s7], [sflag:s8] =	dma.local @!p0 [hbm:s6], $0xF7A  }
0x23: {  	s9 =	sor.u32 $0xD0000000, s2;
	s6 =	simm.s32 $0x108;
	_ =	swait.ge @!p0 [sflag:s8], $0x0  }
0x24: {  	s3 =	sadd.s32 $0x88, s3;
	s6 =	simm.s32 @!p1 $0x1082;
	[sflag:s4] =	ssyncset.s32 $0xFFFFF086  }
0x25: {  	[simem:s6], [sflag:s4] =	dma.local [hbm:s3], $0xF7A  }
0x26: {  	[smem:$0x3F9E] =	sst s1;
	(tag) =	ssettag s2;
	_ =	strace s9  }
0x27: {  	s1 =	sld [smem:$0x3FAE]  }
0x28: {  	s2 =	sld [smem:$0x3FAF]  }
0x29: {  	s4 =	sld [smem:$0x3FB1]  }
0x2a: {  	p0 =	seq.s32 s5, $0x0;
	s5 =	sld [smem:$0x3FB2]  }
0x2b: {  	s6 =	sld [smem:$0x3FB3]  }
0x2c: {  	s7 =	sld [smem:$0x3FB4]  }
0x2d: {  	s3 =	simm.s32 $0x108;
	s8 =	sld [smem:$0x3FB5]  }
0x2e: {  	s3 =	simm.s32 @!p0 $0x1082;
	s9 =	sld [smem:$0x3FB6]  }
0x2f: {  	lr =	sadd.s32 s0, s3;
	s0 =	sld [smem:$0x3FAD]  }
0x30: {  	s3 =	sld [smem:$0x3FB0]  }
0x31: {  	[smem:$0x3FB9] =	sst s10  }
0x32: {  	s10 =	sld [smem:$0x3FB7];
	_ =	sdelay $0x3  }
0x33: {  	p0 =	seq.s32 s10, $0x1;
	s10 =	sld [smem:$0x3FB9];
	_ =	sdelay $0x3  }
0x34: {  	[smem:$0x3FB9] =	sst s10  }
0x35: {  	s10 =	sld [smem:$0x3FB8];
	_ =	sdelay $0x3  }
0x36: {  	p1 =	seq.s32 s10, $0x1;
	s10 =	sld [smem:$0x3FB9];
	_ =	sdelay $0x3  }
0x37: {  	[smem:$0x3FB9] =	sst s10  }
0x38: {  	s10 =	sld [smem:$0x3FBA]  }
0x39: {  	_ = 	snop;
	(pc) =	sbr.ind lr, $3  }
0x3a: {  	_ = 	snop  }
0x3b: {  	_ = 	snop  }
0x3c: {  	p2 =	seq.s32 s10, $0x1;
	s10 =	sld [smem:$0x3FB9]  }
0x3d: {  	_ =	shalt  }
0x3e: {  	_ =	shalt  }
0x3f: {  	_ =	shalt  }
0x40: {  	_ =	shalt  }
0x41: {  	_ =	shalt  }
0x42: {  	_ =	shalt  }
0x43: {  	_ =	shalt  }
0x44: {  	_ =	shalt  }
0x45: {  	_ =	shalt  }
0x46: {  	_ =	shalt  }
0x47: {  	_ =	shalt  }
0x48: {  	_ =	shalt  }
0x49: {  	_ =	shalt  }
0x4a: {  	_ =	shalt  }
0x4b: {  	_ =	shalt  }
0x4c: {  	_ =	shalt  }
0x4d: {  	_ =	shalt  }
0x4e: {  	_ =	shalt  }
0x4f: {  	_ =	shalt  }
0x50: {  	_ =	shalt  }
0x51: {  	_ =	shalt  }
0x52: {  	_ =	shalt  }
0x53: {  	_ =	shalt  }
0x54: {  	_ =	shalt  }
0x55: {  	_ =	shalt  }
0x56: {  	_ =	shalt  }
0x57: {  	_ =	shalt  }
0x58: {  	_ =	shalt  }
0x59: {  	_ =	shalt  }
0x5a: {  	_ =	shalt  }
0x5b: {  	_ =	shalt  }
0x5c: {  	_ =	shalt  }
0x5d: {  	_ =	shalt  }
0x5e: {  	_ =	shalt  }
0x5f: {  	_ =	shalt  }
0x60: {  	_ =	shalt  }
0x61: {  	_ =	shalt  }
0x62: {  	_ =	shalt  }
0x63: {  	_ =	shalt  }
0x64: {  	_ =	shalt  }
0x65: {  	_ =	shalt  }
0x66: {  	_ =	shalt  }
0x67: {  	_ =	shalt  }
0x68: {  	_ =	shalt  }
0x69: {  	_ =	shalt  }
0x6a: {  	_ =	shalt  }
0x6b: {  	_ =	shalt  }
0x6c: {  	_ =	shalt  }
0x6d: {  	_ =	shalt  }
0x6e: {  	_ =	shalt  }
0x6f: {  	_ =	shalt  }
0x70: {  	_ =	shalt  }
0x71: {  	_ =	shalt  }
0x72: {  	_ =	shalt  }
0x73: {  	_ =	shalt  }
0x74: {  	_ =	shalt  }
0x75: {  	_ =	shalt  }
0x76: {  	_ =	shalt  }
0x77: {  	_ =	shalt  }
0x78: {  	_ =	shalt  }
0x79: {  	_ =	shalt  }
0x7a: {  	_ =	shalt  }
0x7b: {  	_ =	shalt  }
0x7c: {  	_ =	shalt  }
0x7d: {  	_ =	shalt  }
0x7e: {  	_ =	shalt  }
0x7f: {  	_ =	shalt  }
0x80: {  	_ =	shalt  }
0x81: {  	_ =	shalt  }
0x82: {  	_ =	shalt  }
0x83: {  	_ =	shalt  }
0x84: {  	_ =	shalt  }
0x85: {  	_ =	shalt  }
0x86: {  	_ =	shalt  }
0x87: {  	_ =	shalt  }
.Lfunc_end0:
.L_simem_size_0:
called_computation_lowered:
.L_overlay_start_0:
0x88: {  	s2 =	sld [smem:$0x3FD9]  }
0x89: {  	s3 =	sld [smem:$0x3FFE];
	_ =	sdelay $0x1  }
0x8a: {  	s1 =	srdreg.scid  }
0x8b: {  	s0 =	sand.u32 $0x1, s1  }
0x8c: {  	s17 =	sshll.u32 s0, $0xA;
	s2 =	sadd.s32 s3, s2  }
0x8d: {  	s2 =	sadd.s32 s2, s17  }
0x8e: {  	[smem:$0x3FC5] =	sst s2  }
0x8f: {  	_ = 	snop  }
0x90: {  	s2 =	sld [smem:$0x3FD0];
	(tm) =	ssettm $0x1  }
0x91: {  	s18 =	sld [smem:$0x3FFB];
	_ =	sdelay $0x3  }
0x92: {  	_ =	strace s18  }
0x93: {  	s3 =	sld [smem:$0x3FFC];
	_ =	sdelay $0x3  }
0x94: {  	_ =	strace s3  }
0x95: {  	s3 =	sld [smem:$0x3FFD];
	_ =	sdelay $0x3  }
0x96: {  	_ =	strace s3  }
0x97: {  	_ =	strace $0x8FFFFFFF  }
0x98: {  	s19 =	sld [smem:$0x3FDB];
	_ =	sdelay $0x1  }
0x99: {  	s4 =	simm.s32 $_scs_section_size  }
0x9a: {  	s5 =	simm.s32 $_size__tile_overlayer_lowered;
	s6 =	simm.s32 $_tile_overlayer_lowered  }
0x9b: {  	s22 =	simm.s32 $0x1BFF;
	s21 =	sshll.u32 s6, $0x1;
	s3 =	sadd.s32 s4, s19  }
0x9c: {  	s7 =	simm.s32 $0x0;
	s20 =	sshll.u32 s5, $0x1;
	s5 =	sadd.s32 s21, s3  }
0x9d: {  	[timem:s7], [sflag:s22] =	dma.local [hbm:s5], s20  }
0x9e: {  	_ =	swait.ge [sflag:s22], s20  }
0x9f: {  	s4 =	ssub.s32 $0x0, s20;
	[sflag:s22] =	ssyncset.done $0x0  }
0xa0: {  	[sflag:s22] =	ssyncadd.s32 s4;
	_ =	sdelay $0x1  }
0xa1: {  	s23 =	simm.s32 $0x1B8B  }
0xa2: {  	_ =	swait.ge [sflag:s23], $0x1  }
0xa3: {  	[sflag:s23] =	ssyncset.done $0x0  }
0xa4: {  	s25 =	simm.s32 $0x1B8E;
	s24 =	sld [smem:$0x3FFE];
	[sflag:s23] =	ssyncadd.s32 $0xFFFFFFFF  }
0xa5: {  	s26 =	simm.s32 $execute0_lowered;
	[smem:$0x3FD2] =	sst s25  }
0xa6: {  	s5 =	sshll.u32 s26, $0x1;
	_ =	strace $0x80000046;
	[dreg:$0x1] =	wrdreg $0xFFFFFFFF  }
0xa7: {  	s28 =	simm.s32 $_size_execute0_lowered;
	s3 =	sadd.s32 s3, s5;
	[dreg:$0x0] =	wrdreg $0x0  }
0xa8: {  	s5 =	sshll.u32 s28, $0x1;
	[dreg:$0x2] =	wrdreg s3  }
0xa9: {  	[dreg:$0x3] =	wrdreg s5  }
0xaa: {  	[dreg:$0x4] =	wrdreg $0xC0  }
0xab: {  	_ =	task [dreg:s7], $0x5FFFF  }
0xac: {  	[dreg:$0x1] =	wrdreg $0xFFFFFFFF  }
0xad: {  	[dreg:$0x0] =	wrdreg $0x60  }
0xae: {  	[dreg:$0x2] =	wrdreg s24  }
0xaf: {  	[dreg:$0x3] =	wrdreg s2  }
0xb0: {  	[dreg:$0x4] =	wrdreg $0x0  }
0xb1: {  	[dreg:$0x5] =	wrdreg $0x9  }
0xb2: {  	_ =	task.clear_ibuf [dreg:s7], $0x6FFFF;
	_ =	strace $0x90000046  }
0xb3: {  	s29 =	simm.s32 $0x9;
	_ =	strace $0x80000048  }
0xb4: {  	_ =	swait.ge [sflag:s29], $0x1  }
0xb5: {  	[sflag:s29] =	ssyncadd.s32 $0xFFFFFFFF  }
0xb6: {  	_ =	strace $0x90000048  }
0xb7: {  	_ =	sfence  }
0xb8: {  	s30 =	sld [smem:$0x0];
	_ =	sdelay $0x2  }
0xb9: {  	s31 =	sshll.u32 s1, $0xD;
	s1 =	sshrl.u32 s1, $0x2  }
0xba: {  	s3 =	sand.u32 $0x4000, s31;
	s1 =	sadd.s32 s1, s30  }
0xbb: {  	s0 =	sor.u32 s3, s0;
	s1 =	sshll.u32 s1, $0x11  }
0xbc: {  	s0 =	sor.u32 s1, s0  }
0xbd: {  	s0 =	sadd.s32 $0x8F2B, s0  }
0xbe: {  	[sflag:s0] =	ssyncadd.remote.s32 $0x1  }
0xbf: {  	_ =	sfence.sel $0xFFFF  }
0xc0: {  	[dreg:$0x0] =	wrdreg $0xFFFFFFFF;
	(pc) =	sbr.abs _section_cstart, $3  }
0xc1: {  	[dreg:$0x1] =	wrdreg $0xFFFFFFFF  }
0xc2: {  	_ =	task.clear_ibuf [dreg:s7], $0x2FFFF;
	_ =	strace $0x9FFFFFFF  }
0xc3: {  	(tm) =	ssettm $0x7FFFFFFF  }
tec
execute0_lowered:
.L_overlay_start_1:
0x0: {  	(tag) =	ssettag $0x1  }
0x1: {  	s1 =	srdreg.scid;
	s0 =	stileid.u32  }
0x2: {  	s3 =	sand.u32 $0x1, s1;
	s14 =	sshll.u32 s0, $0x1  }
0x3: {  	s5 =	sor.u32 s3, s14  }
0x4: {  	s4 =	smul.u32 $0x6400, s5  }
0x5: {  	v0 =	vlaneseq.u32  }
0x6: {  	v1 =	vor.u32 s4, v0;
	s15 =	sor.u32 $0x10, s4  }
0x7: {  	s16 =	sor.u32 $0x20, s4;
	s17 =	sor.u32 $0x30, s4;
	v2 =	vmulhi.u32 $0x51EB851F, v1;
	v3 =	vor.u32 s15, v0  }
0x8: {  	s19 =	sor.u32 $0x50, s4;
	s20 =	sor.u32 $0x60, s4;
	v5 =	vor.u32 s16, v0;
	v7 =	vor.u32 s17, v0;
	v4 =	vmulhi.u32 $0x51EB851F, v3  }
0x9: {  	s21 =	sor.u32 $0x70, s4;
	v8 =	vor.u32 s19, v0;
	v9 =	vor.u32 s20, v0;
	v6 =	vmulhi.u32 $0x51EB851F, v5  }
0xa: {  	s24 =	sor.u32 $0xA0, s4;
	v11 =	vor.u32 s21, v0;
	v10 =	vmulhi.u32 $0x51EB851F, v9;
	v2 =	vshrl.u32 v2, $0x6  }
0xb: {  	s25 =	sor.u32 $0xB0, s4;
	v13 =	vor.u32 s24, v0;
	v12 =	vmulhi.u32 $0x51EB851F, v11;
	v2 =	vmul.u32 $0xC8, v2  }
0xc: {  	v15 =	vor.u32 s25, v0;
	v14 =	vmulhi.u32 $0x51EB851F, v13;
	v4 =	vshrl.u32 v4, $0x6  }
0xd: {  	s26 =	sor.u32 $0xC0, s4;
	v1 =	vsub.s32 v1, v2;
	v2 =	vmul.u32 $0xC8, v4;
	v4 =	vmulhi.u32 $0x51EB851F, v7  }
0xe: {  	v17 =	vor.u32 s26, v0;
	v16 =	vmulhi.u32 $0x51EB851F, v15;
	v6 =	vshrl.u32 v6, $0x6  }
0xf: {  	s18 =	sor.u32 $0x40, s4;
	v2 =	vsub.s32 v3, v2;
	v3 =	vmul.u32 $0xC8, v6;
	v4 =	vshrl.u32 v4, $0x6  }
0x10: {  	s2 =	sor.u32 $0xD0, s4;
	v18 =	vmulhi.u32 $0x51EB851F, v17;
	v6 =	vor.u32 s18, v0;
	v4 =	vmul.u32 $0xC8, v4  }
0x11: {  	s9 =	sor.u32 $0x110, s4;
	v19 =	vor.u32 s2, v0;
	v3 =	vsub.s32 v5, v3;
	v5 =	vmulhi.u32 $0x51EB851F, v6  }
0x12: {  	s10 =	sor.u32 $0x120, s4;
	v21 =	vor.u32 s9, v0;
	v4 =	vsub.s32 v7, v4;
	v7 =	vmulhi.u32 $0x51EB851F, v8  }
0x13: {  	v23 =	vor.u32 s10, v0;
	v22 =	vmulhi.u32 $0x51EB851F, v21;
	v5 =	vshrl.u32 v5, $0x6  }
0x14: {  	s15 =	sor.u32 $0x170, s4;
	s16 =	sor.u32 $0x180, s4;
	v24 =	vmulhi.u32 $0x51EB851F, v23;
	v5 =	vmul.u32 $0xC8, v5;
	v7 =	vshrl.u32 v7, $0x6  }
0x15: {  	v27 =	vor.u32 s15, v0;
	v29 =	vor.u32 s16, v0;
	v7 =	vmul.u32 $0xC8, v7  }
0x16: {  	v28 =	vmulhi.u32 $0x51EB851F, v27;
	v5 =	vsub.s32 v6, v5;
	v6 =	vshrl.u32 v10, $0x6  }
0x17: {  	s11 =	sor.u32 $0x130, s4;
	v10 =	vshrl.u32 v12, $0x6;
	v7 =	vsub.s32 v8, v7;
	v8 =	vmul.u32 $0xC8, v6  }
0x18: {  	s22 =	sor.u32 $0x80, s4;
	v25 =	vor.u32 s11, v0;
	v30 =	vmulhi.u32 $0x51EB851F, v29;
	v10 =	vmul.u32 $0xC8, v10  }
0x19: {  	s23 =	sor.u32 $0x90, s4;
	v12 =	vor.u32 s22, v0;
	v6 =	vshll.u32 v7, $0x2;
	v7 =	vsub.s32 v9, v8  }
0x1a: {  	s18 =	sor.u32 $0x1C0, s4;
	v8 =	vsub.s32 v11, v10;
	v9 =	vmulhi.u32 $0x51EB851F, v12;
	v10 =	vor.u32 s23, v0  }
0x1b: {  	v1 =	vshll.u32 v1, $0x2;
	v32 =	vor.u32 s18, v0;
	v11 =	vmulhi.u32 $0x51EB851F, v10  }
0x1c: {  	v2 =	vshll.u32 v2, $0x2;
	v33 =	vmulhi.u32 $0x51EB851F, v32;
	v9 =	vshrl.u32 v9, $0x6  }
0x1d: {  	v3 =	vshll.u32 v3, $0x2;
	s23 =	sor.u32 $0x1E0, s4;
	v9 =	vmul.u32 $0xC8, v9;
	v11 =	vshrl.u32 v11, $0x6  }
0x1e: {  	v4 =	vshll.u32 v4, $0x2;
	v61 =	vor.u32 s23, v0;
	v11 =	vmul.u32 $0xC8, v11  }
0x1f: {  	v34 =	vmulhi.u32 $0x51EB851F, v61;
	v9 =	vsub.s32 v12, v9;
	v12 =	vshrl.u32 v14, $0x6  }
0x20: {  	s6 =	sor.u32 $0xE0, s4;
	v14 =	vmulhi.u32 $0x51EB851F, v19;
	v10 =	vsub.s32 v10, v11;
	v11 =	vmul.u32 $0xC8, v12  }
0x21: {  	v12 =	vshrl.u32 v16, $0x6;
	v16 =	vshrl.u32 v18, $0x6;
	v18 =	vor.u32 s6, v0  }
0x22: {  	v12 =	vmul.u32 $0xC8, v12;
	v14 =	vshrl.u32 v14, $0x6;
	v16 =	vmul.u32 $0xC8, v16  }
0x23: {  	s7 =	sor.u32 $0xF0, s4;
	v14 =	vmul.u32 $0xC8, v14;
	v11 =	vsub.s32 v13, v11;
	v13 =	vmulhi.u32 $0x51EB851F, v18  }
0x24: {  	v12 =	vsub.s32 v15, v12;
	v15 =	vsub.s32 v17, v16;
	v16 =	vor.u32 s7, v0  }
0x25: {  	s8 =	sor.u32 $0x100, s4;
	v5 =	vshll.u32 v5, $0x2;
	v7 =	vshll.u32 v7, $0x2;
	v17 =	vmulhi.u32 $0x51EB851F, v16  }
0x26: {  	v14 =	vsub.s32 v19, v14;
	v13 =	vshrl.u32 v13, $0x6;
	v19 =	vor.u32 s8, v0  }
0x27: {  	v13 =	vmul.u32 $0xC8, v13;
	v20 =	vmulhi.u32 $0x51EB851F, v19;
	v17 =	vshrl.u32 v17, $0x6  }
0x28: {  	v8 =	vshll.u32 v8, $0x2;
	v34 =	vshrl.u32 v34, $0x6;
	v17 =	vmul.u32 $0xC8, v17  }
0x29: {  	v18 =	vsub.s32 v18, v13;
	v13 =	vshrl.u32 v20, $0x6;
	v20 =	vmulhi.u32 $0x51EB851F, v25  }
0x2a: {  	v9 =	vshll.u32 v9, $0x2;
	v13 =	vmul.u32 $0xC8, v13;
	v16 =	vsub.s32 v16, v17  }
0x2b: {  	s12 =	sor.u32 $0x140, s4;
	v17 =	vshrl.u32 v22, $0x6;
	v22 =	vshrl.u32 v24, $0x6;
	v20 =	vshrl.u32 v20, $0x6  }
0x2c: {  	v24 =	vor.u32 s12, v0;
	v17 =	vmul.u32 $0xC8, v17;
	v22 =	vmul.u32 $0xC8, v22  }
0x2d: {  	s13 =	sor.u32 $0x150, s4;
	v20 =	vmul.u32 $0xC8, v20;
	v19 =	vsub.s32 v19, v13;
	v13 =	vmulhi.u32 $0x51EB851F, v24  }
0x2e: {  	s14 =	sor.u32 $0x160, s4;
	v21 =	vsub.s32 v21, v17;
	v22 =	vsub.s32 v23, v22;
	v17 =	vor.u32 s13, v0  }
0x2f: {  	v20 =	vsub.s32 v25, v20;
	v25 =	vor.u32 s14, v0;
	v23 =	vmulhi.u32 $0x51EB851F, v17  }
0x30: {  	v10 =	vshll.u32 v10, $0x2;
	v13 =	vshrl.u32 v13, $0x6;
	v26 =	vmulhi.u32 $0x51EB851F, v25  }
0x31: {  	v11 =	vshll.u32 v11, $0x2;
	v13 =	vmul.u32 $0xC8, v13;
	v23 =	vshrl.u32 v23, $0x6  }
0x32: {  	s28 =	simm.s32 $0x5;
	v12 =	vshll.u32 v12, $0x2;
	v26 =	vshrl.u32 v26, $0x6;
	v23 =	vmul.u32 $0xC8, v23  }
0x33: {  	s29 =	simm.s32 $0x6;
	s30 =	simm.s32 $0x7;
	s5 =	smul.u32 $0x320000, s5;
	v24 =	vsub.s32 v24, v13;
	v13 =	vmul.u32 $0xC8, v26;
	v26 =	vshrl.u32 v28, $0x6  }
0x34: {  	s31 =	simm.s32 $0x8;
	s1 =	rddreg [dreg:$0x2];
	s2 =	sor.u32 $0x190, s4;
	v23 =	vsub.s32 v17, v23;
	v17 =	vmul.u32 $0xC8, v26;
	v26 =	vshrl.u32 v30, $0x6  }
0x35: {  	p0 =	sne.s32 s0, $0x0;
	s5 =	sshrl.u32 s5, $0x3;
	s7 =	sor.u32 $0x1A0, s4;
	v25 =	vsub.s32 v25, v13;
	v13 =	vmul.u32 $0xC8, v26;
	v26 =	vor.u32 s2, v0  }
0x36: {  	s10 =	rddreg [dreg:$0x1];
	s17 =	sor.u32 $0x1B0, s4;
	s9 =	ssub.s32 $0x2, s3;
	v28 =	vor.u32 s7, v0;
	v27 =	vsub.s32 v27, v17;
	v17 =	vmulhi.u32 $0x51EB851F, v26  }
0x37: {  	s11 =	smul.u32 $0x640000, s0;
	s20 =	sshrl.u32 s9, $0x1;
	s24 =	sadd.s32 s10, s5;
	v30 =	vor.u32 s17, v0;
	v29 =	vsub.s32 v29, v13;
	v13 =	vmulhi.u32 $0x51EB851F, v28  }
0x38: {  	s22 =	sor.u32 $0x1D0, s4;
	s8 =	sshrl.u32 s4, $0x3;
	s4 =	sor.u32 $0x1F0, s4;
	v14 =	vshll.u32 v14, $0x2;
	v31 =	vmulhi.u32 $0x51EB851F, v30;
	v17 =	vshrl.u32 v17, $0x6  }
0x39: {  	s15 =	smul.u32 $0xC800, s0;
	s16 =	simm.s32 $0x7D00;
	s9 =	ssub.s32 s9, s20;
	v62 =	vor.u32 s4, v0;
	v17 =	vmul.u32 $0xC8, v17;
	v13 =	vshrl.u32 v13, $0x6  }
0x3a: {  	s5 =	sadd.s32 $0x62000, s24;
	s20 =	simm.s32 $0xFD00;
	s9 =	smax.u32 s9, $0x1;
	v35 =	vmulhi.u32 $0x51EB851F, v62;
	v31 =	vshrl.u32 v31, $0x6;
	v13 =	vmul.u32 $0xC8, v13  }
0x3b: {  	s18 =	simm.s32 $0xBD00;
	s6 =	rddreg [dreg:$0x0];
	s12 =	smul.u32 $0x320000, s3;
	v26 =	vsub.s32 v26, v17;
	v17 =	vmul.u32 $0xC8, v31;
	v31 =	vshrl.u32 v33, $0x6  }
0x3c: {  	s23 =	simm.s32 $0x1;
	s19 =	sadd.s32 s8, s6;
	v35 =	vshrl.u32 v35, $0x6;
	s13 =	smul.u32 $0xC8000, s0;
	v28 =	vsub.s32 v28, v13;
	v13 =	vmul.u32 $0xC8, v31  }
0x3d: {  	s6 =	sadd.s32 $0x19A00, s6;
	s8 =	sadd.s32 $0x63800, s24;
	v35 =	vmul.u32 $0xC8, v35;
	v16 =	vshll.u32 v16, $0x2;
	s14 =	smul.u32 $0x64000, s3;
	v31 =	vor.u32 s22, v0  }
0x3e: {  	s21 =	sadd.s32 $0xA00, s19;
	s11 =	sadd.s32 s12, s11;
	s3 =	smul.u32 $0x6400, s3;
	v30 =	vsub.s32 v30, v17;
	v17 =	vmulhi.u32 $0x51EB851F, v31;
	v32 =	vsub.s32 v32, v13  }
0x3f: {  	s11 =	sshrl.u32 s11, $0x3;
	s0 =	simm.s32 $0x0;
	s25 =	sadd.s32 s13, s10;
	v13 =	vshll.u32 v15, $0x2;
	v15 =	vshll.u32 v18, $0x2;
	v18 =	vmul.u32 $0xC8, v34  }
0x40: {  	v63 =	vsub.s32 v62, v35;
	v20 =	vshll.u32 v20, $0x2;
	s26 =	sadd.s32 s3, s15;
	s3 =	sadd.s32 s11, s10;
	s2 =	simm.s32 $0x0;
	v17 =	vshrl.u32 v17, $0x6  }
0x41: {  	s13 =	simm.s32 $0x9;
	s15 =	simm.s32 $0x80;
	[smem:$0x7FF] =	sst s2;
	v26 =	vshll.u32 v26, $0x2;
	v17 =	vmul.u32 $0xC8, v17;
	v33 =	vsub.s32 v61, v18  }
0x42: {  	s12 =	sadd.s32 s14, s25;
	_ =	strace $0x80000047;
	[dreg:$0x5] =	wrdreg s6;
	v18 =	vshll.u32 v21, $0x2;
	v21 =	vshll.u32 v24, $0x2;
	v24 =	vshll.u32 v27, $0x2  }
0x43: {  	s14 =	sshrl.u32 @!p0 s1, $0x3;
	s25 =	simm.s32 $0x3;
	[dreg:$0x6] =	wrdreg s21;
	v27 =	vshll.u32 v28, $0x2;
	v28 =	vshll.u32 v30, $0x2;
	v31 =	vsub.s32 v31, v17  }
0x44: {  	s7 =	sadd.s32 $0x63000, s24;
	s19 =	sadd.s32 $0x1800, s12;
	[dreg:$0x7] =	wrdreg s5;
	v17 =	vshll.u32 v19, $0x2;
	v19 =	vshll.u32 v22, $0x2;
	v22 =	vshll.u32 v23, $0x2  }
0x45: {  	s12 =	simm.s32 $0x1900;
	s6 =	sadd.s32 $0x62800, s24;
	[dreg:$0x4] =	wrdreg s26;
	v23 =	vshll.u32 v25, $0x2;
	v25 =	vshll.u32 v29, $0x2;
	v29 =	vshll.u32 v32, $0x2  }
0x46: {  	s24 =	simm.s32 $0x2;
	s26 =	simm.s32 $0x4;
	s22 =	simm.s32 $0x13D00;
	v32 =	vshll.u32 v63, $0x2;
	v30 =	vshll.u32 v31, $0x2;
	v31 =	vshll.u32 v33, $0x2  }
.LBB2_1:
0x47: {  	s4 =	rddreg [dreg:$0x6]  }
0x48: {  	[tilespmem:s12], [sflag:$0x9] =	stream.linear.gather [hbm4b:s4+s2], $0x6400, $0x38;
	[tilespmem:$0x17D00] =	vst v63  }
0x49: {  	_ =	swait.ge [sflag:s13], $0x6400  }
0x4a: {  	[sflag:s13] =	ssyncset.done $0x0  }
0x4b: {  	s4 =	simm.s32 @!p0 $0x1C09;
	s5 =	rddreg [dreg:$0x5];
	[sflag:s13] =	ssyncadd.s32 $0xFFFF9C00  }
0x4c: {  	[spmem:s14], [sflag:s4] =	dma.local @!p0 [hbm:s5], $0x3200  }
0x4d: {  	s4 =	simm.s32 @!p0 $0x9  }
0x4e: {  	_ =	swait.ge @!p0 [sflag:s4], $0x3200  }
0x4f: {  	[sflag:s4] =	ssyncset.done @!p0 $0x0  }
0x50: {  	[sflag:s4] =	ssyncadd.s32 @!p0 $0xFFFFCE00  }
0x51: {  	[bflag:$0x0] =	sbarrier.arrive $0xFFFF  }
0x52: {  	v33 =	vld [tilespmem:$0x1900]  }
0x53: {  	v34 =	vld [tilespmem:$0x1910]  }
0x54: {  	v35 =	vld [tilespmem:$0x1920]  }
0x55: {  	v36 =	vld [tilespmem:$0x1930]  }
0x56: {  	v37 =	vld [tilespmem:$0x1940]  }
0x57: {  	v38 =	vld [tilespmem:$0x1950];
	v33 =	vadd.s32 v1, v33  }
0x58: {  	v61 =	vld [tilespmem:$0x1960];
	v60 =	vadd.s32 v2, v34;
	[tilespmem:$0x1900] =	vst v33  }
0x59: {  	v63 =	vld [tilespmem:$0x1970];
	v62 =	vadd.s32 v3, v35;
	[tilespmem:$0x1910] =	vst v60  }
0x5a: {  	v36 =	vadd.s32 v4, v36;
	[tilespmem:$0x1920] =	vst v62  }
0x5b: {  	v39 =	vadd.s32 v5, v37;
	[tilespmem:$0x1930] =	vst v36  }
0x5c: {  	v40 =	vadd.s32 v6, v38;
	[tilespmem:$0x1940] =	vst v39  }
0x5d: {  	v41 =	vadd.s32 v7, v61;
	[tilespmem:$0x1950] =	vst v40  }
0x5e: {  	v42 =	vadd.s32 v8, v63;
	[tilespmem:$0x1960] =	vst v41  }
0x5f: {  	[tilespmem:$0x1970] =	vst v42  }
0x60: {  	[tilespmem:s16], [sflag:$0x1] =	stream.indirect.gather [spmem:s1], $0x80, s12, s15, $0xb8;
	[tilespmem:$0x17D00] =	vst v63  }
0x61: {  	v43 =	vld [tilespmem:$0x1980]  }
0x62: {  	v44 =	vld [tilespmem:$0x1990]  }
0x63: {  	v45 =	vld [tilespmem:$0x19A0]  }
0x64: {  	v46 =	vld [tilespmem:$0x19B0]  }
0x65: {  	v47 =	vld [tilespmem:$0x19C0]  }
0x66: {  	v48 =	vld [tilespmem:$0x19D0];
	v33 =	vadd.s32 v9, v43  }
0x67: {  	v50 =	vld [tilespmem:$0x19E0];
	v49 =	vadd.s32 v10, v44;
	[tilespmem:$0x1980] =	vst v33  }
0x68: {  	v52 =	vld [tilespmem:$0x19F0];
	v51 =	vadd.s32 v11, v45;
	[tilespmem:$0x1990] =	vst v49  }
0x69: {  	v53 =	vadd.s32 v12, v46;
	[tilespmem:$0x19A0] =	vst v51  }
0x6a: {  	v54 =	vadd.s32 v13, v47;
	[tilespmem:$0x19B0] =	vst v53  }
0x6b: {  	v55 =	vadd.s32 v14, v48;
	[tilespmem:$0x19C0] =	vst v54  }
0x6c: {  	v56 =	vadd.s32 v15, v50;
	[tilespmem:$0x19D0] =	vst v55  }
0x6d: {  	v57 =	vadd.s32 v16, v52;
	[tilespmem:$0x19E0] =	vst v56  }
0x6e: {  	s11 =	simm.s32 $0x1980;
	[tilespmem:$0x19F0] =	vst v57  }
0x6f: {  	[tilespmem:s18], [sflag:$0x2] =	stream.indirect.gather [spmem:s1], $0x80, s11, s15, $0xb8;
	[tilespmem:$0x17D00] =	vst v63  }
0x70: {  	v58 =	vld [tilespmem:$0x1A00]  }
0x71: {  	v59 =	vld [tilespmem:$0x1A10]  }
0x72: {  	v60 =	vld [tilespmem:$0x1A20]  }
0x73: {  	v61 =	vld [tilespmem:$0x1A30]  }
0x74: {  	v62 =	vld [tilespmem:$0x1A40]  }
0x75: {  	v63 =	vld [tilespmem:$0x1A50];
	v33 =	vadd.s32 v17, v58  }
0x76: {  	v41 =	vld [tilespmem:$0x1A60];
	v40 =	vadd.s32 v18, v59;
	[tilespmem:$0x1A00] =	vst v33  }
0x77: {  	v43 =	vld [tilespmem:$0x1A70];
	v42 =	vadd.s32 v19, v60;
	[tilespmem:$0x1A10] =	vst v40  }
0x78: {  	v44 =	vadd.s32 v20, v61;
	[tilespmem:$0x1A20] =	vst v42  }
0x79: {  	v45 =	vadd.s32 v21, v62;
	[tilespmem:$0x1A30] =	vst v44  }
0x7a: {  	v46 =	vadd.s32 v22, v63;
	[tilespmem:$0x1A40] =	vst v45  }
0x7b: {  	v47 =	vadd.s32 v23, v41;
	[tilespmem:$0x1A50] =	vst v46  }
0x7c: {  	v48 =	vadd.s32 v24, v43;
	[tilespmem:$0x1A60] =	vst v47  }
0x7d: {  	s17 =	simm.s32 $0x1A00;
	[tilespmem:$0x1A70] =	vst v48  }
0x7e: {  	[tilespmem:s20], [sflag:$0x3] =	stream.indirect.gather [spmem:s1], $0x80, s17, s15, $0xb8;
	[tilespmem:$0x17D00] =	vst v63  }
0x7f: {  	v49 =	vld [tilespmem:$0x1A80]  }
0x80: {  	v50 =	vld [tilespmem:$0x1A90]  }
0x81: {  	v51 =	vld [tilespmem:$0x1AA0]  }
0x82: {  	v52 =	vld [tilespmem:$0x1AB0]  }
0x83: {  	v53 =	vld [tilespmem:$0x1AC0]  }
0x84: {  	v54 =	vld [tilespmem:$0x1AD0];
	v33 =	vadd.s32 v25, v49  }
0x85: {  	v56 =	vld [tilespmem:$0x1AE0];
	v55 =	vadd.s32 v26, v50;
	[tilespmem:$0x1A80] =	vst v33  }
0x86: {  	v58 =	vld [tilespmem:$0x1AF0];
	v57 =	vadd.s32 v27, v51;
	[tilespmem:$0x1A90] =	vst v55  }
0x87: {  	v59 =	vadd.s32 v28, v52;
	[tilespmem:$0x1AA0] =	vst v57  }
0x88: {  	v60 =	vadd.s32 v29, v53;
	[tilespmem:$0x1AB0] =	vst v59  }
0x89: {  	v61 =	vadd.s32 v30, v54;
	[tilespmem:$0x1AC0] =	vst v60  }
0x8a: {  	v62 =	vadd.s32 v31, v56;
	[tilespmem:$0x1AD0] =	vst v61  }
0x8b: {  	v63 =	vadd.s32 v32, v58;
	[tilespmem:$0x1AE0] =	vst v62  }
0x8c: {  	s21 =	simm.s32 $0x1A80;
	s10 =	smov.u32 s3;
	[tilespmem:$0x1AF0] =	vst v63  }
0x8d: {  	[tilespmem:s22], [sflag:$0x4] =	stream.indirect.gather [spmem:s1], $0x80, s21, s15, $0xb8;
	[tilespmem:$0x17D00] =	vst v63  }
0x8e: {  	s11 =	smov.u32 s19;
	s17 =	simm.s32 $0x1B00;
	s21 =	simm.s32 $0x0  }
.LBB2_2:
0x8f: {  	_ =	swait.ge [sflag:s23], $0x4000  }
0x90: {  	[sflag:s23] =	ssyncset.done $0x0  }
0x91: {  	[sflag:s23] =	ssyncadd.s32 $0xFFFFC000  }
0x92: {  	[hbm4b:s10+s2] =	stream.linear.scatter [tilespmem:s16], [sflag:$0x5], $0x4000, $0x38;
	[tilespmem:$0x17D00] =	vst v63  }
0x93: {  	_ =	swait.ge [sflag:s24], $0x4000  }
0x94: {  	[sflag:s24] =	ssyncset.done $0x0  }
0x95: {  	s4 =	sadd.s32 $0xFFFFF000, s11;
	[sflag:s24] =	ssyncadd.s32 $0xFFFFC000  }
0x96: {  	[hbm4b:s4+s2] =	stream.linear.scatter [tilespmem:s18], [sflag:$0x6], $0x4000, $0x38;
	[tilespmem:$0x17D00] =	vst v63  }
0x97: {  	_ =	swait.ge [sflag:s25], $0x4000  }
0x98: {  	[sflag:s25] =	ssyncset.done $0x0  }
0x99: {  	s5 =	sadd.s32 $0xFFFFF800, s11;
	[sflag:s25] =	ssyncadd.s32 $0xFFFFC000  }
0x9a: {  	[hbm4b:s5+s2] =	stream.linear.scatter [tilespmem:s20], [sflag:$0x7], $0x4000, $0x38;
	[tilespmem:$0x17D00] =	vst v63  }
0x9b: {  	_ =	swait.ge [sflag:s26], $0x4000  }
0x9c: {  	[sflag:s26] =	ssyncset.done $0x0  }
0x9d: {  	[sflag:s26] =	ssyncadd.s32 $0xFFFFC000  }
0x9e: {  	[hbm4b:s11+s2] =	stream.linear.scatter [tilespmem:s22], [sflag:$0x8], $0x4000, $0x38;
	[tilespmem:$0x17D00] =	vst v63  }
0x9f: {  	_ =	swait.ge [sflag:s28], $0x4000  }
0xa0: {  	s5 =	rddreg [dreg:$0x4]  }
0xa1: {  	s4 =	sadd.s32 s21, s5  }
0xa2: {  	s5 =	sadd.s32 $0x200, s4  }
0xa3: {  	v33 =	vor.u32 s5, v0  }
0xa4: {  	[sflag:s28] =	ssyncset.done $0x0;
	v34 =	vmulhi.u32 $0x51EB851F, v33  }
0xa5: {  	[sflag:s28] =	ssyncadd.s32 $0xFFFFC000  }
0xa6: {  	v35 =	vld [tilespmem:s17+$0x0];
	v34 =	vshrl.u32 v34, $0x6  }
0xa7: {  	s5 =	sadd.s32 $0x210, s4;
	v34 =	vmul.u32 $0xC8, v34  }
0xa8: {  	v55 =	vor.u32 s5, v0  }
0xa9: {  	v56 =	vmulhi.u32 $0x51EB851F, v55;
	v33 =	vsub.s32 v33, v34  }
0xaa: {  	v33 =	vshll.u32 v33, $0x2  }
0xab: {  	v58 =	vld [tilespmem:s17+$0x10];
	v57 =	vshrl.u32 v56, $0x6;
	v33 =	vadd.s32 v33, v35  }
0xac: {  	s5 =	sadd.s32 $0x220, s4;
	[tilespmem:s17+$0x0] =	vst v33;
	v33 =	vmul.u32 $0xC8, v57  }
0xad: {  	v59 =	vor.u32 s5, v0  }
0xae: {  	v60 =	vmulhi.u32 $0x51EB851F, v59;
	v33 =	vsub.s32 v55, v33  }
0xaf: {  	v33 =	vshll.u32 v33, $0x2  }
0xb0: {  	v62 =	vld [tilespmem:s17+$0x20];
	v61 =	vshrl.u32 v60, $0x6;
	v33 =	vadd.s32 v33, v58  }
0xb1: {  	s5 =	sadd.s32 $0x230, s4;
	[tilespmem:s17+$0x10] =	vst v33;
	v33 =	vmul.u32 $0xC8, v61  }
0xb2: {  	v63 =	vor.u32 s5, v0  }
0xb3: {  	v36 =	vmulhi.u32 $0x51EB851F, v63;
	v33 =	vsub.s32 v59, v33  }
0xb4: {  	v33 =	vshll.u32 v33, $0x2  }
0xb5: {  	v38 =	vld [tilespmem:s17+$0x30];
	v37 =	vshrl.u32 v36, $0x6;
	v33 =	vadd.s32 v33, v62  }
0xb6: {  	s5 =	sadd.s32 $0x240, s4;
	[tilespmem:s17+$0x20] =	vst v33;
	v33 =	vmul.u32 $0xC8, v37  }
0xb7: {  	v39 =	vor.u32 s5, v0  }
0xb8: {  	v40 =	vmulhi.u32 $0x51EB851F, v39;
	v33 =	vsub.s32 v63, v33  }
0xb9: {  	v33 =	vshll.u32 v33, $0x2  }
0xba: {  	v42 =	vld [tilespmem:s17+$0x40];
	v41 =	vshrl.u32 v40, $0x6;
	v33 =	vadd.s32 v33, v38  }
0xbb: {  	s5 =	sadd.s32 $0x250, s4;
	[tilespmem:s17+$0x30] =	vst v33;
	v33 =	vmul.u32 $0xC8, v41  }
0xbc: {  	v43 =	vor.u32 s5, v0  }
0xbd: {  	v44 =	vmulhi.u32 $0x51EB851F, v43;
	v33 =	vsub.s32 v39, v33  }
0xbe: {  	v33 =	vshll.u32 v33, $0x2  }
0xbf: {  	v46 =	vld [tilespmem:s17+$0x50];
	v45 =	vshrl.u32 v44, $0x6;
	v33 =	vadd.s32 v33, v42  }
0xc0: {  	s5 =	sadd.s32 $0x260, s4;
	[tilespmem:s17+$0x40] =	vst v33;
	v33 =	vmul.u32 $0xC8, v45  }
0xc1: {  	v47 =	vor.u32 s5, v0  }
0xc2: {  	v48 =	vmulhi.u32 $0x51EB851F, v47;
	v33 =	vsub.s32 v43, v33  }
0xc3: {  	v33 =	vshll.u32 v33, $0x2  }
0xc4: {  	v50 =	vld [tilespmem:s17+$0x60];
	v49 =	vshrl.u32 v48, $0x6;
	v33 =	vadd.s32 v33, v46  }
0xc5: {  	s5 =	sadd.s32 $0x270, s4;
	[tilespmem:s17+$0x50] =	vst v33;
	v33 =	vmul.u32 $0xC8, v49  }
0xc6: {  	v51 =	vor.u32 s5, v0  }
0xc7: {  	v52 =	vmulhi.u32 $0x51EB851F, v51;
	v33 =	vsub.s32 v47, v33  }
0xc8: {  	v33 =	vshll.u32 v33, $0x2  }
0xc9: {  	v54 =	vld [tilespmem:s17+$0x70];
	v53 =	vshrl.u32 v52, $0x6;
	v33 =	vadd.s32 v33, v50  }
0xca: {  	[tilespmem:s17+$0x60] =	vst v33;
	v33 =	vmul.u32 $0xC8, v53;
	_ =	sdelay $0x1  }
0xcb: {  	v33 =	vsub.s32 v51, v33  }
0xcc: {  	v33 =	vshll.u32 v33, $0x2  }
0xcd: {  	v33 =	vadd.s32 v33, v54  }
0xce: {  	s5 =	sadd.s32 $0x280, s4;
	[tilespmem:s17+$0x70] =	vst v33  }
0xcf: {  	[tilespmem:s16], [sflag:$0x1] =	stream.indirect.gather [spmem:s1], $0x80, s17, s15, $0xb8;
	[tilespmem:$0x17D00] =	vst v63  }
0xd0: {  	v55 =	vor.u32 s5, v0;
	_ =	swait.ge [sflag:s29], $0x4000  }
0xd1: {  	v56 =	vmulhi.u32 $0x51EB851F, v55;
	[sflag:s29] =	ssyncset.done $0x0  }
0xd2: {  	[sflag:s29] =	ssyncadd.s32 $0xFFFFC000  }
0xd3: {  	v34 =	vshrl.u32 v56, $0x6;
	v57 =	vld [tilespmem:s17+$0x80]  }
0xd4: {  	s5 =	sadd.s32 $0x290, s4;
	v34 =	vmul.u32 $0xC8, v34  }
0xd5: {  	v58 =	vor.u32 s5, v0  }
0xd6: {  	v59 =	vmulhi.u32 $0x51EB851F, v58;
	v33 =	vsub.s32 v55, v34  }
0xd7: {  	v33 =	vshll.u32 v33, $0x2  }
0xd8: {  	v60 =	vshrl.u32 v59, $0x6;
	v61 =	vld [tilespmem:s17+$0x90];
	v33 =	vadd.s32 v33, v57  }
0xd9: {  	s5 =	sadd.s32 $0x2A0, s4;
	[tilespmem:s17+$0x80] =	vst v33;
	v33 =	vmul.u32 $0xC8, v60  }
0xda: {  	v62 =	vor.u32 s5, v0  }
0xdb: {  	v63 =	vmulhi.u32 $0x51EB851F, v62;
	v33 =	vsub.s32 v58, v33  }
0xdc: {  	v33 =	vshll.u32 v33, $0x2  }
0xdd: {  	v36 =	vshrl.u32 v63, $0x6;
	v37 =	vld [tilespmem:s17+$0xA0];
	v33 =	vadd.s32 v33, v61  }
0xde: {  	s5 =	sadd.s32 $0x2B0, s4;
	[tilespmem:s17+$0x90] =	vst v33;
	v33 =	vmul.u32 $0xC8, v36  }
0xdf: {  	v38 =	vor.u32 s5, v0  }
0xe0: {  	v39 =	vmulhi.u32 $0x51EB851F, v38;
	v33 =	vsub.s32 v62, v33  }
0xe1: {  	v33 =	vshll.u32 v33, $0x2  }
0xe2: {  	v40 =	vshrl.u32 v39, $0x6;
	v41 =	vld [tilespmem:s17+$0xB0];
	v33 =	vadd.s32 v33, v37  }
0xe3: {  	s5 =	sadd.s32 $0x2C0, s4;
	[tilespmem:s17+$0xA0] =	vst v33;
	v33 =	vmul.u32 $0xC8, v40  }
0xe4: {  	v42 =	vor.u32 s5, v0  }
0xe5: {  	v43 =	vmulhi.u32 $0x51EB851F, v42;
	v33 =	vsub.s32 v38, v33  }
0xe6: {  	v33 =	vshll.u32 v33, $0x2  }
0xe7: {  	v44 =	vshrl.u32 v43, $0x6;
	v45 =	vld [tilespmem:s17+$0xC0];
	v33 =	vadd.s32 v33, v41  }
0xe8: {  	s5 =	sadd.s32 $0x2D0, s4;
	[tilespmem:s17+$0xB0] =	vst v33;
	v33 =	vmul.u32 $0xC8, v44  }
0xe9: {  	v46 =	vor.u32 s5, v0  }
0xea: {  	v47 =	vmulhi.u32 $0x51EB851F, v46;
	v33 =	vsub.s32 v42, v33  }
0xeb: {  	v33 =	vshll.u32 v33, $0x2  }
0xec: {  	v48 =	vshrl.u32 v47, $0x6;
	v49 =	vld [tilespmem:s17+$0xD0];
	v33 =	vadd.s32 v33, v45  }
0xed: {  	s5 =	sadd.s32 $0x2E0, s4;
	[tilespmem:s17+$0xC0] =	vst v33;
	v33 =	vmul.u32 $0xC8, v48  }
0xee: {  	v50 =	vor.u32 s5, v0  }
0xef: {  	v51 =	vmulhi.u32 $0x51EB851F, v50;
	v33 =	vsub.s32 v46, v33  }
0xf0: {  	v33 =	vshll.u32 v33, $0x2  }
0xf1: {  	v52 =	vshrl.u32 v51, $0x6;
	v53 =	vld [tilespmem:s17+$0xE0];
	v33 =	vadd.s32 v33, v49  }
0xf2: {  	s5 =	sadd.s32 $0x2F0, s4;
	[tilespmem:s17+$0xD0] =	vst v33;
	v33 =	vmul.u32 $0xC8, v52  }
0xf3: {  	v54 =	vor.u32 s5, v0  }
0xf4: {  	v55 =	vmulhi.u32 $0x51EB851F, v54;
	v33 =	vsub.s32 v50, v33  }
0xf5: {  	v33 =	vshll.u32 v33, $0x2  }
0xf6: {  	v56 =	vshrl.u32 v55, $0x6;
	v57 =	vld [tilespmem:s17+$0xF0];
	v33 =	vadd.s32 v33, v53  }
0xf7: {  	[tilespmem:s17+$0xE0] =	vst v33;
	v33 =	vmul.u32 $0xC8, v56;
	_ =	sdelay $0x1  }
0xf8: {  	v33 =	vsub.s32 v54, v33  }
0xf9: {  	v33 =	vshll.u32 v33, $0x2  }
0xfa: {  	v33 =	vadd.s32 v33, v57  }
0xfb: {  	s5 =	sadd.s32 $0x80, s17;
	[tilespmem:s17+$0xF0] =	vst v33  }
0xfc: {  	[tilespmem:s18], [sflag:$0x2] =	stream.indirect.gather [spmem:s1], $0x80, s5, s15, $0xb8;
	[tilespmem:$0x17D00] =	vst v63  }
0xfd: {  	s5 =	sadd.s32 $0x300, s4  }
0xfe: {  	_ =	swait.ge [sflag:s30], $0x4000;
	v58 =	vor.u32 s5, v0  }
0xff: {  	[sflag:s30] =	ssyncset.done $0x0;
	v59 =	vmulhi.u32 $0x51EB851F, v58  }
0x100: {  	[sflag:s30] =	ssyncadd.s32 $0xFFFFC000  }
0x101: {  	v34 =	vshrl.u32 v59, $0x6;
	v60 =	vld [tilespmem:s17+$0x100]  }
0x102: {  	s5 =	sadd.s32 $0x310, s4;
	v34 =	vmul.u32 $0xC8, v34  }
0x103: {  	v61 =	vor.u32 s5, v0  }
0x104: {  	v62 =	vmulhi.u32 $0x51EB851F, v61;
	v33 =	vsub.s32 v58, v34  }
0x105: {  	v33 =	vshll.u32 v33, $0x2  }
0x106: {  	v36 =	vld [tilespmem:s17+$0x110];
	v63 =	vshrl.u32 v62, $0x6;
	v33 =	vadd.s32 v33, v60  }
0x107: {  	s5 =	sadd.s32 $0x320, s4;
	[tilespmem:s17+$0x100] =	vst v33;
	v33 =	vmul.u32 $0xC8, v63  }
0x108: {  	v37 =	vor.u32 s5, v0  }
0x109: {  	v38 =	vmulhi.u32 $0x51EB851F, v37;
	v33 =	vsub.s32 v61, v33  }
0x10a: {  	v33 =	vshll.u32 v33, $0x2  }
0x10b: {  	v40 =	vld [tilespmem:s17+$0x120];
	v39 =	vshrl.u32 v38, $0x6;
	v33 =	vadd.s32 v33, v36  }
0x10c: {  	s5 =	sadd.s32 $0x330, s4;
	[tilespmem:s17+$0x110] =	vst v33;
	v33 =	vmul.u32 $0xC8, v39  }
0x10d: {  	v41 =	vor.u32 s5, v0  }
0x10e: {  	v42 =	vmulhi.u32 $0x51EB851F, v41;
	v33 =	vsub.s32 v37, v33  }
0x10f: {  	v33 =	vshll.u32 v33, $0x2  }
0x110: {  	v44 =	vld [tilespmem:s17+$0x130];
	v43 =	vshrl.u32 v42, $0x6;
	v33 =	vadd.s32 v33, v40  }
0x111: {  	s5 =	sadd.s32 $0x340, s4;
	[tilespmem:s17+$0x120] =	vst v33;
	v33 =	vmul.u32 $0xC8, v43  }
0x112: {  	v45 =	vor.u32 s5, v0  }
0x113: {  	v46 =	vmulhi.u32 $0x51EB851F, v45;
	v33 =	vsub.s32 v41, v33  }
0x114: {  	v33 =	vshll.u32 v33, $0x2  }
0x115: {  	v48 =	vld [tilespmem:s17+$0x140];
	v47 =	vshrl.u32 v46, $0x6;
	v33 =	vadd.s32 v33, v44  }
0x116: {  	s5 =	sadd.s32 $0x350, s4;
	[tilespmem:s17+$0x130] =	vst v33;
	v33 =	vmul.u32 $0xC8, v47  }
0x117: {  	v49 =	vor.u32 s5, v0  }
0x118: {  	v50 =	vmulhi.u32 $0x51EB851F, v49;
	v33 =	vsub.s32 v45, v33  }
0x119: {  	v33 =	vshll.u32 v33, $0x2  }
0x11a: {  	v52 =	vld [tilespmem:s17+$0x150];
	v51 =	vshrl.u32 v50, $0x6;
	v33 =	vadd.s32 v33, v48  }
0x11b: {  	s5 =	sadd.s32 $0x360, s4;
	[tilespmem:s17+$0x140] =	vst v33;
	v33 =	vmul.u32 $0xC8, v51  }
0x11c: {  	v53 =	vor.u32 s5, v0  }
0x11d: {  	v54 =	vmulhi.u32 $0x51EB851F, v53;
	v33 =	vsub.s32 v49, v33  }
0x11e: {  	v33 =	vshll.u32 v33, $0x2  }
0x11f: {  	v56 =	vld [tilespmem:s17+$0x160];
	v55 =	vshrl.u32 v54, $0x6;
	v33 =	vadd.s32 v33, v52  }
0x120: {  	s5 =	sadd.s32 $0x370, s4;
	[tilespmem:s17+$0x150] =	vst v33;
	v33 =	vmul.u32 $0xC8, v55  }
0x121: {  	v57 =	vor.u32 s5, v0  }
0x122: {  	v58 =	vmulhi.u32 $0x51EB851F, v57;
	v33 =	vsub.s32 v53, v33  }
0x123: {  	v33 =	vshll.u32 v33, $0x2  }
0x124: {  	v60 =	vld [tilespmem:s17+$0x170];
	v59 =	vshrl.u32 v58, $0x6;
	v33 =	vadd.s32 v33, v56  }
0x125: {  	[tilespmem:s17+$0x160] =	vst v33;
	v33 =	vmul.u32 $0xC8, v59;
	_ =	sdelay $0x1  }
0x126: {  	v33 =	vsub.s32 v57, v33  }
0x127: {  	v33 =	vshll.u32 v33, $0x2  }
0x128: {  	v33 =	vadd.s32 v33, v60  }
0x129: {  	s5 =	sadd.s32 $0x100, s17;
	[tilespmem:s17+$0x170] =	vst v33  }
0x12a: {  	[tilespmem:s20], [sflag:$0x3] =	stream.indirect.gather [spmem:s1], $0x80, s5, s15, $0xb8;
	[tilespmem:$0x17D00] =	vst v63  }
0x12b: {  	s5 =	sadd.s32 $0x380, s4  }
0x12c: {  	_ =	swait.ge [sflag:s31], $0x4000;
	v61 =	vor.u32 s5, v0  }
0x12d: {  	[sflag:s31] =	ssyncset.done $0x0;
	v62 =	vmulhi.u32 $0x51EB851F, v61  }
0x12e: {  	[sflag:s31] =	ssyncadd.s32 $0xFFFFC000  }
0x12f: {  	v34 =	vshrl.u32 v62, $0x6;
	v63 =	vld [tilespmem:s17+$0x180]  }
0x130: {  	s5 =	sadd.s32 $0x390, s4;
	v34 =	vmul.u32 $0xC8, v34  }
0x131: {  	v36 =	vor.u32 s5, v0  }
0x132: {  	v37 =	vmulhi.u32 $0x51EB851F, v36;
	v33 =	vsub.s32 v61, v34  }
0x133: {  	v33 =	vshll.u32 v33, $0x2  }
0x134: {  	v39 =	vld [tilespmem:s17+$0x190];
	v38 =	vshrl.u32 v37, $0x6;
	v33 =	vadd.s32 v33, v63  }
0x135: {  	s5 =	sadd.s32 $0x3A0, s4;
	[tilespmem:s17+$0x180] =	vst v33;
	v33 =	vmul.u32 $0xC8, v38  }
0x136: {  	v40 =	vor.u32 s5, v0  }
0x137: {  	v41 =	vmulhi.u32 $0x51EB851F, v40;
	v33 =	vsub.s32 v36, v33  }
0x138: {  	v33 =	vshll.u32 v33, $0x2  }
0x139: {  	v43 =	vld [tilespmem:s17+$0x1A0];
	v42 =	vshrl.u32 v41, $0x6;
	v33 =	vadd.s32 v33, v39  }
0x13a: {  	s5 =	sadd.s32 $0x3B0, s4;
	[tilespmem:s17+$0x190] =	vst v33;
	v33 =	vmul.u32 $0xC8, v42  }
0x13b: {  	v44 =	vor.u32 s5, v0  }
0x13c: {  	v45 =	vmulhi.u32 $0x51EB851F, v44;
	v33 =	vsub.s32 v40, v33  }
0x13d: {  	v33 =	vshll.u32 v33, $0x2  }
0x13e: {  	v47 =	vld [tilespmem:s17+$0x1B0];
	v46 =	vshrl.u32 v45, $0x6;
	v33 =	vadd.s32 v33, v43  }
0x13f: {  	s5 =	sadd.s32 $0x3C0, s4;
	[tilespmem:s17+$0x1A0] =	vst v33;
	v33 =	vmul.u32 $0xC8, v46  }
0x140: {  	v48 =	vor.u32 s5, v0  }
0x141: {  	v49 =	vmulhi.u32 $0x51EB851F, v48;
	v33 =	vsub.s32 v44, v33  }
0x142: {  	v33 =	vshll.u32 v33, $0x2  }
0x143: {  	v51 =	vld [tilespmem:s17+$0x1C0];
	v50 =	vshrl.u32 v49, $0x6;
	v33 =	vadd.s32 v33, v47  }
0x144: {  	s5 =	sadd.s32 $0x3D0, s4;
	[tilespmem:s17+$0x1B0] =	vst v33;
	v33 =	vmul.u32 $0xC8, v50  }
0x145: {  	v52 =	vor.u32 s5, v0  }
0x146: {  	v53 =	vmulhi.u32 $0x51EB851F, v52;
	v33 =	vsub.s32 v48, v33  }
0x147: {  	v33 =	vshll.u32 v33, $0x2  }
0x148: {  	v55 =	vld [tilespmem:s17+$0x1D0];
	v54 =	vshrl.u32 v53, $0x6;
	v33 =	vadd.s32 v33, v51  }
0x149: {  	s5 =	sadd.s32 $0x3E0, s4;
	[tilespmem:s17+$0x1C0] =	vst v33;
	v33 =	vmul.u32 $0xC8, v54  }
0x14a: {  	v56 =	vor.u32 s5, v0  }
0x14b: {  	v57 =	vmulhi.u32 $0x51EB851F, v56;
	v33 =	vsub.s32 v52, v33  }
0x14c: {  	v33 =	vshll.u32 v33, $0x2  }
0x14d: {  	v59 =	vld [tilespmem:s17+$0x1E0];
	v58 =	vshrl.u32 v57, $0x6;
	v33 =	vadd.s32 v33, v55  }
0x14e: {  	s4 =	sadd.s32 $0x3F0, s4;
	[tilespmem:s17+$0x1D0] =	vst v33;
	v33 =	vmul.u32 $0xC8, v58  }
0x14f: {  	v60 =	vor.u32 s4, v0  }
0x150: {  	v61 =	vmulhi.u32 $0x51EB851F, v60;
	v33 =	vsub.s32 v56, v33  }
0x151: {  	v33 =	vshll.u32 v33, $0x2  }
0x152: {  	v63 =	vld [tilespmem:s17+$0x1F0];
	v62 =	vshrl.u32 v61, $0x6;
	v33 =	vadd.s32 v33, v59  }
0x153: {  	[tilespmem:s17+$0x1E0] =	vst v33;
	v33 =	vmul.u32 $0xC8, v62  }
0x154: {  	p1 =	sne.s32 s21, $0x6000  }
.Ltmp0:
0x155: {  	v33 =	vsub.s32 v60, v33;
	(pc) =	sbr.rel @p1 .LBB2_2-.Ltmp0, $4  }
0x156: {  	v33 =	vshll.u32 v33, $0x2  }
0x157: {  	s10 =	sadd.s32 $0x2000, s10;
	s11 =	sadd.s32 $0x2000, s11;
	v33 =	vadd.s32 v33, v63  }
0x158: {  	s21 =	sadd.s32 $0x200, s21;
	s5 =	sadd.s32 $0x180, s17;
	[tilespmem:s17+$0x1F0] =	vst v33;
	s17 =	sadd.s32 $0x200, s17  }
0x159: {  	[tilespmem:s22], [sflag:$0x4] =	stream.indirect.gather [spmem:s1], $0x80, s5, s15, $0xb8;
	[tilespmem:$0x17D00] =	vst v63  }
0x15a: {  	_ =	swait.ge [sflag:s23], $0x4000  }
0x15b: {  	[sflag:s23] =	ssyncset.done $0x0  }
0x15c: {  	s4 =	rddreg [dreg:$0x7];
	[sflag:s23] =	ssyncadd.s32 $0xFFFFC000  }
0x15d: {  	[hbm4b:s4+s2] =	stream.linear.scatter [tilespmem:s16], [sflag:$0x5], $0x4000, $0x38;
	[tilespmem:$0x17D00] =	vst v63  }
0x15e: {  	_ =	swait.ge [sflag:s24], $0x4000  }
0x15f: {  	[sflag:s24] =	ssyncset.done $0x0  }
0x160: {  	[sflag:s24] =	ssyncadd.s32 $0xFFFFC000  }
0x161: {  	[hbm4b:s6+s2] =	stream.linear.scatter [tilespmem:s18], [sflag:$0x6], $0x4000, $0x38;
	[tilespmem:$0x17D00] =	vst v63  }
0x162: {  	_ =	swait.ge [sflag:s25], $0x4000  }
0x163: {  	[sflag:s25] =	ssyncset.done $0x0  }
0x164: {  	[sflag:s25] =	ssyncadd.s32 $0xFFFFC000  }
0x165: {  	[hbm4b:s7+s2] =	stream.linear.scatter [tilespmem:s20], [sflag:$0x7], $0x4000, $0x38;
	[tilespmem:$0x17D00] =	vst v63  }
0x166: {  	_ =	swait.ge [sflag:s26], $0x4000  }
0x167: {  	[sflag:s26] =	ssyncset.done $0x0  }
0x168: {  	[sflag:s26] =	ssyncadd.s32 $0xFFFFC000  }
0x169: {  	[hbm4b:s8+s2] =	stream.linear.scatter [tilespmem:s22], [sflag:$0x8], $0x4000, $0x38;
	[tilespmem:$0x17D00] =	vst v63  }
0x16a: {  	_ =	swait.ge [sflag:s28], $0x4000  }
0x16b: {  	[sflag:s28] =	ssyncset.done $0x0  }
0x16c: {  	[sflag:s28] =	ssyncadd.s32 $0xFFFFC000  }
0x16d: {  	_ =	swait.ge [sflag:s29], $0x4000  }
0x16e: {  	[sflag:s29] =	ssyncset.done $0x0  }
0x16f: {  	s0 =	sadd.s32 $0x1, s0;
	[sflag:s29] =	ssyncadd.s32 $0xFFFFC000  }
0x170: {  	p1 =	sne.s32 s0, s9;
	_ =	swait.ge [sflag:s30], $0x4000  }
.Ltmp1:
0x171: {  	[sflag:s30] =	ssyncset.done $0x0;
	(pc) =	sbr.rel @p1 .LBB2_1-.Ltmp1, $4  }
0x172: {  	[sflag:s30] =	ssyncadd.s32 $0xFFFFC000  }
0x173: {  	_ =	swait.ge [sflag:s31], $0x4000  }
0x174: {  	[sflag:s31] =	ssyncset.done $0x0  }
0x175: {  	[sflag:s31] =	ssyncadd.s32 $0xFFFFC000  }
0x176: {  	_ =	sfence.sel $0x180000  }
0x177: {  	[bflag:$0x0] =	sbarrier.arrive $0xFFFF  }
0x178: {  	_ =	strace $0x90000047  }
0x179: {  	[bflag:$0x2] =	sbarrier.arrive $0xFFFF  }
0x17a: {  	s0 =	rddreg [dreg:$0x3]  }
0x17b: {  	s0 =	sadd.s32 @!p0 $0x100000, s0  }
0x17c: {  	[sflag:s0] =	ssyncadd.tile.s32 @!p0 $0x1;
	_ =	shalt  }
.Lfunc_end2:
_tile_overlayer_lowered:
.L_overlay_start_2:
0x17d: {  	(tag) =	ssettag $0x2  }
0x17e: {  	s0 =	rddreg [dreg:$0x0];
	s2 =	stileid.u32  }
0x17f: {  	s1 =	rddreg [dreg:$0x1];
	p0 =	sne.s32 s2, $0x0  }
0x180: {  	s3 =	rddreg [dreg:$0x2];
	[bflag:$0x3] =	sbarrier.arrive $0xFFFF;
	s2 =	simm.s32 @!p0 $0x1C09  }
0x181: {  	[timem:s3], [sflag:s2] =	dma.local @!p0 [hbm:s0], s1  }
0x182: {  	s0 =	simm.s32 @!p0 $0x9  }
0x183: {  	_ =	swait.ge @!p0 [sflag:s0], s1  }
0x184: {  	s1 =	ssub.s32 @!p0 $0x0, s1;
	[sflag:s0] =	ssyncset.done @!p0 $0x0  }
0x185: {  	[sflag:s0] =	ssyncadd.s32 @!p0 s1  }
0x186: {  	[bflag:$0x3] =	sbarrier.arrive $0xFFFF  }
0x187: {  	_ =	shalt  }

</sc_bundles>
